<compile_context>
chip_gen: v7x
topology: tpu7x:2x2x1
jax: 0.10.2.dev20260603
libtpu: 0.0.44.dev20260713+nightly
codegen_flags: <defaults>
</compile_context>

<pallas_src>
import functools

import jax
import jax.numpy as jnp
from jax import lax
from jax.experimental import pallas as pl
from jax.experimental.pallas import tpu as pltpu
from jax.experimental.pallas import tpu_sc as plsc

NUM_CLASSES = 1000000
HIDDEN = 64
BATCH = 16384
VOCAB = NUM_CLASSES + 1

_NC, _NS = 2, 16
_NW = _NC * _NS
_B_PER_W = BATCH // _NW
_K = 8
_LANES = 16

_TILE_W = 128
_LAST_C = (VOCAB - 1) // _TILE_W
_TAIL_START = _LAST_C * _TILE_W
_TAIL_W = VOCAB - _TAIL_START


@functools.cache
def _build_sc_gather():
    mesh = plsc.VectorSubcoreMesh(core_axis_name="c", subcore_axis_name="s")

    @functools.partial(
        pl.kernel,
        mesh=mesh,
        out_type=jax.ShapeDtypeStruct((HIDDEN, BATCH), jnp.float32),
        scratch_types=[
            pltpu.VMEM((_B_PER_W + _LANES,), jnp.int32),
            pltpu.VMEM((_K, HIDDEN, _TILE_W), jnp.float32),
            pltpu.VMEM((HIDDEN, _TAIL_W), jnp.float32),
            pltpu.VMEM((HIDDEN, _B_PER_W), jnp.float32),
            pltpu.SemaphoreType.DMA,
            [pltpu.SemaphoreType.DMA] * _K,
        ],
        compiler_params=pltpu.CompilerParams(needs_layout_passes=False),
    )
    def _sc_gather(
        table_t, idx_hbm, out_t, lab_v, ring, tail_v, cols_v, lsem, sems
    ):
        wid = lax.axis_index("s") * _NC + lax.axis_index("c")
        base = wid * _B_PER_W
        pltpu.async_copy(idx_hbm.at[wid], lab_v.at[pl.ds(0, _B_PER_W)], lsem).wait()

        def read_label(i):
            return lab_v[pl.ds(i, _LANES)][0]
        pltpu.async_copy(
            table_t.at[:, pl.ds(_TAIL_START, _TAIL_W)], tail_v, lsem
        ).wait()

        def fetch(i, b):
            lbl = read_label(i)
            c_blk = jnp.minimum(lbl // _TILE_W, _LAST_C - 1)
            off = pl.multiple_of(c_blk * _TILE_W, _TILE_W)
            pltpu.make_async_copy(
                table_t.at[pl.ds(0, HIDDEN // 2), pl.ds(off, _TILE_W)],
                ring.at[b, pl.ds(0, HIDDEN // 2)],
                sems[b],
            ).start()
            pltpu.make_async_copy(
                table_t.at[pl.ds(HIDDEN // 2, HIDDEN // 2), pl.ds(off, _TILE_W)],
                ring.at[b, pl.ds(HIDDEN // 2, HIDDEN // 2)],
                sems[b],
            ).start()

        def extract(i, b):
            lbl = read_label(i)
            zeros = jnp.zeros((_LANES,), jnp.int32)
            lbl_v = zeros + lbl
            cm_v = lax.rem(lbl_v, _TILE_W)
            ct_v = jnp.maximum(lbl_v - _TAIL_START, 0)
            tail_m = lbl_v >= _TAIL_START
            i_v = zeros + i
            for k in range(HIDDEN // _LANES):
                d_v = lax.iota(jnp.int32, _LANES) + (k * _LANES)
                v_main = plsc.load_gather(ring.at[b], [d_v, cm_v])
                v_tail = plsc.load_gather(tail_v, [d_v, ct_v])
                v = jnp.where(tail_m, v_tail, v_main)
                plsc.store_scatter(cols_v, [d_v, i_v], v)

        for b in range(_K):
            fetch(b, b)

        n_groups = _B_PER_W // _K

        def body(g, carry):
            for b in range(_K):
                i = g * _K + b
                pltpu.make_async_copy(
                    table_t.at[:, pl.ds(0, _TILE_W)], ring.at[b], sems[b]
                ).wait()
                extract(i, b)

                @pl.when(g < n_groups - 1)
                def _():
                    fetch(i + _K, b)

            return carry

        lax.fori_loop(0, n_groups, body, 0)
        pltpu.sync_copy(cols_v, out_t.at[:, pl.ds(base, _B_PER_W)])

    return _sc_gather


def kernel(labels, embedding_table):
    idx = labels.astype(jnp.int32).reshape(_NW, _B_PER_W)
    out_t = _build_sc_gather()(embedding_table.T, idx)
    return out_t.T

# --- scband reference (transcript-rebuilt; emitter-appended) ---
"""Pipeline reference for scband-label-embedder-34986803593721 (READ-ONLY COPY).

The authoritative reference and input builder live on the scoring server;
editing this copy changes nothing except your own understanding.
"""

import jax, jax.numpy as jnp
import numpy as np

NUM_CLASSES = 1000000
HIDDEN_SIZE = 64
BATCH = 16384

def setup_inputs(seed: int = 0) -> dict:
    key = jax.random.key(seed)
    k_lbl, k_tab = jax.random.split(key)
    labels = jax.random.randint(k_lbl, (BATCH,), 0, NUM_CLASSES, dtype=jnp.int64 if jax.config.jax_enable_x64 else jnp.int32)
    embedding_table = jax.random.normal(k_tab, (NUM_CLASSES + 1, HIDDEN_SIZE), dtype=jnp.float32)
    return {"labels": labels, "embedding_table": embedding_table}

def reference(labels, embedding_table):
    # LabelEmbedder.forward: embeddings = self.embedding_table(labels)
    embeddings = jnp.take(embedding_table, labels, axis=0)
    return embeddings

if __name__ == "__main__":
    import jax
    _d = setup_inputs()
    print(jax.jit(kernel)(*tuple(_d.values())))

</pallas_src>

<mosaic_0001>
#map = affine_map<(d0, d1) -> (0, 0)>
module attributes {stable_mosaic.version = 14 : i64} {
  func.func @_sc_gather(%arg0: i32, %arg1: i32, %arg2: memref<64x1000001xf32, #tpu.memory_space<hbm>>, %arg3: memref<32x512xi32, #tpu.memory_space<hbm>>, %arg4: memref<64x16384xf32, #tpu.memory_space<hbm>>, %arg5: memref<528xi32, #tpu.memory_space<vmem>>, %arg6: memref<8x64x128xf32, #tpu.memory_space<vmem>>, %arg7: memref<64x65xf32, #tpu.memory_space<vmem>>, %arg8: memref<64x512xf32, #tpu.memory_space<vmem>>, %arg9: memref<!tpu.dma_semaphore, #tpu.memory_space<semaphore_mem>>, %arg10: memref<!tpu.dma_semaphore, #tpu.memory_space<semaphore_mem>>, %arg11: memref<!tpu.dma_semaphore, #tpu.memory_space<semaphore_mem>>, %arg12: memref<!tpu.dma_semaphore, #tpu.memory_space<semaphore_mem>>, %arg13: memref<!tpu.dma_semaphore, #tpu.memory_space<semaphore_mem>>, %arg14: memref<!tpu.dma_semaphore, #tpu.memory_space<semaphore_mem>>, %arg15: memref<!tpu.dma_semaphore, #tpu.memory_space<semaphore_mem>>, %arg16: memref<!tpu.dma_semaphore, #tpu.memory_space<semaphore_mem>>, %arg17: memref<!tpu.dma_semaphore, #tpu.memory_space<semaphore_mem>>) attributes {dimension_semantics = [#tpu.dimension_semantics<core_parallel>, #tpu.dimension_semantics<subcore_parallel>], iteration_bounds = array<i64: 2, 16>, scalar_prefetch = 0 : i64, scratch_operands = 13 : i64, tpu.core_type = #tpu.core_type<sc_vector_subcore>, window_params = [{transform_indices = #map}, {transform_indices = #map}, {transform_indices = #map}]} {
    %mul3A = arith.constant 2 : i32
    %mul3A_0 = arith.muli %arg1, %mul3A : i32
    %add3A = arith.addi %mul3A_0, %arg0 : i32
    %mul3A_1 = arith.constant 512 : i32
    %mul3A_2 = arith.muli %add3A, %mul3A_1 : i32
    %dma_start3A = arith.constant 0 : i32
    %dma_start3A_3 = tpu.memref_slice %arg5[%dma_start3A] : memref<528xi32, #tpu.memory_space<vmem>> -> memref<512xi32, #tpu.memory_space<vmem>>
    %dma_start3A_4 = arith.constant 0 : i32
    %dma_start3A_5 = tpu.memref_slice %arg3[%add3A, %dma_start3A_4] : memref<32x512xi32, #tpu.memory_space<hbm>> -> memref<1x512xi32, #tpu.memory_space<hbm>>
    %dma_start3A_6 = tpu.memref_squeeze %dma_start3A_5 : memref<1x512xi32, #tpu.memory_space<hbm>> -> memref<512xi32, #tpu.memory_space<hbm>>
    %dma_start3A_7 = arith.constant 0 : i32
    %dma_start3A_8 = tpu.memref_slice %arg5[%dma_start3A_7] : memref<528xi32, #tpu.memory_space<vmem>> -> memref<512xi32, #tpu.memory_space<vmem>>
    %dma_start3A_9 = arith.constant 0 : i32
    %dma_start3A_10 = tpu.memref_slice %arg3[%add3A, %dma_start3A_9] : memref<32x512xi32, #tpu.memory_space<hbm>> -> memref<1x512xi32, #tpu.memory_space<hbm>>
    %dma_start3A_11 = tpu.memref_squeeze %dma_start3A_10 : memref<1x512xi32, #tpu.memory_space<hbm>> -> memref<512xi32, #tpu.memory_space<hbm>>
    tpu.enqueue_dma source(%dma_start3A_11 : memref<512xi32, #tpu.memory_space<hbm>>) target(%dma_start3A_8 : memref<512xi32, #tpu.memory_space<vmem>>) target_semaphore(%arg9 : memref<!tpu.dma_semaphore, #tpu.memory_space<semaphore_mem>>)
    %dma_wait3A = arith.constant 0 : i32
    %dma_wait3A_12 = tpu.memref_slice %arg5[%dma_wait3A] : memref<528xi32, #tpu.memory_space<vmem>> -> memref<512xi32, #tpu.memory_space<vmem>>
    %dma_wait3A_13 = arith.constant 0 : i32
    %dma_wait3A_14 = tpu.memref_slice %arg3[%add3A, %dma_wait3A_13] : memref<32x512xi32, #tpu.memory_space<hbm>> -> memref<1x512xi32, #tpu.memory_space<hbm>>
    %dma_wait3A_15 = tpu.memref_squeeze %dma_wait3A_14 : memref<1x512xi32, #tpu.memory_space<hbm>> -> memref<512xi32, #tpu.memory_space<hbm>>
    %dma_wait3A_16 = arith.constant 0 : i32
    %dma_wait3A_17 = tpu.memref_slice %arg5[%dma_wait3A_16] : memref<528xi32, #tpu.memory_space<vmem>> -> memref<512xi32, #tpu.memory_space<vmem>>
    %dma_wait3A_18 = arith.constant 0 : i32
    %dma_wait3A_19 = tpu.memref_slice %arg3[%add3A, %dma_wait3A_18] : memref<32x512xi32, #tpu.memory_space<hbm>> -> memref<1x512xi32, #tpu.memory_space<hbm>>
    %dma_wait3A_20 = tpu.memref_squeeze %dma_wait3A_19 : memref<1x512xi32, #tpu.memory_space<hbm>> -> memref<512xi32, #tpu.memory_space<hbm>>
    tpu.wait_dma2 semaphore(%arg9 : memref<!tpu.dma_semaphore, #tpu.memory_space<semaphore_mem>>) src(%dma_wait3A_20 : memref<512xi32, #tpu.memory_space<hbm>>) dst(%dma_wait3A_17 : memref<512xi32, #tpu.memory_space<vmem>>)
    %dma_start3A_21 = arith.constant 0 : i32
    %dma_start3A_22 = arith.constant 999936 : i32
    %dma_start3A_23 = tpu.memref_slice %arg2[%dma_start3A_21, %dma_start3A_22] : memref<64x1000001xf32, #tpu.memory_space<hbm>> -> memref<64x65xf32, #tpu.memory_space<hbm>>
    %dma_start3A_24 = arith.constant 0 : i32
    %dma_start3A_25 = arith.constant 999936 : i32
    %dma_start3A_26 = tpu.memref_slice %arg2[%dma_start3A_24, %dma_start3A_25] : memref<64x1000001xf32, #tpu.memory_space<hbm>> -> memref<64x65xf32, #tpu.memory_space<hbm>>
    tpu.enqueue_dma source(%dma_start3A_26 : memref<64x65xf32, #tpu.memory_space<hbm>>) target(%arg7 : memref<64x65xf32, #tpu.memory_space<vmem>>) target_semaphore(%arg9 : memref<!tpu.dma_semaphore, #tpu.memory_space<semaphore_mem>>)
    %dma_wait3A_27 = arith.constant 0 : i32
    %dma_wait3A_28 = arith.constant 999936 : i32
    %dma_wait3A_29 = tpu.memref_slice %arg2[%dma_wait3A_27, %dma_wait3A_28] : memref<64x1000001xf32, #tpu.memory_space<hbm>> -> memref<64x65xf32, #tpu.memory_space<hbm>>
    %dma_wait3A_30 = arith.constant 0 : i32
    %dma_wait3A_31 = arith.constant 999936 : i32
    %dma_wait3A_32 = tpu.memref_slice %arg2[%dma_wait3A_30, %dma_wait3A_31] : memref<64x1000001xf32, #tpu.memory_space<hbm>> -> memref<64x65xf32, #tpu.memory_space<hbm>>
    tpu.wait_dma2 semaphore(%arg9 : memref<!tpu.dma_semaphore, #tpu.memory_space<semaphore_mem>>) src(%dma_wait3A_32 : memref<64x65xf32, #tpu.memory_space<hbm>>) dst(%arg7 : memref<64x65xf32, #tpu.memory_space<vmem>>)
    %get3A = arith.constant 0 : index
    %get3A_33 = tpu.vector_load %arg5[%get3A] {strides = array<i32>} : memref<528xi32, #tpu.memory_space<vmem>>, vector<16xi32>,
    %slice3A = vector.extract_strided_slice %get3A_33 {offsets = [0], sizes = [1], strides = [1]} : vector<16xi32> to vector<1xi32>
    %squeeze3A = vector.extract %slice3A[0] : i32 from vector<1xi32>
    %jit3A = arith.constant 128 : i32
    %div3A = arith.divsi %squeeze3A, %jit3A : i32
    %sign3A = arith.constant 0 : i32
    %sign3A_34 = arith.cmpi sgt, %squeeze3A, %sign3A : i32
    %sign3A_35 = arith.extui %sign3A_34 : i1 to i32
    %sign3A_36 = arith.constant 0 : i32
    %sign3A_37 = arith.cmpi slt, %squeeze3A, %sign3A_36 : i32
    %sign3A_38 = arith.extui %sign3A_37 : i1 to i32
    %sign3A_39 = arith.subi %sign3A_35, %sign3A_38 : i32
    %sign3A_40 = arith.constant 0 : i32
    %sign3A_41 = arith.cmpi sgt, %jit3A, %sign3A_40 : i32
    %sign3A_42 = arith.extui %sign3A_41 : i1 to i32
    %sign3A_43 = arith.constant 0 : i32
    %sign3A_44 = arith.cmpi slt, %jit3A, %sign3A_43 : i32
    %sign3A_45 = arith.extui %sign3A_44 : i1 to i32
    %sign3A_46 = arith.subi %sign3A_42, %sign3A_45 : i32
    %ne3A = arith.cmpi ne, %sign3A_39, %sign3A_46 : i32
    %rem3A = arith.remsi %squeeze3A, %jit3A : i32
    %ne3A_47 = arith.constant 0 : i32
    %ne3A_48 = arith.cmpi ne, %rem3A, %ne3A_47 : i32
    %and3A = arith.andi %ne3A, %ne3A_48 : i1
    %sub3A = arith.constant 1 : i32
    %sub3A_49 = arith.subi %div3A, %sub3A : i32
    %select_n3A = arith.select %and3A, %sub3A_49, %div3A : i32
    %min3A = arith.constant 7811 : i32
    %min3A_50 = arith.minsi %select_n3A, %min3A : i32
    %mul3A_51 = arith.constant 128 : i32
    %mul3A_52 = arith.muli %min3A_50, %mul3A_51 : i32
    %multiple_of3A = tpu.assume_multiple %mul3A_52, 128 : i32
    %dma_start3A_53 = arith.constant 0 : i32
    %dma_start3A_54 = arith.constant 0 : i32
    %dma_start3A_55 = arith.constant 0 : i32
    %dma_start3A_56 = tpu.memref_slice %arg6[%dma_start3A_53, %dma_start3A_54, %dma_start3A_55] : memref<8x64x128xf32, #tpu.memory_space<vmem>> -> memref<1x32x128xf32, #tpu.memory_space<vmem>>
    %dma_start3A_57 = tpu.memref_squeeze %dma_start3A_56 : memref<1x32x128xf32, #tpu.memory_space<vmem>> -> memref<32x128xf32, #tpu.memory_space<vmem>>
    %dma_start3A_58 = arith.constant 0 : i32
    %dma_start3A_59 = tpu.memref_slice %arg2[%dma_start3A_58, %multiple_of3A] : memref<64x1000001xf32, #tpu.memory_space<hbm>> -> memref<32x128xf32, #tpu.memory_space<hbm>>
    %dma_start3A_60 = arith.constant 0 : i32
    %dma_start3A_61 = arith.constant 0 : i32
    %dma_start3A_62 = tpu.memref_slice %arg6[%dma_start3A_53, %dma_start3A_60, %dma_start3A_61] : memref<8x64x128xf32, #tpu.memory_space<vmem>> -> memref<1x32x128xf32, #tpu.memory_space<vmem>>
    %dma_start3A_63 = tpu.memref_squeeze %dma_start3A_62 : memref<1x32x128xf32, #tpu.memory_space<vmem>> -> memref<32x128xf32, #tpu.memory_space<vmem>>
    %dma_start3A_64 = arith.constant 0 : i32
    %dma_start3A_65 = tpu.memref_slice %arg2[%dma_start3A_64, %multiple_of3A] : memref<64x1000001xf32, #tpu.memory_space<hbm>> -> memref<32x128xf32, #tpu.memory_space<hbm>>
    tpu.enqueue_dma source(%dma_start3A_65 : memref<32x128xf32, #tpu.memory_space<hbm>>) target(%dma_start3A_63 : memref<32x128xf32, #tpu.memory_space<vmem>>) target_semaphore(%arg10 : memref<!tpu.dma_semaphore, #tpu.memory_space<semaphore_mem>>)
    %dma_start3A_66 = arith.constant 0 : i32
    %dma_start3A_67 = arith.constant 32 : i32
    %dma_start3A_68 = arith.constant 0 : i32
    %dma_start3A_69 = tpu.memref_slice %arg6[%dma_start3A_66, %dma_start3A_67, %dma_start3A_68] : memref<8x64x128xf32, #tpu.memory_space<vmem>> -> memref<1x32x128xf32, #tpu.memory_space<vmem>>
    %dma_start3A_70 = tpu.memref_squeeze %dma_start3A_69 : memref<1x32x128xf32, #tpu.memory_space<vmem>> -> memref<32x128xf32, #tpu.memory_space<vmem>>
    %dma_start3A_71 = arith.constant 32 : i32
    %dma_start3A_72 = tpu.memref_slice %arg2[%dma_start3A_71, %multiple_of3A] : memref<64x1000001xf32, #tpu.memory_space<hbm>> -> memref<32x128xf32, #tpu.memory_space<hbm>>
    %dma_start3A_73 = arith.constant 32 : i32
    %dma_start3A_74 = arith.constant 0 : i32
    %dma_start3A_75 = tpu.memref_slice %arg6[%dma_start3A_66, %dma_start3A_73, %dma_start3A_74] : memref<8x64x128xf32, #tpu.memory_space<vmem>> -> memref<1x32x128xf32, #tpu.memory_space<vmem>>
    %dma_start3A_76 = tpu.memref_squeeze %dma_start3A_75 : memref<1x32x128xf32, #tpu.memory_space<vmem>> -> memref<32x128xf32, #tpu.memory_space<vmem>>
    %dma_start3A_77 = arith.constant 32 : i32
    %dma_start3A_78 = tpu.memref_slice %arg2[%dma_start3A_77, %multiple_of3A] : memref<64x1000001xf32, #tpu.memory_space<hbm>> -> memref<32x128xf32, #tpu.memory_space<hbm>>
    tpu.enqueue_dma source(%dma_start3A_78 : memref<32x128xf32, #tpu.memory_space<hbm>>) target(%dma_start3A_76 : memref<32x128xf32, #tpu.memory_space<vmem>>) target_semaphore(%arg10 : memref<!tpu.dma_semaphore, #tpu.memory_space<semaphore_mem>>)
    %get3A_79 = arith.constant 1 : index
    %get3A_80 = tpu.vector_load %arg5[%get3A_79] {strides = array<i32>} : memref<528xi32, #tpu.memory_space<vmem>>, vector<16xi32>,
    %slice3A_81 = vector.extract_strided_slice %get3A_80 {offsets = [0], sizes = [1], strides = [1]} : vector<16xi32> to vector<1xi32>
    %squeeze3A_82 = vector.extract %slice3A_81[0] : i32 from vector<1xi32>
    %jit3A_83 = arith.constant 128 : i32
    %div3A_84 = arith.divsi %squeeze3A_82, %jit3A_83 : i32
    %sign3A_85 = arith.constant 0 : i32
    %sign3A_86 = arith.cmpi sgt, %squeeze3A_82, %sign3A_85 : i32
    %sign3A_87 = arith.extui %sign3A_86 : i1 to i32
    %sign3A_88 = arith.constant 0 : i32
    %sign3A_89 = arith.cmpi slt, %squeeze3A_82, %sign3A_88 : i32
    %sign3A_90 = arith.extui %sign3A_89 : i1 to i32
    %sign3A_91 = arith.subi %sign3A_87, %sign3A_90 : i32
    %sign3A_92 = arith.constant 0 : i32
    %sign3A_93 = arith.cmpi sgt, %jit3A_83, %sign3A_92 : i32
    %sign3A_94 = arith.extui %sign3A_93 : i1 to i32
    %sign3A_95 = arith.constant 0 : i32
    %sign3A_96 = arith.cmpi slt, %jit3A_83, %sign3A_95 : i32
    %sign3A_97 = arith.extui %sign3A_96 : i1 to i32
    %sign3A_98 = arith.subi %sign3A_94, %sign3A_97 : i32
    %ne3A_99 = arith.cmpi ne, %sign3A_91, %sign3A_98 : i32
    %rem3A_100 = arith.remsi %squeeze3A_82, %jit3A_83 : i32
    %ne3A_101 = arith.constant 0 : i32
    %ne3A_102 = arith.cmpi ne, %rem3A_100, %ne3A_101 : i32
    %and3A_103 = arith.andi %ne3A_99, %ne3A_102 : i1
    %sub3A_104 = arith.constant 1 : i32
    %sub3A_105 = arith.subi %div3A_84, %sub3A_104 : i32
    %select_n3A_106 = arith.select %and3A_103, %sub3A_105, %div3A_84 : i32
    %min3A_107 = arith.constant 7811 : i32
    %min3A_108 = arith.minsi %select_n3A_106, %min3A_107 : i32
    %mul3A_109 = arith.constant 128 : i32
    %mul3A_110 = arith.muli %min3A_108, %mul3A_109 : i32
    %multiple_of3A_111 = tpu.assume_multiple %mul3A_110, 128 : i32
    %dma_start3A_112 = arith.constant 1 : i32
    %dma_start3A_113 = arith.constant 0 : i32
    %dma_start3A_114 = arith.constant 0 : i32
    %dma_start3A_115 = tpu.memref_slice %arg6[%dma_start3A_112, %dma_start3A_113, %dma_start3A_114] : memref<8x64x128xf32, #tpu.memory_space<vmem>> -> memref<1x32x128xf32, #tpu.memory_space<vmem>>
    %dma_start3A_116 = tpu.memref_squeeze %dma_start3A_115 : memref<1x32x128xf32, #tpu.memory_space<vmem>> -> memref<32x128xf32, #tpu.memory_space<vmem>>
    %dma_start3A_117 = arith.constant 0 : i32
    %dma_start3A_118 = tpu.memref_slice %arg2[%dma_start3A_117, %multiple_of3A_111] : memref<64x1000001xf32, #tpu.memory_space<hbm>> -> memref<32x128xf32, #tpu.memory_space<hbm>>
    %dma_start3A_119 = arith.constant 0 : i32
    %dma_start3A_120 = arith.constant 0 : i32
    %dma_start3A_121 = tpu.memref_slice %arg6[%dma_start3A_112, %dma_start3A_119, %dma_start3A_120] : memref<8x64x128xf32, #tpu.memory_space<vmem>> -> memref<1x32x128xf32, #tpu.memory_space<vmem>>
    %dma_start3A_122 = tpu.memref_squeeze %dma_start3A_121 : memref<1x32x128xf32, #tpu.memory_space<vmem>> -> memref<32x128xf32, #tpu.memory_space<vmem>>
    %dma_start3A_123 = arith.constant 0 : i32
    %dma_start3A_124 = tpu.memref_slice %arg2[%dma_start3A_123, %multiple_of3A_111] : memref<64x1000001xf32, #tpu.memory_space<hbm>> -> memref<32x128xf32, #tpu.memory_space<hbm>>
    tpu.enqueue_dma source(%dma_start3A_124 : memref<32x128xf32, #tpu.memory_space<hbm>>) target(%dma_start3A_122 : memref<32x128xf32, #tpu.memory_space<vmem>>) target_semaphore(%arg11 : memref<!tpu.dma_semaphore, #tpu.memory_space<semaphore_mem>>)
    %dma_start3A_125 = arith.constant 1 : i32
    %dma_start3A_126 = arith.constant 32 : i32
    %dma_start3A_127 = arith.constant 0 : i32
    %dma_start3A_128 = tpu.memref_slice %arg6[%dma_start3A_125, %dma_start3A_126, %dma_start3A_127] : memref<8x64x128xf32, #tpu.memory_space<vmem>> -> memref<1x32x128xf32, #tpu.memory_space<vmem>>
    %dma_start3A_129 = tpu.memref_squeeze %dma_start3A_128 : memref<1x32x128xf32, #tpu.memory_space<vmem>> -> memref<32x128xf32, #tpu.memory_space<vmem>>
    %dma_start3A_130 = arith.constant 32 : i32
    %dma_start3A_131 = tpu.memref_slice %arg2[%dma_start3A_130, %multiple_of3A_111] : memref<64x1000001xf32, #tpu.memory_space<hbm>> -> memref<32x128xf32, #tpu.memory_space<hbm>>
    %dma_start3A_132 = arith.constant 32 : i32
    %dma_start3A_133 = arith.constant 0 : i32
    %dma_start3A_134 = tpu.memref_slice %arg6[%dma_start3A_125, %dma_start3A_132, %dma_start3A_133] : memref<8x64x128xf32, #tpu.memory_space<vmem>> -> memref<1x32x128xf32, #tpu.memory_space<vmem>>
    %dma_start3A_135 = tpu.memref_squeeze %dma_start3A_134 : memref<1x32x128xf32, #tpu.memory_space<vmem>> -> memref<32x128xf32, #tpu.memory_space<vmem>>
    %dma_start3A_136 = arith.constant 32 : i32
    %dma_start3A_137 = tpu.memref_slice %arg2[%dma_start3A_136, %multiple_of3A_111] : memref<64x1000001xf32, #tpu.memory_space<hbm>> -> memref<32x128xf32, #tpu.memory_space<hbm>>
    tpu.enqueue_dma source(%dma_start3A_137 : memref<32x128xf32, #tpu.memory_space<hbm>>) target(%dma_start3A_135 : memref<32x128xf32, #tpu.memory_space<vmem>>) target_semaphore(%arg11 : memref<!tpu.dma_semaphore, #tpu.memory_space<semaphore_mem>>)
    %get3A_138 = arith.constant 2 : index
    %get3A_139 = tpu.vector_load %arg5[%get3A_138] {strides = array<i32>} : memref<528xi32, #tpu.memory_space<vmem>>, vector<16xi32>,
    %slice3A_140 = vector.extract_strided_slice %get3A_139 {offsets = [0], sizes = [1], strides = [1]} : vector<16xi32> to vector<1xi32>
    %squeeze3A_141 = vector.extract %slice3A_140[0] : i32 from vector<1xi32>
    %jit3A_142 = arith.constant 128 : i32
    %div3A_143 = arith.divsi %squeeze3A_141, %jit3A_142 : i32
    %sign3A_144 = arith.constant 0 : i32
    %sign3A_145 = arith.cmpi sgt, %squeeze3A_141, %sign3A_144 : i32
    %sign3A_146 = arith.extui %sign3A_145 : i1 to i32
    %sign3A_147 = arith.constant 0 : i32
    %sign3A_148 = arith.cmpi slt, %squeeze3A_141, %sign3A_147 : i32
    %sign3A_149 = arith.extui %sign3A_148 : i1 to i32
    %sign3A_150 = arith.subi %sign3A_146, %sign3A_149 : i32
    %sign3A_151 = arith.constant 0 : i32
    %sign3A_152 = arith.cmpi sgt, %jit3A_142, %sign3A_151 : i32
    %sign3A_153 = arith.extui %sign3A_152 : i1 to i32
    %sign3A_154 = arith.constant 0 : i32
    %sign3A_155 = arith.cmpi slt, %jit3A_142, %sign3A_154 : i32
    %sign3A_156 = arith.extui %sign3A_155 : i1 to i32
    %sign3A_157 = arith.subi %sign3A_153, %sign3A_156 : i32
    %ne3A_158 = arith.cmpi ne, %sign3A_150, %sign3A_157 : i32
    %rem3A_159 = arith.remsi %squeeze3A_141, %jit3A_142 : i32
    %ne3A_160 = arith.constant 0 : i32
    %ne3A_161 = arith.cmpi ne, %rem3A_159, %ne3A_160 : i32
    %and3A_162 = arith.andi %ne3A_158, %ne3A_161 : i1
    %sub3A_163 = arith.constant 1 : i32
    %sub3A_164 = arith.subi %div3A_143, %sub3A_163 : i32
    %select_n3A_165 = arith.select %and3A_162, %sub3A_164, %div3A_143 : i32
    %min3A_166 = arith.constant 7811 : i32
    %min3A_167 = arith.minsi %select_n3A_165, %min3A_166 : i32
    %mul3A_168 = arith.constant 128 : i32
    %mul3A_169 = arith.muli %min3A_167, %mul3A_168 : i32
    %multiple_of3A_170 = tpu.assume_multiple %mul3A_169, 128 : i32
    %dma_start3A_171 = arith.constant 2 : i32
    %dma_start3A_172 = arith.constant 0 : i32
    %dma_start3A_173 = arith.constant 0 : i32
    %dma_start3A_174 = tpu.memref_slice %arg6[%dma_start3A_171, %dma_start3A_172, %dma_start3A_173] : memref<8x64x128xf32, #tpu.memory_space<vmem>> -> memref<1x32x128xf32, #tpu.memory_space<vmem>>
    %dma_start3A_175 = tpu.memref_squeeze %dma_start3A_174 : memref<1x32x128xf32, #tpu.memory_space<vmem>> -> memref<32x128xf32, #tpu.memory_space<vmem>>
    %dma_start3A_176 = arith.constant 0 : i32
    %dma_start3A_177 = tpu.memref_slice %arg2[%dma_start3A_176, %multiple_of3A_170] : memref<64x1000001xf32, #tpu.memory_space<hbm>> -> memref<32x128xf32, #tpu.memory_space<hbm>>
    %dma_start3A_178 = arith.constant 0 : i32
    %dma_start3A_179 = arith.constant 0 : i32
    %dma_start3A_180 = tpu.memref_slice %arg6[%dma_start3A_171, %dma_start3A_178, %dma_start3A_179] : memref<8x64x128xf32, #tpu.memory_space<vmem>> -> memref<1x32x128xf32, #tpu.memory_space<vmem>>
    %dma_start3A_181 = tpu.memref_squeeze %dma_start3A_180 : memref<1x32x128xf32, #tpu.memory_space<vmem>> -> memref<32x128xf32, #tpu.memory_space<vmem>>
    %dma_start3A_182 = arith.constant 0 : i32
    %dma_start3A_183 = tpu.memref_slice %arg2[%dma_start3A_182, %multiple_of3A_170] : memref<64x1000001xf32, #tpu.memory_space<hbm>> -> memref<32x128xf32, #tpu.memory_space<hbm>>
    tpu.enqueue_dma source(%dma_start3A_183 : memref<32x128xf32, #tpu.memory_space<hbm>>) target(%dma_start3A_181 : memref<32x128xf32, #tpu.memory_space<vmem>>) target_semaphore(%arg12 : memref<!tpu.dma_semaphore, #tpu.memory_space<semaphore_mem>>)
    %dma_start3A_184 = arith.constant 2 : i32
    %dma_start3A_185 = arith.constant 32 : i32
    %dma_start3A_186 = arith.constant 0 : i32
    %dma_start3A_187 = tpu.memref_slice %arg6[%dma_start3A_184, %dma_start3A_185, %dma_start3A_186] : memref<8x64x128xf32, #tpu.memory_space<vmem>> -> memref<1x32x128xf32, #tpu.memory_space<vmem>>
    %dma_start3A_188 = tpu.memref_squeeze %dma_start3A_187 : memref<1x32x128xf32, #tpu.memory_space<vmem>> -> memref<32x128xf32, #tpu.memory_space<vmem>>
    %dma_start3A_189 = arith.constant 32 : i32
    %dma_start3A_190 = tpu.memref_slice %arg2[%dma_start3A_189, %multiple_of3A_170] : memref<64x1000001xf32, #tpu.memory_space<hbm>> -> memref<32x128xf32, #tpu.memory_space<hbm>>
    %dma_start3A_191 = arith.constant 32 : i32
    %dma_start3A_192 = arith.constant 0 : i32
    %dma_start3A_193 = tpu.memref_slice %arg6[%dma_start3A_184, %dma_start3A_191, %dma_start3A_192] : memref<8x64x128xf32, #tpu.memory_space<vmem>> -> memref<1x32x128xf32, #tpu.memory_space<vmem>>
    %dma_start3A_194 = tpu.memref_squeeze %dma_start3A_193 : memref<1x32x128xf32, #tpu.memory_space<vmem>> -> memref<32x128xf32, #tpu.memory_space<vmem>>
    %dma_start3A_195 = arith.constant 32 : i32
    %dma_start3A_196 = tpu.memref_slice %arg2[%dma_start3A_195, %multiple_of3A_170] : memref<64x1000001xf32, #tpu.memory_space<hbm>> -> memref<32x128xf32, #tpu.memory_space<hbm>>
    tpu.enqueue_dma source(%dma_start3A_196 : memref<32x128xf32, #tpu.memory_space<hbm>>) target(%dma_start3A_194 : memref<32x128xf32, #tpu.memory_space<vmem>>) target_semaphore(%arg12 : memref<!tpu.dma_semaphore, #tpu.memory_space<semaphore_mem>>)
    %get3A_197 = arith.constant 3 : index
    %get3A_198 = tpu.vector_load %arg5[%get3A_197] {strides = array<i32>} : memref<528xi32, #tpu.memory_space<vmem>>, vector<16xi32>,
    %slice3A_199 = vector.extract_strided_slice %get3A_198 {offsets = [0], sizes = [1], strides = [1]} : vector<16xi32> to vector<1xi32>
    %squeeze3A_200 = vector.extract %slice3A_199[0] : i32 from vector<1xi32>
    %jit3A_201 = arith.constant 128 : i32
    %div3A_202 = arith.divsi %squeeze3A_200, %jit3A_201 : i32
    %sign3A_203 = arith.constant 0 : i32
    %sign3A_204 = arith.cmpi sgt, %squeeze3A_200, %sign3A_203 : i32
    %sign3A_205 = arith.extui %sign3A_204 : i1 to i32
    %sign3A_206 = arith.constant 0 : i32
    %sign3A_207 = arith.cmpi slt, %squeeze3A_200, %sign3A_206 : i32
    %sign3A_208 = arith.extui %sign3A_207 : i1 to i32
    %sign3A_209 = arith.subi %sign3A_205, %sign3A_208 : i32
    %sign3A_210 = arith.constant 0 : i32
    %sign3A_211 = arith.cmpi sgt, %jit3A_201, %sign3A_210 : i32
    %sign3A_212 = arith.extui %sign3A_211 : i1 to i32
    %sign3A_213 = arith.constant 0 : i32
    %sign3A_214 = arith.cmpi slt, %jit3A_201, %sign3A_213 : i32
    %sign3A_215 = arith.extui %sign3A_214 : i1 to i32
    %sign3A_216 = arith.subi %sign3A_212, %sign3A_215 : i32
    %ne3A_217 = arith.cmpi ne, %sign3A_209, %sign3A_216 : i32
    %rem3A_218 = arith.remsi %squeeze3A_200, %jit3A_201 : i32
    %ne3A_219 = arith.constant 0 : i32
    %ne3A_220 = arith.cmpi ne, %rem3A_218, %ne3A_219 : i32
    %and3A_221 = arith.andi %ne3A_217, %ne3A_220 : i1
    %sub3A_222 = arith.constant 1 : i32
    %sub3A_223 = arith.subi %div3A_202, %sub3A_222 : i32
    %select_n3A_224 = arith.select %and3A_221, %sub3A_223, %div3A_202 : i32
    %min3A_225 = arith.constant 7811 : i32
    %min3A_226 = arith.minsi %select_n3A_224, %min3A_225 : i32
    %mul3A_227 = arith.constant 128 : i32
    %mul3A_228 = arith.muli %min3A_226, %mul3A_227 : i32
    %multiple_of3A_229 = tpu.assume_multiple %mul3A_228, 128 : i32
    %dma_start3A_230 = arith.constant 3 : i32
    %dma_start3A_231 = arith.constant 0 : i32
    %dma_start3A_232 = arith.constant 0 : i32
    %dma_start3A_233 = tpu.memref_slice %arg6[%dma_start3A_230, %dma_start3A_231, %dma_start3A_232] : memref<8x64x128xf32, #tpu.memory_space<vmem>> -> memref<1x32x128xf32, #tpu.memory_space<vmem>>
    %dma_start3A_234 = tpu.memref_squeeze %dma_start3A_233 : memref<1x32x128xf32, #tpu.memory_space<vmem>> -> memref<32x128xf32, #tpu.memory_space<vmem>>
    %dma_start3A_235 = arith.constant 0 : i32
    %dma_start3A_236 = tpu.memref_slice %arg2[%dma_start3A_235, %multiple_of3A_229] : memref<64x1000001xf32, #tpu.memory_space<hbm>> -> memref<32x128xf32, #tpu.memory_space<hbm>>
    %dma_start3A_237 = arith.constant 0 : i32
    %dma_start3A_238 = arith.constant 0 : i32
    %dma_start3A_239 = tpu.memref_slice %arg6[%dma_start3A_230, %dma_start3A_237, %dma_start3A_238] : memref<8x64x128xf32, #tpu.memory_space<vmem>> -> memref<1x32x128xf32, #tpu.memory_space<vmem>>
    %dma_start3A_240 = tpu.memref_squeeze %dma_start3A_239 : memref<1x32x128xf32, #tpu.memory_space<vmem>> -> memref<32x128xf32, #tpu.memory_space<vmem>>
    %dma_start3A_241 = arith.constant 0 : i32
    %dma_start3A_242 = tpu.memref_slice %arg2[%dma_start3A_241, %multiple_of3A_229] : memref<64x1000001xf32, #tpu.memory_space<hbm>> -> memref<32x128xf32, #tpu.memory_space<hbm>>
    tpu.enqueue_dma source(%dma_start3A_242 : memref<32x128xf32, #tpu.memory_space<hbm>>) target(%dma_start3A_240 : memref<32x128xf32, #tpu.memory_space<vmem>>) target_semaphore(%arg13 : memref<!tpu.dma_semaphore, #tpu.memory_space<semaphore_mem>>)
    %dma_start3A_243 = arith.constant 3 : i32
    %dma_start3A_244 = arith.constant 32 : i32
    %dma_start3A_245 = arith.constant 0 : i32
    %dma_start3A_246 = tpu.memref_slice %arg6[%dma_start3A_243, %dma_start3A_244, %dma_start3A_245] : memref<8x64x128xf32, #tpu.memory_space<vmem>> -> memref<1x32x128xf32, #tpu.memory_space<vmem>>
    %dma_start3A_247 = tpu.memref_squeeze %dma_start3A_246 : memref<1x32x128xf32, #tpu.memory_space<vmem>> -> memref<32x128xf32, #tpu.memory_space<vmem>>
    %dma_start3A_248 = arith.constant 32 : i32
    %dma_start3A_249 = tpu.memref_slice %arg2[%dma_start3A_248, %multiple_of3A_229] : memref<64x1000001xf32, #tpu.memory_space<hbm>> -> memref<32x128xf32, #tpu.memory_space<hbm>>
    %dma_start3A_250 = arith.constant 32 : i32
    %dma_start3A_251 = arith.constant 0 : i32
    %dma_start3A_252 = tpu.memref_slice %arg6[%dma_start3A_243, %dma_start3A_250, %dma_start3A_251] : memref<8x64x128xf32, #tpu.memory_space<vmem>> -> memref<1x32x128xf32, #tpu.memory_space<vmem>>
    %dma_start3A_253 = tpu.memref_squeeze %dma_start3A_252 : memref<1x32x128xf32, #tpu.memory_space<vmem>> -> memref<32x128xf32, #tpu.memory_space<vmem>>
    %dma_start3A_254 = arith.constant 32 : i32
    %dma_start3A_255 = tpu.memref_slice %arg2[%dma_start3A_254, %multiple_of3A_229] : memref<64x1000001xf32, #tpu.memory_space<hbm>> -> memref<32x128xf32, #tpu.memory_space<hbm>>
    tpu.enqueue_dma source(%dma_start3A_255 : memref<32x128xf32, #tpu.memory_space<hbm>>) target(%dma_start3A_253 : memref<32x128xf32, #tpu.memory_space<vmem>>) target_semaphore(%arg13 : memref<!tpu.dma_semaphore, #tpu.memory_space<semaphore_mem>>)
    %get3A_256 = arith.constant 4 : index
    %get3A_257 = tpu.vector_load %arg5[%get3A_256] {strides = array<i32>} : memref<528xi32, #tpu.memory_space<vmem>>, vector<16xi32>,
    %slice3A_258 = vector.extract_strided_slice %get3A_257 {offsets = [0], sizes = [1], strides = [1]} : vector<16xi32> to vector<1xi32>
    %squeeze3A_259 = vector.extract %slice3A_258[0] : i32 from vector<1xi32>
    %jit3A_260 = arith.constant 128 : i32
    %div3A_261 = arith.divsi %squeeze3A_259, %jit3A_260 : i32
    %sign3A_262 = arith.constant 0 : i32
    %sign3A_263 = arith.cmpi sgt, %squeeze3A_259, %sign3A_262 : i32
    %sign3A_264 = arith.extui %sign3A_263 : i1 to i32
    %sign3A_265 = arith.constant 0 : i32
    %sign3A_266 = arith.cmpi slt, %squeeze3A_259, %sign3A_265 : i32
    %sign3A_267 = arith.extui %sign3A_266 : i1 to i32
    %sign3A_268 = arith.subi %sign3A_264, %sign3A_267 : i32
    %sign3A_269 = arith.constant 0 : i32
    %sign3A_270 = arith.cmpi sgt, %jit3A_260, %sign3A_269 : i32
    %sign3A_271 = arith.extui %sign3A_270 : i1 to i32
    %sign3A_272 = arith.constant 0 : i32
    %sign3A_273 = arith.cmpi slt, %jit3A_260, %sign3A_272 : i32
    %sign3A_274 = arith.extui %sign3A_273 : i1 to i32
    %sign3A_275 = arith.subi %sign3A_271, %sign3A_274 : i32
    %ne3A_276 = arith.cmpi ne, %sign3A_268, %sign3A_275 : i32
    %rem3A_277 = arith.remsi %squeeze3A_259, %jit3A_260 : i32
    %ne3A_278 = arith.constant 0 : i32
    %ne3A_279 = arith.cmpi ne, %rem3A_277, %ne3A_278 : i32
    %and3A_280 = arith.andi %ne3A_276, %ne3A_279 : i1
    %sub3A_281 = arith.constant 1 : i32
    %sub3A_282 = arith.subi %div3A_261, %sub3A_281 : i32
    %select_n3A_283 = arith.select %and3A_280, %sub3A_282, %div3A_261 : i32
    %min3A_284 = arith.constant 7811 : i32
    %min3A_285 = arith.minsi %select_n3A_283, %min3A_284 : i32
    %mul3A_286 = arith.constant 128 : i32
    %mul3A_287 = arith.muli %min3A_285, %mul3A_286 : i32
    %multiple_of3A_288 = tpu.assume_multiple %mul3A_287, 128 : i32
    %dma_start3A_289 = arith.constant 4 : i32
    %dma_start3A_290 = arith.constant 0 : i32
    %dma_start3A_291 = arith.constant 0 : i32
    %dma_start3A_292 = tpu.memref_slice %arg6[%dma_start3A_289, %dma_start3A_290, %dma_start3A_291] : memref<8x64x128xf32, #tpu.memory_space<vmem>> -> memref<1x32x128xf32, #tpu.memory_space<vmem>>
    %dma_start3A_293 = tpu.memref_squeeze %dma_start3A_292 : memref<1x32x128xf32, #tpu.memory_space<vmem>> -> memref<32x128xf32, #tpu.memory_space<vmem>>
    %dma_start3A_294 = arith.constant 0 : i32
    %dma_start3A_295 = tpu.memref_slice %arg2[%dma_start3A_294, %multiple_of3A_288] : memref<64x1000001xf32, #tpu.memory_space<hbm>> -> memref<32x128xf32, #tpu.memory_space<hbm>>
    %dma_start3A_296 = arith.constant 0 : i32
    %dma_start3A_297 = arith.constant 0 : i32
    %dma_start3A_298 = tpu.memref_slice %arg6[%dma_start3A_289, %dma_start3A_296, %dma_start3A_297] : memref<8x64x128xf32, #tpu.memory_space<vmem>> -> memref<1x32x128xf32, #tpu.memory_space<vmem>>
    %dma_start3A_299 = tpu.memref_squeeze %dma_start3A_298 : memref<1x32x128xf32, #tpu.memory_space<vmem>> -> memref<32x128xf32, #tpu.memory_space<vmem>>
    %dma_start3A_300 = arith.constant 0 : i32
    %dma_start3A_301 = tpu.memref_slice %arg2[%dma_start3A_300, %multiple_of3A_288] : memref<64x1000001xf32, #tpu.memory_space<hbm>> -> memref<32x128xf32, #tpu.memory_space<hbm>>
    tpu.enqueue_dma source(%dma_start3A_301 : memref<32x128xf32, #tpu.memory_space<hbm>>) target(%dma_start3A_299 : memref<32x128xf32, #tpu.memory_space<vmem>>) target_semaphore(%arg14 : memref<!tpu.dma_semaphore, #tpu.memory_space<semaphore_mem>>)
    %dma_start3A_302 = arith.constant 4 : i32
    %dma_start3A_303 = arith.constant 32 : i32
    %dma_start3A_304 = arith.constant 0 : i32
    %dma_start3A_305 = tpu.memref_slice %arg6[%dma_start3A_302, %dma_start3A_303, %dma_start3A_304] : memref<8x64x128xf32, #tpu.memory_space<vmem>> -> memref<1x32x128xf32, #tpu.memory_space<vmem>>
    %dma_start3A_306 = tpu.memref_squeeze %dma_start3A_305 : memref<1x32x128xf32, #tpu.memory_space<vmem>> -> memref<32x128xf32, #tpu.memory_space<vmem>>
    %dma_start3A_307 = arith.constant 32 : i32
    %dma_start3A_308 = tpu.memref_slice %arg2[%dma_start3A_307, %multiple_of3A_288] : memref<64x1000001xf32, #tpu.memory_space<hbm>> -> memref<32x128xf32, #tpu.memory_space<hbm>>
    %dma_start3A_309 = arith.constant 32 : i32
    %dma_start3A_310 = arith.constant 0 : i32
    %dma_start3A_311 = tpu.memref_slice %arg6[%dma_start3A_302, %dma_start3A_309, %dma_start3A_310] : memref<8x64x128xf32, #tpu.memory_space<vmem>> -> memref<1x32x128xf32, #tpu.memory_space<vmem>>
    %dma_start3A_312 = tpu.memref_squeeze %dma_start3A_311 : memref<1x32x128xf32, #tpu.memory_space<vmem>> -> memref<32x128xf32, #tpu.memory_space<vmem>>
    %dma_start3A_313 = arith.constant 32 : i32
    %dma_start3A_314 = tpu.memref_slice %arg2[%dma_start3A_313, %multiple_of3A_288] : memref<64x1000001xf32, #tpu.memory_space<hbm>> -> memref<32x128xf32, #tpu.memory_space<hbm>>
    tpu.enqueue_dma source(%dma_start3A_314 : memref<32x128xf32, #tpu.memory_space<hbm>>) target(%dma_start3A_312 : memref<32x128xf32, #tpu.memory_space<vmem>>) target_semaphore(%arg14 : memref<!tpu.dma_semaphore, #tpu.memory_space<semaphore_mem>>)
    %get3A_315 = arith.constant 5 : index
    %get3A_316 = tpu.vector_load %arg5[%get3A_315] {strides = array<i32>} : memref<528xi32, #tpu.memory_space<vmem>>, vector<16xi32>,
    %slice3A_317 = vector.extract_strided_slice %get3A_316 {offsets = [0], sizes = [1], strides = [1]} : vector<16xi32> to vector<1xi32>
    %squeeze3A_318 = vector.extract %slice3A_317[0] : i32 from vector<1xi32>
    %jit3A_319 = arith.constant 128 : i32
    %div3A_320 = arith.divsi %squeeze3A_318, %jit3A_319 : i32
    %sign3A_321 = arith.constant 0 : i32
    %sign3A_322 = arith.cmpi sgt, %squeeze3A_318, %sign3A_321 : i32
    %sign3A_323 = arith.extui %sign3A_322 : i1 to i32
    %sign3A_324 = arith.constant 0 : i32
    %sign3A_325 = arith.cmpi slt, %squeeze3A_318, %sign3A_324 : i32
    %sign3A_326 = arith.extui %sign3A_325 : i1 to i32
    %sign3A_327 = arith.subi %sign3A_323, %sign3A_326 : i32
    %sign3A_328 = arith.constant 0 : i32
    %sign3A_329 = arith.cmpi sgt, %jit3A_319, %sign3A_328 : i32
    %sign3A_330 = arith.extui %sign3A_329 : i1 to i32
    %sign3A_331 = arith.constant 0 : i32
    %sign3A_332 = arith.cmpi slt, %jit3A_319, %sign3A_331 : i32
    %sign3A_333 = arith.extui %sign3A_332 : i1 to i32
    %sign3A_334 = arith.subi %sign3A_330, %sign3A_333 : i32
    %ne3A_335 = arith.cmpi ne, %sign3A_327, %sign3A_334 : i32
    %rem3A_336 = arith.remsi %squeeze3A_318, %jit3A_319 : i32
    %ne3A_337 = arith.constant 0 : i32
    %ne3A_338 = arith.cmpi ne, %rem3A_336, %ne3A_337 : i32
    %and3A_339 = arith.andi %ne3A_335, %ne3A_338 : i1
    %sub3A_340 = arith.constant 1 : i32
    %sub3A_341 = arith.subi %div3A_320, %sub3A_340 : i32
    %select_n3A_342 = arith.select %and3A_339, %sub3A_341, %div3A_320 : i32
    %min3A_343 = arith.constant 7811 : i32
    %min3A_344 = arith.minsi %select_n3A_342, %min3A_343 : i32
    %mul3A_345 = arith.constant 128 : i32
    %mul3A_346 = arith.muli %min3A_344, %mul3A_345 : i32
    %multiple_of3A_347 = tpu.assume_multiple %mul3A_346, 128 : i32
    %dma_start3A_348 = arith.constant 5 : i32
    %dma_start3A_349 = arith.constant 0 : i32
    %dma_start3A_350 = arith.constant 0 : i32
    %dma_start3A_351 = tpu.memref_slice %arg6[%dma_start3A_348, %dma_start3A_349, %dma_start3A_350] : memref<8x64x128xf32, #tpu.memory_space<vmem>> -> memref<1x32x128xf32, #tpu.memory_space<vmem>>
    %dma_start3A_352 = tpu.memref_squeeze %dma_start3A_351 : memref<1x32x128xf32, #tpu.memory_space<vmem>> -> memref<32x128xf32, #tpu.memory_space<vmem>>
    %dma_start3A_353 = arith.constant 0 : i32
    %dma_start3A_354 = tpu.memref_slice %arg2[%dma_start3A_353, %multiple_of3A_347] : memref<64x1000001xf32, #tpu.memory_space<hbm>> -> memref<32x128xf32, #tpu.memory_space<hbm>>
    %dma_start3A_355 = arith.constant 0 : i32
    %dma_start3A_356 = arith.constant 0 : i32
    %dma_start3A_357 = tpu.memref_slice %arg6[%dma_start3A_348, %dma_start3A_355, %dma_start3A_356] : memref<8x64x128xf32, #tpu.memory_space<vmem>> -> memref<1x32x128xf32, #tpu.memory_space<vmem>>
    %dma_start3A_358 = tpu.memref_squeeze %dma_start3A_357 : memref<1x32x128xf32, #tpu.memory_space<vmem>> -> memref<32x128xf32, #tpu.memory_space<vmem>>
    %dma_start3A_359 = arith.constant 0 : i32
    %dma_start3A_360 = tpu.memref_slice %arg2[%dma_start3A_359, %multiple_of3A_347] : memref<64x1000001xf32, #tpu.memory_space<hbm>> -> memref<32x128xf32, #tpu.memory_space<hbm>>
    tpu.enqueue_dma source(%dma_start3A_360 : memref<32x128xf32, #tpu.memory_space<hbm>>) target(%dma_start3A_358 : memref<32x128xf32, #tpu.memory_space<vmem>>) target_semaphore(%arg15 : memref<!tpu.dma_semaphore, #tpu.memory_space<semaphore_mem>>)
    %dma_start3A_361 = arith.constant 5 : i32
    %dma_start3A_362 = arith.constant 32 : i32
    %dma_start3A_363 = arith.constant 0 : i32
    %dma_start3A_364 = tpu.memref_slice %arg6[%dma_start3A_361, %dma_start3A_362, %dma_start3A_363] : memref<8x64x128xf32, #tpu.memory_space<vmem>> -> memref<1x32x128xf32, #tpu.memory_space<vmem>>
    %dma_start3A_365 = tpu.memref_squeeze %dma_start3A_364 : memref<1x32x128xf32, #tpu.memory_space<vmem>> -> memref<32x128xf32, #tpu.memory_space<vmem>>
    %dma_start3A_366 = arith.constant 32 : i32
    %dma_start3A_367 = tpu.memref_slice %arg2[%dma_start3A_366, %multiple_of3A_347] : memref<64x1000001xf32, #tpu.memory_space<hbm>> -> memref<32x128xf32, #tpu.memory_space<hbm>>
    %dma_start3A_368 = arith.constant 32 : i32
    %dma_start3A_369 = arith.constant 0 : i32
    %dma_start3A_370 = tpu.memref_slice %arg6[%dma_start3A_361, %dma_start3A_368, %dma_start3A_369] : memref<8x64x128xf32, #tpu.memory_space<vmem>> -> memref<1x32x128xf32, #tpu.memory_space<vmem>>
    %dma_start3A_371 = tpu.memref_squeeze %dma_start3A_370 : memref<1x32x128xf32, #tpu.memory_space<vmem>> -> memref<32x128xf32, #tpu.memory_space<vmem>>
    %dma_start3A_372 = arith.constant 32 : i32
    %dma_start3A_373 = tpu.memref_slice %arg2[%dma_start3A_372, %multiple_of3A_347] : memref<64x1000001xf32, #tpu.memory_space<hbm>> -> memref<32x128xf32, #tpu.memory_space<hbm>>
    tpu.enqueue_dma source(%dma_start3A_373 : memref<32x128xf32, #tpu.memory_space<hbm>>) target(%dma_start3A_371 : memref<32x128xf32, #tpu.memory_space<vmem>>) target_semaphore(%arg15 : memref<!tpu.dma_semaphore, #tpu.memory_space<semaphore_mem>>)
    %get3A_374 = arith.constant 6 : index
    %get3A_375 = tpu.vector_load %arg5[%get3A_374] {strides = array<i32>} : memref<528xi32, #tpu.memory_space<vmem>>, vector<16xi32>,
    %slice3A_376 = vector.extract_strided_slice %get3A_375 {offsets = [0], sizes = [1], strides = [1]} : vector<16xi32> to vector<1xi32>
    %squeeze3A_377 = vector.extract %slice3A_376[0] : i32 from vector<1xi32>
    %jit3A_378 = arith.constant 128 : i32
    %div3A_379 = arith.divsi %squeeze3A_377, %jit3A_378 : i32
    %sign3A_380 = arith.constant 0 : i32
    %sign3A_381 = arith.cmpi sgt, %squeeze3A_377, %sign3A_380 : i32
    %sign3A_382 = arith.extui %sign3A_381 : i1 to i32
    %sign3A_383 = arith.constant 0 : i32
    %sign3A_384 = arith.cmpi slt, %squeeze3A_377, %sign3A_383 : i32
    %sign3A_385 = arith.extui %sign3A_384 : i1 to i32
    %sign3A_386 = arith.subi %sign3A_382, %sign3A_385 : i32
    %sign3A_387 = arith.constant 0 : i32
    %sign3A_388 = arith.cmpi sgt, %jit3A_378, %sign3A_387 : i32
    %sign3A_389 = arith.extui %sign3A_388 : i1 to i32
    %sign3A_390 = arith.constant 0 : i32
    %sign3A_391 = arith.cmpi slt, %jit3A_378, %sign3A_390 : i32
    %sign3A_392 = arith.extui %sign3A_391 : i1 to i32
    %sign3A_393 = arith.subi %sign3A_389, %sign3A_392 : i32
    %ne3A_394 = arith.cmpi ne, %sign3A_386, %sign3A_393 : i32
    %rem3A_395 = arith.remsi %squeeze3A_377, %jit3A_378 : i32
    %ne3A_396 = arith.constant 0 : i32
    %ne3A_397 = arith.cmpi ne, %rem3A_395, %ne3A_396 : i32
    %and3A_398 = arith.andi %ne3A_394, %ne3A_397 : i1
    %sub3A_399 = arith.constant 1 : i32
    %sub3A_400 = arith.subi %div3A_379, %sub3A_399 : i32
    %select_n3A_401 = arith.select %and3A_398, %sub3A_400, %div3A_379 : i32
    %min3A_402 = arith.constant 7811 : i32
    %min3A_403 = arith.minsi %select_n3A_401, %min3A_402 : i32
    %mul3A_404 = arith.constant 128 : i32
    %mul3A_405 = arith.muli %min3A_403, %mul3A_404 : i32
    %multiple_of3A_406 = tpu.assume_multiple %mul3A_405, 128 : i32
    %dma_start3A_407 = arith.constant 6 : i32
    %dma_start3A_408 = arith.constant 0 : i32
    %dma_start3A_409 = arith.constant 0 : i32
    %dma_start3A_410 = tpu.memref_slice %arg6[%dma_start3A_407, %dma_start3A_408, %dma_start3A_409] : memref<8x64x128xf32, #tpu.memory_space<vmem>> -> memref<1x32x128xf32, #tpu.memory_space<vmem>>
    %dma_start3A_411 = tpu.memref_squeeze %dma_start3A_410 : memref<1x32x128xf32, #tpu.memory_space<vmem>> -> memref<32x128xf32, #tpu.memory_space<vmem>>
    %dma_start3A_412 = arith.constant 0 : i32
    %dma_start3A_413 = tpu.memref_slice %arg2[%dma_start3A_412, %multiple_of3A_406] : memref<64x1000001xf32, #tpu.memory_space<hbm>> -> memref<32x128xf32, #tpu.memory_space<hbm>>
    %dma_start3A_414 = arith.constant 0 : i32
    %dma_start3A_415 = arith.constant 0 : i32
    %dma_start3A_416 = tpu.memref_slice %arg6[%dma_start3A_407, %dma_start3A_414, %dma_start3A_415] : memref<8x64x128xf32, #tpu.memory_space<vmem>> -> memref<1x32x128xf32, #tpu.memory_space<vmem>>
    %dma_start3A_417 = tpu.memref_squeeze %dma_start3A_416 : memref<1x32x128xf32, #tpu.memory_space<vmem>> -> memref<32x128xf32, #tpu.memory_space<vmem>>
    %dma_start3A_418 = arith.constant 0 : i32
    %dma_start3A_419 = tpu.memref_slice %arg2[%dma_start3A_418, %multiple_of3A_406] : memref<64x1000001xf32, #tpu.memory_space<hbm>> -> memref<32x128xf32, #tpu.memory_space<hbm>>
    tpu.enqueue_dma source(%dma_start3A_419 : memref<32x128xf32, #tpu.memory_space<hbm>>) target(%dma_start3A_417 : memref<32x128xf32, #tpu.memory_space<vmem>>) target_semaphore(%arg16 : memref<!tpu.dma_semaphore, #tpu.memory_space<semaphore_mem>>)
    %dma_start3A_420 = arith.constant 6 : i32
    %dma_start3A_421 = arith.constant 32 : i32
    %dma_start3A_422 = arith.constant 0 : i32
    %dma_start3A_423 = tpu.memref_slice %arg6[%dma_start3A_420, %dma_start3A_421, %dma_start3A_422] : memref<8x64x128xf32, #tpu.memory_space<vmem>> -> memref<1x32x128xf32, #tpu.memory_space<vmem>>
    %dma_start3A_424 = tpu.memref_squeeze %dma_start3A_423 : memref<1x32x128xf32, #tpu.memory_space<vmem>> -> memref<32x128xf32, #tpu.memory_space<vmem>>
    %dma_start3A_425 = arith.constant 32 : i32
    %dma_start3A_426 = tpu.memref_slice %arg2[%dma_start3A_425, %multiple_of3A_406] : memref<64x1000001xf32, #tpu.memory_space<hbm>> -> memref<32x128xf32, #tpu.memory_space<hbm>>
    %dma_start3A_427 = arith.constant 32 : i32
    %dma_start3A_428 = arith.constant 0 : i32
    %dma_start3A_429 = tpu.memref_slice %arg6[%dma_start3A_420, %dma_start3A_427, %dma_start3A_428] : memref<8x64x128xf32, #tpu.memory_space<vmem>> -> memref<1x32x128xf32, #tpu.memory_space<vmem>>
    %dma_start3A_430 = tpu.memref_squeeze %dma_start3A_429 : memref<1x32x128xf32, #tpu.memory_space<vmem>> -> memref<32x128xf32, #tpu.memory_space<vmem>>
    %dma_start3A_431 = arith.constant 32 : i32
    %dma_start3A_432 = tpu.memref_slice %arg2[%dma_start3A_431, %multiple_of3A_406] : memref<64x1000001xf32, #tpu.memory_space<hbm>> -> memref<32x128xf32, #tpu.memory_space<hbm>>
    tpu.enqueue_dma source(%dma_start3A_432 : memref<32x128xf32, #tpu.memory_space<hbm>>) target(%dma_start3A_430 : memref<32x128xf32, #tpu.memory_space<vmem>>) target_semaphore(%arg16 : memref<!tpu.dma_semaphore, #tpu.memory_space<semaphore_mem>>)
    %get3A_433 = arith.constant 7 : index
    %get3A_434 = tpu.vector_load %arg5[%get3A_433] {strides = array<i32>} : memref<528xi32, #tpu.memory_space<vmem>>, vector<16xi32>,
    %slice3A_435 = vector.extract_strided_slice %get3A_434 {offsets = [0], sizes = [1], strides = [1]} : vector<16xi32> to vector<1xi32>
    %squeeze3A_436 = vector.extract %slice3A_435[0] : i32 from vector<1xi32>
    %jit3A_437 = arith.constant 128 : i32
    %div3A_438 = arith.divsi %squeeze3A_436, %jit3A_437 : i32
    %sign3A_439 = arith.constant 0 : i32
    %sign3A_440 = arith.cmpi sgt, %squeeze3A_436, %sign3A_439 : i32
    %sign3A_441 = arith.extui %sign3A_440 : i1 to i32
    %sign3A_442 = arith.constant 0 : i32
    %sign3A_443 = arith.cmpi slt, %squeeze3A_436, %sign3A_442 : i32
    %sign3A_444 = arith.extui %sign3A_443 : i1 to i32
    %sign3A_445 = arith.subi %sign3A_441, %sign3A_444 : i32
    %sign3A_446 = arith.constant 0 : i32
    %sign3A_447 = arith.cmpi sgt, %jit3A_437, %sign3A_446 : i32
    %sign3A_448 = arith.extui %sign3A_447 : i1 to i32
    %sign3A_449 = arith.constant 0 : i32
    %sign3A_450 = arith.cmpi slt, %jit3A_437, %sign3A_449 : i32
    %sign3A_451 = arith.extui %sign3A_450 : i1 to i32
    %sign3A_452 = arith.subi %sign3A_448, %sign3A_451 : i32
    %ne3A_453 = arith.cmpi ne, %sign3A_445, %sign3A_452 : i32
    %rem3A_454 = arith.remsi %squeeze3A_436, %jit3A_437 : i32
    %ne3A_455 = arith.constant 0 : i32
    %ne3A_456 = arith.cmpi ne, %rem3A_454, %ne3A_455 : i32
    %and3A_457 = arith.andi %ne3A_453, %ne3A_456 : i1
    %sub3A_458 = arith.constant 1 : i32
    %sub3A_459 = arith.subi %div3A_438, %sub3A_458 : i32
    %select_n3A_460 = arith.select %and3A_457, %sub3A_459, %div3A_438 : i32
    %min3A_461 = arith.constant 7811 : i32
    %min3A_462 = arith.minsi %select_n3A_460, %min3A_461 : i32
    %mul3A_463 = arith.constant 128 : i32
    %mul3A_464 = arith.muli %min3A_462, %mul3A_463 : i32
    %multiple_of3A_465 = tpu.assume_multiple %mul3A_464, 128 : i32
    %dma_start3A_466 = arith.constant 7 : i32
    %dma_start3A_467 = arith.constant 0 : i32
    %dma_start3A_468 = arith.constant 0 : i32
    %dma_start3A_469 = tpu.memref_slice %arg6[%dma_start3A_466, %dma_start3A_467, %dma_start3A_468] : memref<8x64x128xf32, #tpu.memory_space<vmem>> -> memref<1x32x128xf32, #tpu.memory_space<vmem>>
    %dma_start3A_470 = tpu.memref_squeeze %dma_start3A_469 : memref<1x32x128xf32, #tpu.memory_space<vmem>> -> memref<32x128xf32, #tpu.memory_space<vmem>>
    %dma_start3A_471 = arith.constant 0 : i32
    %dma_start3A_472 = tpu.memref_slice %arg2[%dma_start3A_471, %multiple_of3A_465] : memref<64x1000001xf32, #tpu.memory_space<hbm>> -> memref<32x128xf32, #tpu.memory_space<hbm>>
    %dma_start3A_473 = arith.constant 0 : i32
    %dma_start3A_474 = arith.constant 0 : i32
    %dma_start3A_475 = tpu.memref_slice %arg6[%dma_start3A_466, %dma_start3A_473, %dma_start3A_474] : memref<8x64x128xf32, #tpu.memory_space<vmem>> -> memref<1x32x128xf32, #tpu.memory_space<vmem>>
    %dma_start3A_476 = tpu.memref_squeeze %dma_start3A_475 : memref<1x32x128xf32, #tpu.memory_space<vmem>> -> memref<32x128xf32, #tpu.memory_space<vmem>>
    %dma_start3A_477 = arith.constant 0 : i32
    %dma_start3A_478 = tpu.memref_slice %arg2[%dma_start3A_477, %multiple_of3A_465] : memref<64x1000001xf32, #tpu.memory_space<hbm>> -> memref<32x128xf32, #tpu.memory_space<hbm>>
    tpu.enqueue_dma source(%dma_start3A_478 : memref<32x128xf32, #tpu.memory_space<hbm>>) target(%dma_start3A_476 : memref<32x128xf32, #tpu.memory_space<vmem>>) target_semaphore(%arg17 : memref<!tpu.dma_semaphore, #tpu.memory_space<semaphore_mem>>)
    %dma_start3A_479 = arith.constant 7 : i32
    %dma_start3A_480 = arith.constant 32 : i32
    %dma_start3A_481 = arith.constant 0 : i32
    %dma_start3A_482 = tpu.memref_slice %arg6[%dma_start3A_479, %dma_start3A_480, %dma_start3A_481] : memref<8x64x128xf32, #tpu.memory_space<vmem>> -> memref<1x32x128xf32, #tpu.memory_space<vmem>>
    %dma_start3A_483 = tpu.memref_squeeze %dma_start3A_482 : memref<1x32x128xf32, #tpu.memory_space<vmem>> -> memref<32x128xf32, #tpu.memory_space<vmem>>
    %dma_start3A_484 = arith.constant 32 : i32
    %dma_start3A_485 = tpu.memref_slice %arg2[%dma_start3A_484, %multiple_of3A_465] : memref<64x1000001xf32, #tpu.memory_space<hbm>> -> memref<32x128xf32, #tpu.memory_space<hbm>>
    %dma_start3A_486 = arith.constant 32 : i32
    %dma_start3A_487 = arith.constant 0 : i32
    %dma_start3A_488 = tpu.memref_slice %arg6[%dma_start3A_479, %dma_start3A_486, %dma_start3A_487] : memref<8x64x128xf32, #tpu.memory_space<vmem>> -> memref<1x32x128xf32, #tpu.memory_space<vmem>>
    %dma_start3A_489 = tpu.memref_squeeze %dma_start3A_488 : memref<1x32x128xf32, #tpu.memory_space<vmem>> -> memref<32x128xf32, #tpu.memory_space<vmem>>
    %dma_start3A_490 = arith.constant 32 : i32
    %dma_start3A_491 = tpu.memref_slice %arg2[%dma_start3A_490, %multiple_of3A_465] : memref<64x1000001xf32, #tpu.memory_space<hbm>> -> memref<32x128xf32, #tpu.memory_space<hbm>>
    tpu.enqueue_dma source(%dma_start3A_491 : memref<32x128xf32, #tpu.memory_space<hbm>>) target(%dma_start3A_489 : memref<32x128xf32, #tpu.memory_space<vmem>>) target_semaphore(%arg17 : memref<!tpu.dma_semaphore, #tpu.memory_space<semaphore_mem>>)
    %scan3A = arith.constant 0 : i32
    %scan3A_492 = arith.constant 0 : i32
    %scan3A_493 = arith.constant 64 : i32
    %scan3A_494 = arith.addi %scan3A_492, %scan3A_493 : i32
    %scan3A_495 = arith.constant 1 : i32
    scf.for %scan3A_497 = %scan3A_492 to %scan3A_494 step %scan3A_495  : i32 {
      %mul3A_498 = arith.constant 8 : i32
      %mul3A_499 = arith.muli %scan3A_497, %mul3A_498 : i32
      %add3A_500 = arith.constant 0 : i32
      %add3A_501 = arith.addi %mul3A_499, %add3A_500 : i32
      %dma_wait3A_502 = arith.constant 0 : i32
      %dma_wait3A_503 = arith.constant 0 : i32
      %dma_wait3A_504 = arith.constant 0 : i32
      %dma_wait3A_505 = tpu.memref_slice %arg6[%dma_wait3A_502, %dma_wait3A_503, %dma_wait3A_504] : memref<8x64x128xf32, #tpu.memory_space<vmem>> -> memref<1x64x128xf32, #tpu.memory_space<vmem>>
      %dma_wait3A_506 = tpu.memref_squeeze %dma_wait3A_505 : memref<1x64x128xf32, #tpu.memory_space<vmem>> -> memref<64x128xf32, #tpu.memory_space<vmem>>
      %dma_wait3A_507 = arith.constant 0 : i32
      %dma_wait3A_508 = arith.constant 0 : i32
      %dma_wait3A_509 = tpu.memref_slice %arg2[%dma_wait3A_507, %dma_wait3A_508] : memref<64x1000001xf32, #tpu.memory_space<hbm>> -> memref<64x128xf32, #tpu.memory_space<hbm>>
      %dma_wait3A_510 = arith.constant 0 : i32
      %dma_wait3A_511 = arith.constant 0 : i32
      %dma_wait3A_512 = tpu.memref_slice %arg6[%dma_wait3A_502, %dma_wait3A_510, %dma_wait3A_511] : memref<8x64x128xf32, #tpu.memory_space<vmem>> -> memref<1x64x128xf32, #tpu.memory_space<vmem>>
      %dma_wait3A_513 = tpu.memref_squeeze %dma_wait3A_512 : memref<1x64x128xf32, #tpu.memory_space<vmem>> -> memref<64x128xf32, #tpu.memory_space<vmem>>
      %dma_wait3A_514 = arith.constant 0 : i32
      %dma_wait3A_515 = arith.constant 0 : i32
      %dma_wait3A_516 = tpu.memref_slice %arg2[%dma_wait3A_514, %dma_wait3A_515] : memref<64x1000001xf32, #tpu.memory_space<hbm>> -> memref<64x128xf32, #tpu.memory_space<hbm>>
      tpu.wait_dma2 semaphore(%arg10 : memref<!tpu.dma_semaphore, #tpu.memory_space<semaphore_mem>>) src(%dma_wait3A_516 : memref<64x128xf32, #tpu.memory_space<hbm>>) dst(%dma_wait3A_513 : memref<64x128xf32, #tpu.memory_space<vmem>>)
      %get3A_517 = arith.index_cast %add3A_501 : i32 to index
      %get3A_518 = tpu.vector_load %arg5[%get3A_517] {strides = array<i32>} : memref<528xi32, #tpu.memory_space<vmem>>, vector<16xi32>,
      %slice3A_519 = vector.extract_strided_slice %get3A_518 {offsets = [0], sizes = [1], strides = [1]} : vector<16xi32> to vector<1xi32>
      %squeeze3A_520 = vector.extract %slice3A_519[0] : i32 from vector<1xi32>
      %broadcast_in_dim3A = arith.constant 0 : i32
      %broadcast_in_dim3A_521 = vector.broadcast %broadcast_in_dim3A : i32 to vector<16xi32>
      %add3A_522 = vector.broadcast %squeeze3A_520 : i32 to vector<16xi32>
      %add3A_523 = arith.addi %broadcast_in_dim3A_521, %add3A_522 : vector<16xi32>
      %rem3A_524 = arith.constant 128 : i32
      %rem3A_525 = vector.broadcast %rem3A_524 : i32 to vector<16xi32>
      %rem3A_526 = arith.remsi %add3A_523, %rem3A_525 : vector<16xi32>
      %sub3A_527 = arith.constant 999936 : i32
      %sub3A_528 = vector.broadcast %sub3A_527 : i32 to vector<16xi32>
      %sub3A_529 = arith.subi %add3A_523, %sub3A_528 : vector<16xi32>
      %max3A = arith.constant 0 : i32
      %max3A_530 = vector.broadcast %max3A : i32 to vector<16xi32>
      %max3A_531 = arith.maxsi %sub3A_529, %max3A_530 : vector<16xi32>
      %ge3A = arith.constant 999936 : i32
      %ge3A_532 = vector.broadcast %ge3A : i32 to vector<16xi32>
      %ge3A_533 = arith.cmpi sge, %add3A_523, %ge3A_532 : vector<16xi32>
      %add3A_534 = vector.broadcast %add3A_501 : i32 to vector<16xi32>
      %add3A_535 = arith.addi %broadcast_in_dim3A_521, %add3A_534 : vector<16xi32>
      %iota3A = tpu.iota {dimensions = array<i32: 0>} : vector<16xi32>
      %add3A_536 = arith.constant 0 : i32
      %add3A_537 = vector.broadcast %add3A_536 : i32 to vector<16xi32>
      %add3A_538 = arith.addi %iota3A, %add3A_537 : vector<16xi32>
      %gather3A = arith.constant 0 : i32
      %gather3A_539 = arith.constant 0 : i32
      %gather3A_540 = arith.constant 0 : i32
      %gather3A_541 = tpu.memref_slice %arg6[%gather3A, %gather3A_539, %gather3A_540] : memref<8x64x128xf32, #tpu.memory_space<vmem>> -> memref<1x64x128xf32, #tpu.memory_space<vmem>>
      %gather3A_542 = tpu.memref_squeeze %gather3A_541 : memref<1x64x128xf32, #tpu.memory_space<vmem>> -> memref<64x128xf32, #tpu.memory_space<vmem>>
      %gather3A_543 = tpu.vector_load_idx %gather3A_542[%add3A_538, %rem3A_526] : memref<64x128xf32, #tpu.memory_space<vmem>>[vector<16xi32>, vector<16xi32>], vector<16xf32>,
      %gather3A_544 = tpu.vector_load_idx %arg7[%add3A_538, %max3A_531] : memref<64x65xf32, #tpu.memory_space<vmem>>[vector<16xi32>, vector<16xi32>], vector<16xf32>,
      %select_n3A_545 = arith.select %ge3A_533, %gather3A_544, %gather3A_543 : vector<16xi1>, vector<16xf32>
      tpu.vector_store_idx %arg8[%add3A_538, %add3A_535], %select_n3A_545 : memref<64x512xf32, #tpu.memory_space<vmem>>[vector<16xi32>, vector<16xi32>], vector<16xf32>,
      %iota3A_546 = tpu.iota {dimensions = array<i32: 0>} : vector<16xi32>
      %add3A_547 = arith.constant 16 : i32
      %add3A_548 = vector.broadcast %add3A_547 : i32 to vector<16xi32>
      %add3A_549 = arith.addi %iota3A_546, %add3A_548 : vector<16xi32>
      %gather3A_550 = arith.constant 0 : i32
      %gather3A_551 = arith.constant 0 : i32
      %gather3A_552 = arith.constant 0 : i32
      %gather3A_553 = tpu.memref_slice %arg6[%gather3A_550, %gather3A_551, %gather3A_552] : memref<8x64x128xf32, #tpu.memory_space<vmem>> -> memref<1x64x128xf32, #tpu.memory_space<vmem>>
      %gather3A_554 = tpu.memref_squeeze %gather3A_553 : memref<1x64x128xf32, #tpu.memory_space<vmem>> -> memref<64x128xf32, #tpu.memory_space<vmem>>
      %gather3A_555 = tpu.vector_load_idx %gather3A_554[%add3A_549, %rem3A_526] : memref<64x128xf32, #tpu.memory_space<vmem>>[vector<16xi32>, vector<16xi32>], vector<16xf32>,
      %gather3A_556 = tpu.vector_load_idx %arg7[%add3A_549, %max3A_531] : memref<64x65xf32, #tpu.memory_space<vmem>>[vector<16xi32>, vector<16xi32>], vector<16xf32>,
      %select_n3A_557 = arith.select %ge3A_533, %gather3A_556, %gather3A_555 : vector<16xi1>, vector<16xf32>
      tpu.vector_store_idx %arg8[%add3A_549, %add3A_535], %select_n3A_557 : memref<64x512xf32, #tpu.memory_space<vmem>>[vector<16xi32>, vector<16xi32>], vector<16xf32>,
      %iota3A_558 = tpu.iota {dimensions = array<i32: 0>} : vector<16xi32>
      %add3A_559 = arith.constant 32 : i32
      %add3A_560 = vector.broadcast %add3A_559 : i32 to vector<16xi32>
      %add3A_561 = arith.addi %iota3A_558, %add3A_560 : vector<16xi32>
      %gather3A_562 = arith.constant 0 : i32
      %gather3A_563 = arith.constant 0 : i32
      %gather3A_564 = arith.constant 0 : i32
      %gather3A_565 = tpu.memref_slice %arg6[%gather3A_562, %gather3A_563, %gather3A_564] : memref<8x64x128xf32, #tpu.memory_space<vmem>> -> memref<1x64x128xf32, #tpu.memory_space<vmem>>
      %gather3A_566 = tpu.memref_squeeze %gather3A_565 : memref<1x64x128xf32, #tpu.memory_space<vmem>> -> memref<64x128xf32, #tpu.memory_space<vmem>>
      %gather3A_567 = tpu.vector_load_idx %gather3A_566[%add3A_561, %rem3A_526] : memref<64x128xf32, #tpu.memory_space<vmem>>[vector<16xi32>, vector<16xi32>], vector<16xf32>,
      %gather3A_568 = tpu.vector_load_idx %arg7[%add3A_561, %max3A_531] : memref<64x65xf32, #tpu.memory_space<vmem>>[vector<16xi32>, vector<16xi32>], vector<16xf32>,
      %select_n3A_569 = arith.select %ge3A_533, %gather3A_568, %gather3A_567 : vector<16xi1>, vector<16xf32>
      tpu.vector_store_idx %arg8[%add3A_561, %add3A_535], %select_n3A_569 : memref<64x512xf32, #tpu.memory_space<vmem>>[vector<16xi32>, vector<16xi32>], vector<16xf32>,
      %iota3A_570 = tpu.iota {dimensions = array<i32: 0>} : vector<16xi32>
      %add3A_571 = arith.constant 48 : i32
      %add3A_572 = vector.broadcast %add3A_571 : i32 to vector<16xi32>
      %add3A_573 = arith.addi %iota3A_570, %add3A_572 : vector<16xi32>
      %gather3A_574 = arith.constant 0 : i32
      %gather3A_575 = arith.constant 0 : i32
      %gather3A_576 = arith.constant 0 : i32
      %gather3A_577 = tpu.memref_slice %arg6[%gather3A_574, %gather3A_575, %gather3A_576] : memref<8x64x128xf32, #tpu.memory_space<vmem>> -> memref<1x64x128xf32, #tpu.memory_space<vmem>>
      %gather3A_578 = tpu.memref_squeeze %gather3A_577 : memref<1x64x128xf32, #tpu.memory_space<vmem>> -> memref<64x128xf32, #tpu.memory_space<vmem>>
      %gather3A_579 = tpu.vector_load_idx %gather3A_578[%add3A_573, %rem3A_526] : memref<64x128xf32, #tpu.memory_space<vmem>>[vector<16xi32>, vector<16xi32>], vector<16xf32>,
      %gather3A_580 = tpu.vector_load_idx %arg7[%add3A_573, %max3A_531] : memref<64x65xf32, #tpu.memory_space<vmem>>[vector<16xi32>, vector<16xi32>], vector<16xf32>,
      %select_n3A_581 = arith.select %ge3A_533, %gather3A_580, %gather3A_579 : vector<16xi1>, vector<16xf32>
      tpu.vector_store_idx %arg8[%add3A_573, %add3A_535], %select_n3A_581 : memref<64x512xf32, #tpu.memory_space<vmem>>[vector<16xi32>, vector<16xi32>], vector<16xf32>,
      %lt3A = arith.constant 63 : i32
      %lt3A_582 = arith.cmpi slt, %scan3A_497, %lt3A : i32
      %convert_element_type3A = arith.extui %lt3A_582 : i1 to i32
      %cond3A = arith.constant 0 : i32
      %cond3A_583 = arith.cmpi ne, %convert_element_type3A, %cond3A : i32
      scf.if %cond3A_583 {
        %add3A_1242 = arith.constant 8 : i32
        %add3A_1243 = arith.addi %add3A_501, %add3A_1242 : i32
        %get3A_1244 = arith.index_cast %add3A_1243 : i32 to index
        %get3A_1245 = tpu.vector_load %arg5[%get3A_1244] {strides = array<i32>} : memref<528xi32, #tpu.memory_space<vmem>>, vector<16xi32>,
        %slice3A_1246 = vector.extract_strided_slice %get3A_1245 {offsets = [0], sizes = [1], strides = [1]} : vector<16xi32> to vector<1xi32>
        %squeeze3A_1247 = vector.extract %slice3A_1246[0] : i32 from vector<1xi32>
        %jit3A_1248 = arith.constant 128 : i32
        %div3A_1249 = arith.divsi %squeeze3A_1247, %jit3A_1248 : i32
        %sign3A_1250 = arith.constant 0 : i32
        %sign3A_1251 = arith.cmpi sgt, %squeeze3A_1247, %sign3A_1250 : i32
        %sign3A_1252 = arith.extui %sign3A_1251 : i1 to i32
        %sign3A_1253 = arith.constant 0 : i32
        %sign3A_1254 = arith.cmpi slt, %squeeze3A_1247, %sign3A_1253 : i32
        %sign3A_1255 = arith.extui %sign3A_1254 : i1 to i32
        %sign3A_1256 = arith.subi %sign3A_1252, %sign3A_1255 : i32
        %sign3A_1257 = arith.constant 0 : i32
        %sign3A_1258 = arith.cmpi sgt, %jit3A_1248, %sign3A_1257 : i32
        %sign3A_1259 = arith.extui %sign3A_1258 : i1 to i32
        %sign3A_1260 = arith.constant 0 : i32
        %sign3A_1261 = arith.cmpi slt, %jit3A_1248, %sign3A_1260 : i32
        %sign3A_1262 = arith.extui %sign3A_1261 : i1 to i32
        %sign3A_1263 = arith.subi %sign3A_1259, %sign3A_1262 : i32
        %ne3A_1264 = arith.cmpi ne, %sign3A_1256, %sign3A_1263 : i32
        %rem3A_1265 = arith.remsi %squeeze3A_1247, %jit3A_1248 : i32
        %ne3A_1266 = arith.constant 0 : i32
        %ne3A_1267 = arith.cmpi ne, %rem3A_1265, %ne3A_1266 : i32
        %and3A_1268 = arith.andi %ne3A_1264, %ne3A_1267 : i1
        %sub3A_1269 = arith.constant 1 : i32
        %sub3A_1270 = arith.subi %div3A_1249, %sub3A_1269 : i32
        %select_n3A_1271 = arith.select %and3A_1268, %sub3A_1270, %div3A_1249 : i32
        %min3A_1272 = arith.constant 7811 : i32
        %min3A_1273 = arith.minsi %select_n3A_1271, %min3A_1272 : i32
        %mul3A_1274 = arith.constant 128 : i32
        %mul3A_1275 = arith.muli %min3A_1273, %mul3A_1274 : i32
        %multiple_of3A_1276 = tpu.assume_multiple %mul3A_1275, 128 : i32
        %dma_start3A_1277 = arith.constant 0 : i32
        %dma_start3A_1278 = arith.constant 0 : i32
        %dma_start3A_1279 = arith.constant 0 : i32
        %dma_start3A_1280 = tpu.memref_slice %arg6[%dma_start3A_1277, %dma_start3A_1278, %dma_start3A_1279] : memref<8x64x128xf32, #tpu.memory_space<vmem>> -> memref<1x32x128xf32, #tpu.memory_space<vmem>>
        %dma_start3A_1281 = tpu.memref_squeeze %dma_start3A_1280 : memref<1x32x128xf32, #tpu.memory_space<vmem>> -> memref<32x128xf32, #tpu.memory_space<vmem>>
        %dma_start3A_1282 = arith.constant 0 : i32
        %dma_start3A_1283 = tpu.memref_slice %arg2[%dma_start3A_1282, %multiple_of3A_1276] : memref<64x1000001xf32, #tpu.memory_space<hbm>> -> memref<32x128xf32, #tpu.memory_space<hbm>>
        %dma_start3A_1284 = arith.constant 0 : i32
        %dma_start3A_1285 = arith.constant 0 : i32
        %dma_start3A_1286 = tpu.memref_slice %arg6[%dma_start3A_1277, %dma_start3A_1284, %dma_start3A_1285] : memref<8x64x128xf32, #tpu.memory_space<vmem>> -> memref<1x32x128xf32, #tpu.memory_space<vmem>>
        %dma_start3A_1287 = tpu.memref_squeeze %dma_start3A_1286 : memref<1x32x128xf32, #tpu.memory_space<vmem>> -> memref<32x128xf32, #tpu.memory_space<vmem>>
        %dma_start3A_1288 = arith.constant 0 : i32
        %dma_start3A_1289 = tpu.memref_slice %arg2[%dma_start3A_1288, %multiple_of3A_1276] : memref<64x1000001xf32, #tpu.memory_space<hbm>> -> memref<32x128xf32, #tpu.memory_space<hbm>>
        tpu.enqueue_dma source(%dma_start3A_1289 : memref<32x128xf32, #tpu.memory_space<hbm>>) target(%dma_start3A_1287 : memref<32x128xf32, #tpu.memory_space<vmem>>) target_semaphore(%arg10 : memref<!tpu.dma_semaphore, #tpu.memory_space<semaphore_mem>>)
        %dma_start3A_1290 = arith.constant 0 : i32
        %dma_start3A_1291 = arith.constant 32 : i32
        %dma_start3A_1292 = arith.constant 0 : i32
        %dma_start3A_1293 = tpu.memref_slice %arg6[%dma_start3A_1290, %dma_start3A_1291, %dma_start3A_1292] : memref<8x64x128xf32, #tpu.memory_space<vmem>> -> memref<1x32x128xf32, #tpu.memory_space<vmem>>
        %dma_start3A_1294 = tpu.memref_squeeze %dma_start3A_1293 : memref<1x32x128xf32, #tpu.memory_space<vmem>> -> memref<32x128xf32, #tpu.memory_space<vmem>>
        %dma_start3A_1295 = arith.constant 32 : i32
        %dma_start3A_1296 = tpu.memref_slice %arg2[%dma_start3A_1295, %multiple_of3A_1276] : memref<64x1000001xf32, #tpu.memory_space<hbm>> -> memref<32x128xf32, #tpu.memory_space<hbm>>
        %dma_start3A_1297 = arith.constant 32 : i32
        %dma_start3A_1298 = arith.constant 0 : i32
        %dma_start3A_1299 = tpu.memref_slice %arg6[%dma_start3A_1290, %dma_start3A_1297, %dma_start3A_1298] : memref<8x64x128xf32, #tpu.memory_space<vmem>> -> memref<1x32x128xf32, #tpu.memory_space<vmem>>
        %dma_start3A_1300 = tpu.memref_squeeze %dma_start3A_1299 : memref<1x32x128xf32, #tpu.memory_space<vmem>> -> memref<32x128xf32, #tpu.memory_space<vmem>>
        %dma_start3A_1301 = arith.constant 32 : i32
        %dma_start3A_1302 = tpu.memref_slice %arg2[%dma_start3A_1301, %multiple_of3A_1276] : memref<64x1000001xf32, #tpu.memory_space<hbm>> -> memref<32x128xf32, #tpu.memory_space<hbm>>
        tpu.enqueue_dma source(%dma_start3A_1302 : memref<32x128xf32, #tpu.memory_space<hbm>>) target(%dma_start3A_1300 : memref<32x128xf32, #tpu.memory_space<vmem>>) target_semaphore(%arg10 : memref<!tpu.dma_semaphore, #tpu.memory_space<semaphore_mem>>)
      } else {
      }
      %mul3A_584 = arith.constant 8 : i32
      %mul3A_585 = arith.muli %scan3A_497, %mul3A_584 : i32
      %add3A_586 = arith.constant 1 : i32
      %add3A_587 = arith.addi %mul3A_585, %add3A_586 : i32
      %dma_wait3A_588 = arith.constant 1 : i32
      %dma_wait3A_589 = arith.constant 0 : i32
      %dma_wait3A_590 = arith.constant 0 : i32
      %dma_wait3A_591 = tpu.memref_slice %arg6[%dma_wait3A_588, %dma_wait3A_589, %dma_wait3A_590] : memref<8x64x128xf32, #tpu.memory_space<vmem>> -> memref<1x64x128xf32, #tpu.memory_space<vmem>>
      %dma_wait3A_592 = tpu.memref_squeeze %dma_wait3A_591 : memref<1x64x128xf32, #tpu.memory_space<vmem>> -> memref<64x128xf32, #tpu.memory_space<vmem>>
      %dma_wait3A_593 = arith.constant 0 : i32
      %dma_wait3A_594 = arith.constant 0 : i32
      %dma_wait3A_595 = tpu.memref_slice %arg2[%dma_wait3A_593, %dma_wait3A_594] : memref<64x1000001xf32, #tpu.memory_space<hbm>> -> memref<64x128xf32, #tpu.memory_space<hbm>>
      %dma_wait3A_596 = arith.constant 0 : i32
      %dma_wait3A_597 = arith.constant 0 : i32
      %dma_wait3A_598 = tpu.memref_slice %arg6[%dma_wait3A_588, %dma_wait3A_596, %dma_wait3A_597] : memref<8x64x128xf32, #tpu.memory_space<vmem>> -> memref<1x64x128xf32, #tpu.memory_space<vmem>>
      %dma_wait3A_599 = tpu.memref_squeeze %dma_wait3A_598 : memref<1x64x128xf32, #tpu.memory_space<vmem>> -> memref<64x128xf32, #tpu.memory_space<vmem>>
      %dma_wait3A_600 = arith.constant 0 : i32
      %dma_wait3A_601 = arith.constant 0 : i32
      %dma_wait3A_602 = tpu.memref_slice %arg2[%dma_wait3A_600, %dma_wait3A_601] : memref<64x1000001xf32, #tpu.memory_space<hbm>> -> memref<64x128xf32, #tpu.memory_space<hbm>>
      tpu.wait_dma2 semaphore(%arg11 : memref<!tpu.dma_semaphore, #tpu.memory_space<semaphore_mem>>) src(%dma_wait3A_602 : memref<64x128xf32, #tpu.memory_space<hbm>>) dst(%dma_wait3A_599 : memref<64x128xf32, #tpu.memory_space<vmem>>)
      %get3A_603 = arith.index_cast %add3A_587 : i32 to index
      %get3A_604 = tpu.vector_load %arg5[%get3A_603] {strides = array<i32>} : memref<528xi32, #tpu.memory_space<vmem>>, vector<16xi32>,
      %slice3A_605 = vector.extract_strided_slice %get3A_604 {offsets = [0], sizes = [1], strides = [1]} : vector<16xi32> to vector<1xi32>
      %squeeze3A_606 = vector.extract %slice3A_605[0] : i32 from vector<1xi32>
      %broadcast_in_dim3A_607 = arith.constant 0 : i32
      %broadcast_in_dim3A_608 = vector.broadcast %broadcast_in_dim3A_607 : i32 to vector<16xi32>
      %add3A_609 = vector.broadcast %squeeze3A_606 : i32 to vector<16xi32>
      %add3A_610 = arith.addi %broadcast_in_dim3A_608, %add3A_609 : vector<16xi32>
      %rem3A_611 = arith.constant 128 : i32
      %rem3A_612 = vector.broadcast %rem3A_611 : i32 to vector<16xi32>
      %rem3A_613 = arith.remsi %add3A_610, %rem3A_612 : vector<16xi32>
      %sub3A_614 = arith.constant 999936 : i32
      %sub3A_615 = vector.broadcast %sub3A_614 : i32 to vector<16xi32>
      %sub3A_616 = arith.subi %add3A_610, %sub3A_615 : vector<16xi32>
      %max3A_617 = arith.constant 0 : i32
      %max3A_618 = vector.broadcast %max3A_617 : i32 to vector<16xi32>
      %max3A_619 = arith.maxsi %sub3A_616, %max3A_618 : vector<16xi32>
      %ge3A_620 = arith.constant 999936 : i32
      %ge3A_621 = vector.broadcast %ge3A_620 : i32 to vector<16xi32>
      %ge3A_622 = arith.cmpi sge, %add3A_610, %ge3A_621 : vector<16xi32>
      %add3A_623 = vector.broadcast %add3A_587 : i32 to vector<16xi32>
      %add3A_624 = arith.addi %broadcast_in_dim3A_608, %add3A_623 : vector<16xi32>
      %iota3A_625 = tpu.iota {dimensions = array<i32: 0>} : vector<16xi32>
      %add3A_626 = arith.constant 0 : i32
      %add3A_627 = vector.broadcast %add3A_626 : i32 to vector<16xi32>
      %add3A_628 = arith.addi %iota3A_625, %add3A_627 : vector<16xi32>
      %gather3A_629 = arith.constant 1 : i32
      %gather3A_630 = arith.constant 0 : i32
      %gather3A_631 = arith.constant 0 : i32
      %gather3A_632 = tpu.memref_slice %arg6[%gather3A_629, %gather3A_630, %gather3A_631] : memref<8x64x128xf32, #tpu.memory_space<vmem>> -> memref<1x64x128xf32, #tpu.memory_space<vmem>>
      %gather3A_633 = tpu.memref_squeeze %gather3A_632 : memref<1x64x128xf32, #tpu.memory_space<vmem>> -> memref<64x128xf32, #tpu.memory_space<vmem>>
      %gather3A_634 = tpu.vector_load_idx %gather3A_633[%add3A_628, %rem3A_613] : memref<64x128xf32, #tpu.memory_space<vmem>>[vector<16xi32>, vector<16xi32>], vector<16xf32>,
      %gather3A_635 = tpu.vector_load_idx %arg7[%add3A_628, %max3A_619] : memref<64x65xf32, #tpu.memory_space<vmem>>[vector<16xi32>, vector<16xi32>], vector<16xf32>,
      %select_n3A_636 = arith.select %ge3A_622, %gather3A_635, %gather3A_634 : vector<16xi1>, vector<16xf32>
      tpu.vector_store_idx %arg8[%add3A_628, %add3A_624], %select_n3A_636 : memref<64x512xf32, #tpu.memory_space<vmem>>[vector<16xi32>, vector<16xi32>], vector<16xf32>,
      %iota3A_637 = tpu.iota {dimensions = array<i32: 0>} : vector<16xi32>
      %add3A_638 = arith.constant 16 : i32
      %add3A_639 = vector.broadcast %add3A_638 : i32 to vector<16xi32>
      %add3A_640 = arith.addi %iota3A_637, %add3A_639 : vector<16xi32>
      %gather3A_641 = arith.constant 1 : i32
      %gather3A_642 = arith.constant 0 : i32
      %gather3A_643 = arith.constant 0 : i32
      %gather3A_644 = tpu.memref_slice %arg6[%gather3A_641, %gather3A_642, %gather3A_643] : memref<8x64x128xf32, #tpu.memory_space<vmem>> -> memref<1x64x128xf32, #tpu.memory_space<vmem>>
      %gather3A_645 = tpu.memref_squeeze %gather3A_644 : memref<1x64x128xf32, #tpu.memory_space<vmem>> -> memref<64x128xf32, #tpu.memory_space<vmem>>
      %gather3A_646 = tpu.vector_load_idx %gather3A_645[%add3A_640, %rem3A_613] : memref<64x128xf32, #tpu.memory_space<vmem>>[vector<16xi32>, vector<16xi32>], vector<16xf32>,
      %gather3A_647 = tpu.vector_load_idx %arg7[%add3A_640, %max3A_619] : memref<64x65xf32, #tpu.memory_space<vmem>>[vector<16xi32>, vector<16xi32>], vector<16xf32>,
      %select_n3A_648 = arith.select %ge3A_622, %gather3A_647, %gather3A_646 : vector<16xi1>, vector<16xf32>
      tpu.vector_store_idx %arg8[%add3A_640, %add3A_624], %select_n3A_648 : memref<64x512xf32, #tpu.memory_space<vmem>>[vector<16xi32>, vector<16xi32>], vector<16xf32>,
      %iota3A_649 = tpu.iota {dimensions = array<i32: 0>} : vector<16xi32>
      %add3A_650 = arith.constant 32 : i32
      %add3A_651 = vector.broadcast %add3A_650 : i32 to vector<16xi32>
      %add3A_652 = arith.addi %iota3A_649, %add3A_651 : vector<16xi32>
      %gather3A_653 = arith.constant 1 : i32
      %gather3A_654 = arith.constant 0 : i32
      %gather3A_655 = arith.constant 0 : i32
      %gather3A_656 = tpu.memref_slice %arg6[%gather3A_653, %gather3A_654, %gather3A_655] : memref<8x64x128xf32, #tpu.memory_space<vmem>> -> memref<1x64x128xf32, #tpu.memory_space<vmem>>
      %gather3A_657 = tpu.memref_squeeze %gather3A_656 : memref<1x64x128xf32, #tpu.memory_space<vmem>> -> memref<64x128xf32, #tpu.memory_space<vmem>>
      %gather3A_658 = tpu.vector_load_idx %gather3A_657[%add3A_652, %rem3A_613] : memref<64x128xf32, #tpu.memory_space<vmem>>[vector<16xi32>, vector<16xi32>], vector<16xf32>,
      %gather3A_659 = tpu.vector_load_idx %arg7[%add3A_652, %max3A_619] : memref<64x65xf32, #tpu.memory_space<vmem>>[vector<16xi32>, vector<16xi32>], vector<16xf32>,
      %select_n3A_660 = arith.select %ge3A_622, %gather3A_659, %gather3A_658 : vector<16xi1>, vector<16xf32>
      tpu.vector_store_idx %arg8[%add3A_652, %add3A_624], %select_n3A_660 : memref<64x512xf32, #tpu.memory_space<vmem>>[vector<16xi32>, vector<16xi32>], vector<16xf32>,
      %iota3A_661 = tpu.iota {dimensions = array<i32: 0>} : vector<16xi32>
      %add3A_662 = arith.constant 48 : i32
      %add3A_663 = vector.broadcast %add3A_662 : i32 to vector<16xi32>
      %add3A_664 = arith.addi %iota3A_661, %add3A_663 : vector<16xi32>
      %gather3A_665 = arith.constant 1 : i32
      %gather3A_666 = arith.constant 0 : i32
      %gather3A_667 = arith.constant 0 : i32
      %gather3A_668 = tpu.memref_slice %arg6[%gather3A_665, %gather3A_666, %gather3A_667] : memref<8x64x128xf32, #tpu.memory_space<vmem>> -> memref<1x64x128xf32, #tpu.memory_space<vmem>>
      %gather3A_669 = tpu.memref_squeeze %gather3A_668 : memref<1x64x128xf32, #tpu.memory_space<vmem>> -> memref<64x128xf32, #tpu.memory_space<vmem>>
      %gather3A_670 = tpu.vector_load_idx %gather3A_669[%add3A_664, %rem3A_613] : memref<64x128xf32, #tpu.memory_space<vmem>>[vector<16xi32>, vector<16xi32>], vector<16xf32>,
      %gather3A_671 = tpu.vector_load_idx %arg7[%add3A_664, %max3A_619] : memref<64x65xf32, #tpu.memory_space<vmem>>[vector<16xi32>, vector<16xi32>], vector<16xf32>,
      %select_n3A_672 = arith.select %ge3A_622, %gather3A_671, %gather3A_670 : vector<16xi1>, vector<16xf32>
      tpu.vector_store_idx %arg8[%add3A_664, %add3A_624], %select_n3A_672 : memref<64x512xf32, #tpu.memory_space<vmem>>[vector<16xi32>, vector<16xi32>], vector<16xf32>,
      %lt3A_673 = arith.constant 63 : i32
      %lt3A_674 = arith.cmpi slt, %scan3A_497, %lt3A_673 : i32
      %convert_element_type3A_675 = arith.extui %lt3A_674 : i1 to i32
      %cond3A_676 = arith.constant 0 : i32
      %cond3A_677 = arith.cmpi ne, %convert_element_type3A_675, %cond3A_676 : i32
      scf.if %cond3A_677 {
        %add3A_1242 = arith.constant 8 : i32
        %add3A_1243 = arith.addi %add3A_587, %add3A_1242 : i32
        %get3A_1244 = arith.index_cast %add3A_1243 : i32 to index
        %get3A_1245 = tpu.vector_load %arg5[%get3A_1244] {strides = array<i32>} : memref<528xi32, #tpu.memory_space<vmem>>, vector<16xi32>,
        %slice3A_1246 = vector.extract_strided_slice %get3A_1245 {offsets = [0], sizes = [1], strides = [1]} : vector<16xi32> to vector<1xi32>
        %squeeze3A_1247 = vector.extract %slice3A_1246[0] : i32 from vector<1xi32>
        %jit3A_1248 = arith.constant 128 : i32
        %div3A_1249 = arith.divsi %squeeze3A_1247, %jit3A_1248 : i32
        %sign3A_1250 = arith.constant 0 : i32
        %sign3A_1251 = arith.cmpi sgt, %squeeze3A_1247, %sign3A_1250 : i32
        %sign3A_1252 = arith.extui %sign3A_1251 : i1 to i32
        %sign3A_1253 = arith.constant 0 : i32
        %sign3A_1254 = arith.cmpi slt, %squeeze3A_1247, %sign3A_1253 : i32
        %sign3A_1255 = arith.extui %sign3A_1254 : i1 to i32
        %sign3A_1256 = arith.subi %sign3A_1252, %sign3A_1255 : i32
        %sign3A_1257 = arith.constant 0 : i32
        %sign3A_1258 = arith.cmpi sgt, %jit3A_1248, %sign3A_1257 : i32
        %sign3A_1259 = arith.extui %sign3A_1258 : i1 to i32
        %sign3A_1260 = arith.constant 0 : i32
        %sign3A_1261 = arith.cmpi slt, %jit3A_1248, %sign3A_1260 : i32
        %sign3A_1262 = arith.extui %sign3A_1261 : i1 to i32
        %sign3A_1263 = arith.subi %sign3A_1259, %sign3A_1262 : i32
        %ne3A_1264 = arith.cmpi ne, %sign3A_1256, %sign3A_1263 : i32
        %rem3A_1265 = arith.remsi %squeeze3A_1247, %jit3A_1248 : i32
        %ne3A_1266 = arith.constant 0 : i32
        %ne3A_1267 = arith.cmpi ne, %rem3A_1265, %ne3A_1266 : i32
        %and3A_1268 = arith.andi %ne3A_1264, %ne3A_1267 : i1
        %sub3A_1269 = arith.constant 1 : i32
        %sub3A_1270 = arith.subi %div3A_1249, %sub3A_1269 : i32
        %select_n3A_1271 = arith.select %and3A_1268, %sub3A_1270, %div3A_1249 : i32
        %min3A_1272 = arith.constant 7811 : i32
        %min3A_1273 = arith.minsi %select_n3A_1271, %min3A_1272 : i32
        %mul3A_1274 = arith.constant 128 : i32
        %mul3A_1275 = arith.muli %min3A_1273, %mul3A_1274 : i32
        %multiple_of3A_1276 = tpu.assume_multiple %mul3A_1275, 128 : i32
        %dma_start3A_1277 = arith.constant 1 : i32
        %dma_start3A_1278 = arith.constant 0 : i32
        %dma_start3A_1279 = arith.constant 0 : i32
        %dma_start3A_1280 = tpu.memref_slice %arg6[%dma_start3A_1277, %dma_start3A_1278, %dma_start3A_1279] : memref<8x64x128xf32, #tpu.memory_space<vmem>> -> memref<1x32x128xf32, #tpu.memory_space<vmem>>
        %dma_start3A_1281 = tpu.memref_squeeze %dma_start3A_1280 : memref<1x32x128xf32, #tpu.memory_space<vmem>> -> memref<32x128xf32, #tpu.memory_space<vmem>>
        %dma_start3A_1282 = arith.constant 0 : i32
        %dma_start3A_1283 = tpu.memref_slice %arg2[%dma_start3A_1282, %multiple_of3A_1276] : memref<64x1000001xf32, #tpu.memory_space<hbm>> -> memref<32x128xf32, #tpu.memory_space<hbm>>
        %dma_start3A_1284 = arith.constant 0 : i32
        %dma_start3A_1285 = arith.constant 0 : i32
        %dma_start3A_1286 = tpu.memref_slice %arg6[%dma_start3A_1277, %dma_start3A_1284, %dma_start3A_1285] : memref<8x64x128xf32, #tpu.memory_space<vmem>> -> memref<1x32x128xf32, #tpu.memory_space<vmem>>
        %dma_start3A_1287 = tpu.memref_squeeze %dma_start3A_1286 : memref<1x32x128xf32, #tpu.memory_space<vmem>> -> memref<32x128xf32, #tpu.memory_space<vmem>>
        %dma_start3A_1288 = arith.constant 0 : i32
        %dma_start3A_1289 = tpu.memref_slice %arg2[%dma_start3A_1288, %multiple_of3A_1276] : memref<64x1000001xf32, #tpu.memory_space<hbm>> -> memref<32x128xf32, #tpu.memory_space<hbm>>
        tpu.enqueue_dma source(%dma_start3A_1289 : memref<32x128xf32, #tpu.memory_space<hbm>>) target(%dma_start3A_1287 : memref<32x128xf32, #tpu.memory_space<vmem>>) target_semaphore(%arg11 : memref<!tpu.dma_semaphore, #tpu.memory_space<semaphore_mem>>)
        %dma_start3A_1290 = arith.constant 1 : i32
        %dma_start3A_1291 = arith.constant 32 : i32
        %dma_start3A_1292 = arith.constant 0 : i32
        %dma_start3A_1293 = tpu.memref_slice %arg6[%dma_start3A_1290, %dma_start3A_1291, %dma_start3A_1292] : memref<8x64x128xf32, #tpu.memory_space<vmem>> -> memref<1x32x128xf32, #tpu.memory_space<vmem>>
        %dma_start3A_1294 = tpu.memref_squeeze %dma_start3A_1293 : memref<1x32x128xf32, #tpu.memory_space<vmem>> -> memref<32x128xf32, #tpu.memory_space<vmem>>
        %dma_start3A_1295 = arith.constant 32 : i32
        %dma_start3A_1296 = tpu.memref_slice %arg2[%dma_start3A_1295, %multiple_of3A_1276] : memref<64x1000001xf32, #tpu.memory_space<hbm>> -> memref<32x128xf32, #tpu.memory_space<hbm>>
        %dma_start3A_1297 = arith.constant 32 : i32
        %dma_start3A_1298 = arith.constant 0 : i32
        %dma_start3A_1299 = tpu.memref_slice %arg6[%dma_start3A_1290, %dma_start3A_1297, %dma_start3A_1298] : memref<8x64x128xf32, #tpu.memory_space<vmem>> -> memref<1x32x128xf32, #tpu.memory_space<vmem>>
        %dma_start3A_1300 = tpu.memref_squeeze %dma_start3A_1299 : memref<1x32x128xf32, #tpu.memory_space<vmem>> -> memref<32x128xf32, #tpu.memory_space<vmem>>
        %dma_start3A_1301 = arith.constant 32 : i32
        %dma_start3A_1302 = tpu.memref_slice %arg2[%dma_start3A_1301, %multiple_of3A_1276] : memref<64x1000001xf32, #tpu.memory_space<hbm>> -> memref<32x128xf32, #tpu.memory_space<hbm>>
        tpu.enqueue_dma source(%dma_start3A_1302 : memref<32x128xf32, #tpu.memory_space<hbm>>) target(%dma_start3A_1300 : memref<32x128xf32, #tpu.memory_space<vmem>>) target_semaphore(%arg11 : memref<!tpu.dma_semaphore, #tpu.memory_space<semaphore_mem>>)
      } else {
      }
      %mul3A_678 = arith.constant 8 : i32
      %mul3A_679 = arith.muli %scan3A_497, %mul3A_678 : i32
      %add3A_680 = arith.constant 2 : i32
      %add3A_681 = arith.addi %mul3A_679, %add3A_680 : i32
      %dma_wait3A_682 = arith.constant 2 : i32
      %dma_wait3A_683 = arith.constant 0 : i32
      %dma_wait3A_684 = arith.constant 0 : i32
      %dma_wait3A_685 = tpu.memref_slice %arg6[%dma_wait3A_682, %dma_wait3A_683, %dma_wait3A_684] : memref<8x64x128xf32, #tpu.memory_space<vmem>> -> memref<1x64x128xf32, #tpu.memory_space<vmem>>
      %dma_wait3A_686 = tpu.memref_squeeze %dma_wait3A_685 : memref<1x64x128xf32, #tpu.memory_space<vmem>> -> memref<64x128xf32, #tpu.memory_space<vmem>>
      %dma_wait3A_687 = arith.constant 0 : i32
      %dma_wait3A_688 = arith.constant 0 : i32
      %dma_wait3A_689 = tpu.memref_slice %arg2[%dma_wait3A_687, %dma_wait3A_688] : memref<64x1000001xf32, #tpu.memory_space<hbm>> -> memref<64x128xf32, #tpu.memory_space<hbm>>
      %dma_wait3A_690 = arith.constant 0 : i32
      %dma_wait3A_691 = arith.constant 0 : i32
      %dma_wait3A_692 = tpu.memref_slice %arg6[%dma_wait3A_682, %dma_wait3A_690, %dma_wait3A_691] : memref<8x64x128xf32, #tpu.memory_space<vmem>> -> memref<1x64x128xf32, #tpu.memory_space<vmem>>
      %dma_wait3A_693 = tpu.memref_squeeze %dma_wait3A_692 : memref<1x64x128xf32, #tpu.memory_space<vmem>> -> memref<64x128xf32, #tpu.memory_space<vmem>>
      %dma_wait3A_694 = arith.constant 0 : i32
      %dma_wait3A_695 = arith.constant 0 : i32
      %dma_wait3A_696 = tpu.memref_slice %arg2[%dma_wait3A_694, %dma_wait3A_695] : memref<64x1000001xf32, #tpu.memory_space<hbm>> -> memref<64x128xf32, #tpu.memory_space<hbm>>
      tpu.wait_dma2 semaphore(%arg12 : memref<!tpu.dma_semaphore, #tpu.memory_space<semaphore_mem>>) src(%dma_wait3A_696 : memref<64x128xf32, #tpu.memory_space<hbm>>) dst(%dma_wait3A_693 : memref<64x128xf32, #tpu.memory_space<vmem>>)
      %get3A_697 = arith.index_cast %add3A_681 : i32 to index
      %get3A_698 = tpu.vector_load %arg5[%get3A_697] {strides = array<i32>} : memref<528xi32, #tpu.memory_space<vmem>>, vector<16xi32>,
      %slice3A_699 = vector.extract_strided_slice %get3A_698 {offsets = [0], sizes = [1], strides = [1]} : vector<16xi32> to vector<1xi32>
      %squeeze3A_700 = vector.extract %slice3A_699[0] : i32 from vector<1xi32>
      %broadcast_in_dim3A_701 = arith.constant 0 : i32
      %broadcast_in_dim3A_702 = vector.broadcast %broadcast_in_dim3A_701 : i32 to vector<16xi32>
      %add3A_703 = vector.broadcast %squeeze3A_700 : i32 to vector<16xi32>
      %add3A_704 = arith.addi %broadcast_in_dim3A_702, %add3A_703 : vector<16xi32>
      %rem3A_705 = arith.constant 128 : i32
      %rem3A_706 = vector.broadcast %rem3A_705 : i32 to vector<16xi32>
      %rem3A_707 = arith.remsi %add3A_704, %rem3A_706 : vector<16xi32>
      %sub3A_708 = arith.constant 999936 : i32
      %sub3A_709 = vector.broadcast %sub3A_708 : i32 to vector<16xi32>
      %sub3A_710 = arith.subi %add3A_704, %sub3A_709 : vector<16xi32>
      %max3A_711 = arith.constant 0 : i32
      %max3A_712 = vector.broadcast %max3A_711 : i32 to vector<16xi32>
      %max3A_713 = arith.maxsi %sub3A_710, %max3A_712 : vector<16xi32>
      %ge3A_714 = arith.constant 999936 : i32
      %ge3A_715 = vector.broadcast %ge3A_714 : i32 to vector<16xi32>
      %ge3A_716 = arith.cmpi sge, %add3A_704, %ge3A_715 : vector<16xi32>
      %add3A_717 = vector.broadcast %add3A_681 : i32 to vector<16xi32>
      %add3A_718 = arith.addi %broadcast_in_dim3A_702, %add3A_717 : vector<16xi32>
      %iota3A_719 = tpu.iota {dimensions = array<i32: 0>} : vector<16xi32>
      %add3A_720 = arith.constant 0 : i32
      %add3A_721 = vector.broadcast %add3A_720 : i32 to vector<16xi32>
      %add3A_722 = arith.addi %iota3A_719, %add3A_721 : vector<16xi32>
      %gather3A_723 = arith.constant 2 : i32
      %gather3A_724 = arith.constant 0 : i32
      %gather3A_725 = arith.constant 0 : i32
      %gather3A_726 = tpu.memref_slice %arg6[%gather3A_723, %gather3A_724, %gather3A_725] : memref<8x64x128xf32, #tpu.memory_space<vmem>> -> memref<1x64x128xf32, #tpu.memory_space<vmem>>
      %gather3A_727 = tpu.memref_squeeze %gather3A_726 : memref<1x64x128xf32, #tpu.memory_space<vmem>> -> memref<64x128xf32, #tpu.memory_space<vmem>>
      %gather3A_728 = tpu.vector_load_idx %gather3A_727[%add3A_722, %rem3A_707] : memref<64x128xf32, #tpu.memory_space<vmem>>[vector<16xi32>, vector<16xi32>], vector<16xf32>,
      %gather3A_729 = tpu.vector_load_idx %arg7[%add3A_722, %max3A_713] : memref<64x65xf32, #tpu.memory_space<vmem>>[vector<16xi32>, vector<16xi32>], vector<16xf32>,
      %select_n3A_730 = arith.select %ge3A_716, %gather3A_729, %gather3A_728 : vector<16xi1>, vector<16xf32>
      tpu.vector_store_idx %arg8[%add3A_722, %add3A_718], %select_n3A_730 : memref<64x512xf32, #tpu.memory_space<vmem>>[vector<16xi32>, vector<16xi32>], vector<16xf32>,
      %iota3A_731 = tpu.iota {dimensions = array<i32: 0>} : vector<16xi32>
      %add3A_732 = arith.constant 16 : i32
      %add3A_733 = vector.broadcast %add3A_732 : i32 to vector<16xi32>
      %add3A_734 = arith.addi %iota3A_731, %add3A_733 : vector<16xi32>
      %gather3A_735 = arith.constant 2 : i32
      %gather3A_736 = arith.constant 0 : i32
      %gather3A_737 = arith.constant 0 : i32
      %gather3A_738 = tpu.memref_slice %arg6[%gather3A_735, %gather3A_736, %gather3A_737] : memref<8x64x128xf32, #tpu.memory_space<vmem>> -> memref<1x64x128xf32, #tpu.memory_space<vmem>>
      %gather3A_739 = tpu.memref_squeeze %gather3A_738 : memref<1x64x128xf32, #tpu.memory_space<vmem>> -> memref<64x128xf32, #tpu.memory_space<vmem>>
      %gather3A_740 = tpu.vector_load_idx %gather3A_739[%add3A_734, %rem3A_707] : memref<64x128xf32, #tpu.memory_space<vmem>>[vector<16xi32>, vector<16xi32>], vector<16xf32>,
      %gather3A_741 = tpu.vector_load_idx %arg7[%add3A_734, %max3A_713] : memref<64x65xf32, #tpu.memory_space<vmem>>[vector<16xi32>, vector<16xi32>], vector<16xf32>,
      %select_n3A_742 = arith.select %ge3A_716, %gather3A_741, %gather3A_740 : vector<16xi1>, vector<16xf32>
      tpu.vector_store_idx %arg8[%add3A_734, %add3A_718], %select_n3A_742 : memref<64x512xf32, #tpu.memory_space<vmem>>[vector<16xi32>, vector<16xi32>], vector<16xf32>,
      %iota3A_743 = tpu.iota {dimensions = array<i32: 0>} : vector<16xi32>
      %add3A_744 = arith.constant 32 : i32
      %add3A_745 = vector.broadcast %add3A_744 : i32 to vector<16xi32>
      %add3A_746 = arith.addi %iota3A_743, %add3A_745 : vector<16xi32>
      %gather3A_747 = arith.constant 2 : i32
      %gather3A_748 = arith.constant 0 : i32
      %gather3A_749 = arith.constant 0 : i32
      %gather3A_750 = tpu.memref_slice %arg6[%gather3A_747, %gather3A_748, %gather3A_749] : memref<8x64x128xf32, #tpu.memory_space<vmem>> -> memref<1x64x128xf32, #tpu.memory_space<vmem>>
      %gather3A_751 = tpu.memref_squeeze %gather3A_750 : memref<1x64x128xf32, #tpu.memory_space<vmem>> -> memref<64x128xf32, #tpu.memory_space<vmem>>
      %gather3A_752 = tpu.vector_load_idx %gather3A_751[%add3A_746, %rem3A_707] : memref<64x128xf32, #tpu.memory_space<vmem>>[vector<16xi32>, vector<16xi32>], vector<16xf32>,
      %gather3A_753 = tpu.vector_load_idx %arg7[%add3A_746, %max3A_713] : memref<64x65xf32, #tpu.memory_space<vmem>>[vector<16xi32>, vector<16xi32>], vector<16xf32>,
      %select_n3A_754 = arith.select %ge3A_716, %gather3A_753, %gather3A_752 : vector<16xi1>, vector<16xf32>
      tpu.vector_store_idx %arg8[%add3A_746, %add3A_718], %select_n3A_754 : memref<64x512xf32, #tpu.memory_space<vmem>>[vector<16xi32>, vector<16xi32>], vector<16xf32>,
      %iota3A_755 = tpu.iota {dimensions = array<i32: 0>} : vector<16xi32>
      %add3A_756 = arith.constant 48 : i32
      %add3A_757 = vector.broadcast %add3A_756 : i32 to vector<16xi32>
      %add3A_758 = arith.addi %iota3A_755, %add3A_757 : vector<16xi32>
      %gather3A_759 = arith.constant 2 : i32
      %gather3A_760 = arith.constant 0 : i32
      %gather3A_761 = arith.constant 0 : i32
      %gather3A_762 = tpu.memref_slice %arg6[%gather3A_759, %gather3A_760, %gather3A_761] : memref<8x64x128xf32, #tpu.memory_space<vmem>> -> memref<1x64x128xf32, #tpu.memory_space<vmem>>
      %gather3A_763 = tpu.memref_squeeze %gather3A_762 : memref<1x64x128xf32, #tpu.memory_space<vmem>> -> memref<64x128xf32, #tpu.memory_space<vmem>>
      %gather3A_764 = tpu.vector_load_idx %gather3A_763[%add3A_758, %rem3A_707] : memref<64x128xf32, #tpu.memory_space<vmem>>[vector<16xi32>, vector<16xi32>], vector<16xf32>,
      %gather3A_765 = tpu.vector_load_idx %arg7[%add3A_758, %max3A_713] : memref<64x65xf32, #tpu.memory_space<vmem>>[vector<16xi32>, vector<16xi32>], vector<16xf32>,
      %select_n3A_766 = arith.select %ge3A_716, %gather3A_765, %gather3A_764 : vector<16xi1>, vector<16xf32>
      tpu.vector_store_idx %arg8[%add3A_758, %add3A_718], %select_n3A_766 : memref<64x512xf32, #tpu.memory_space<vmem>>[vector<16xi32>, vector<16xi32>], vector<16xf32>,
      %lt3A_767 = arith.constant 63 : i32
      %lt3A_768 = arith.cmpi slt, %scan3A_497, %lt3A_767 : i32
      %convert_element_type3A_769 = arith.extui %lt3A_768 : i1 to i32
      %cond3A_770 = arith.constant 0 : i32
      %cond3A_771 = arith.cmpi ne, %convert_element_type3A_769, %cond3A_770 : i32
      scf.if %cond3A_771 {
        %add3A_1242 = arith.constant 8 : i32
        %add3A_1243 = arith.addi %add3A_681, %add3A_1242 : i32
        %get3A_1244 = arith.index_cast %add3A_1243 : i32 to index
        %get3A_1245 = tpu.vector_load %arg5[%get3A_1244] {strides = array<i32>} : memref<528xi32, #tpu.memory_space<vmem>>, vector<16xi32>,
        %slice3A_1246 = vector.extract_strided_slice %get3A_1245 {offsets = [0], sizes = [1], strides = [1]} : vector<16xi32> to vector<1xi32>
        %squeeze3A_1247 = vector.extract %slice3A_1246[0] : i32 from vector<1xi32>
        %jit3A_1248 = arith.constant 128 : i32
        %div3A_1249 = arith.divsi %squeeze3A_1247, %jit3A_1248 : i32
        %sign3A_1250 = arith.constant 0 : i32
        %sign3A_1251 = arith.cmpi sgt, %squeeze3A_1247, %sign3A_1250 : i32
        %sign3A_1252 = arith.extui %sign3A_1251 : i1 to i32
        %sign3A_1253 = arith.constant 0 : i32
        %sign3A_1254 = arith.cmpi slt, %squeeze3A_1247, %sign3A_1253 : i32
        %sign3A_1255 = arith.extui %sign3A_1254 : i1 to i32
        %sign3A_1256 = arith.subi %sign3A_1252, %sign3A_1255 : i32
        %sign3A_1257 = arith.constant 0 : i32
        %sign3A_1258 = arith.cmpi sgt, %jit3A_1248, %sign3A_1257 : i32
        %sign3A_1259 = arith.extui %sign3A_1258 : i1 to i32
        %sign3A_1260 = arith.constant 0 : i32
        %sign3A_1261 = arith.cmpi slt, %jit3A_1248, %sign3A_1260 : i32
        %sign3A_1262 = arith.extui %sign3A_1261 : i1 to i32
        %sign3A_1263 = arith.subi %sign3A_1259, %sign3A_1262 : i32
        %ne3A_1264 = arith.cmpi ne, %sign3A_1256, %sign3A_1263 : i32
        %rem3A_1265 = arith.remsi %squeeze3A_1247, %jit3A_1248 : i32
        %ne3A_1266 = arith.constant 0 : i32
        %ne3A_1267 = arith.cmpi ne, %rem3A_1265, %ne3A_1266 : i32
        %and3A_1268 = arith.andi %ne3A_1264, %ne3A_1267 : i1
        %sub3A_1269 = arith.constant 1 : i32
        %sub3A_1270 = arith.subi %div3A_1249, %sub3A_1269 : i32
        %select_n3A_1271 = arith.select %and3A_1268, %sub3A_1270, %div3A_1249 : i32
        %min3A_1272 = arith.constant 7811 : i32
        %min3A_1273 = arith.minsi %select_n3A_1271, %min3A_1272 : i32
        %mul3A_1274 = arith.constant 128 : i32
        %mul3A_1275 = arith.muli %min3A_1273, %mul3A_1274 : i32
        %multiple_of3A_1276 = tpu.assume_multiple %mul3A_1275, 128 : i32
        %dma_start3A_1277 = arith.constant 2 : i32
        %dma_start3A_1278 = arith.constant 0 : i32
        %dma_start3A_1279 = arith.constant 0 : i32
        %dma_start3A_1280 = tpu.memref_slice %arg6[%dma_start3A_1277, %dma_start3A_1278, %dma_start3A_1279] : memref<8x64x128xf32, #tpu.memory_space<vmem>> -> memref<1x32x128xf32, #tpu.memory_space<vmem>>
        %dma_start3A_1281 = tpu.memref_squeeze %dma_start3A_1280 : memref<1x32x128xf32, #tpu.memory_space<vmem>> -> memref<32x128xf32, #tpu.memory_space<vmem>>
        %dma_start3A_1282 = arith.constant 0 : i32
        %dma_start3A_1283 = tpu.memref_slice %arg2[%dma_start3A_1282, %multiple_of3A_1276] : memref<64x1000001xf32, #tpu.memory_space<hbm>> -> memref<32x128xf32, #tpu.memory_space<hbm>>
        %dma_start3A_1284 = arith.constant 0 : i32
        %dma_start3A_1285 = arith.constant 0 : i32
        %dma_start3A_1286 = tpu.memref_slice %arg6[%dma_start3A_1277, %dma_start3A_1284, %dma_start3A_1285] : memref<8x64x128xf32, #tpu.memory_space<vmem>> -> memref<1x32x128xf32, #tpu.memory_space<vmem>>
        %dma_start3A_1287 = tpu.memref_squeeze %dma_start3A_1286 : memref<1x32x128xf32, #tpu.memory_space<vmem>> -> memref<32x128xf32, #tpu.memory_space<vmem>>
        %dma_start3A_1288 = arith.constant 0 : i32
        %dma_start3A_1289 = tpu.memref_slice %arg2[%dma_start3A_1288, %multiple_of3A_1276] : memref<64x1000001xf32, #tpu.memory_space<hbm>> -> memref<32x128xf32, #tpu.memory_space<hbm>>
        tpu.enqueue_dma source(%dma_start3A_1289 : memref<32x128xf32, #tpu.memory_space<hbm>>) target(%dma_start3A_1287 : memref<32x128xf32, #tpu.memory_space<vmem>>) target_semaphore(%arg12 : memref<!tpu.dma_semaphore, #tpu.memory_space<semaphore_mem>>)
        %dma_start3A_1290 = arith.constant 2 : i32
        %dma_start3A_1291 = arith.constant 32 : i32
        %dma_start3A_1292 = arith.constant 0 : i32
        %dma_start3A_1293 = tpu.memref_slice %arg6[%dma_start3A_1290, %dma_start3A_1291, %dma_start3A_1292] : memref<8x64x128xf32, #tpu.memory_space<vmem>> -> memref<1x32x128xf32, #tpu.memory_space<vmem>>
        %dma_start3A_1294 = tpu.memref_squeeze %dma_start3A_1293 : memref<1x32x128xf32, #tpu.memory_space<vmem>> -> memref<32x128xf32, #tpu.memory_space<vmem>>
        %dma_start3A_1295 = arith.constant 32 : i32
        %dma_start3A_1296 = tpu.memref_slice %arg2[%dma_start3A_1295, %multiple_of3A_1276] : memref<64x1000001xf32, #tpu.memory_space<hbm>> -> memref<32x128xf32, #tpu.memory_space<hbm>>
        %dma_start3A_1297 = arith.constant 32 : i32
        %dma_start3A_1298 = arith.constant 0 : i32
        %dma_start3A_1299 = tpu.memref_slice %arg6[%dma_start3A_1290, %dma_start3A_1297, %dma_start3A_1298] : memref<8x64x128xf32, #tpu.memory_space<vmem>> -> memref<1x32x128xf32, #tpu.memory_space<vmem>>
        %dma_start3A_1300 = tpu.memref_squeeze %dma_start3A_1299 : memref<1x32x128xf32, #tpu.memory_space<vmem>> -> memref<32x128xf32, #tpu.memory_space<vmem>>
        %dma_start3A_1301 = arith.constant 32 : i32
        %dma_start3A_1302 = tpu.memref_slice %arg2[%dma_start3A_1301, %multiple_of3A_1276] : memref<64x1000001xf32, #tpu.memory_space<hbm>> -> memref<32x128xf32, #tpu.memory_space<hbm>>
        tpu.enqueue_dma source(%dma_start3A_1302 : memref<32x128xf32, #tpu.memory_space<hbm>>) target(%dma_start3A_1300 : memref<32x128xf32, #tpu.memory_space<vmem>>) target_semaphore(%arg12 : memref<!tpu.dma_semaphore, #tpu.memory_space<semaphore_mem>>)
      } else {
      }
      %mul3A_772 = arith.constant 8 : i32
      %mul3A_773 = arith.muli %scan3A_497, %mul3A_772 : i32
      %add3A_774 = arith.constant 3 : i32
      %add3A_775 = arith.addi %mul3A_773, %add3A_774 : i32
      %dma_wait3A_776 = arith.constant 3 : i32
      %dma_wait3A_777 = arith.constant 0 : i32
      %dma_wait3A_778 = arith.constant 0 : i32
      %dma_wait3A_779 = tpu.memref_slice %arg6[%dma_wait3A_776, %dma_wait3A_777, %dma_wait3A_778] : memref<8x64x128xf32, #tpu.memory_space<vmem>> -> memref<1x64x128xf32, #tpu.memory_space<vmem>>
      %dma_wait3A_780 = tpu.memref_squeeze %dma_wait3A_779 : memref<1x64x128xf32, #tpu.memory_space<vmem>> -> memref<64x128xf32, #tpu.memory_space<vmem>>
      %dma_wait3A_781 = arith.constant 0 : i32
      %dma_wait3A_782 = arith.constant 0 : i32
      %dma_wait3A_783 = tpu.memref_slice %arg2[%dma_wait3A_781, %dma_wait3A_782] : memref<64x1000001xf32, #tpu.memory_space<hbm>> -> memref<64x128xf32, #tpu.memory_space<hbm>>
      %dma_wait3A_784 = arith.constant 0 : i32
      %dma_wait3A_785 = arith.constant 0 : i32
      %dma_wait3A_786 = tpu.memref_slice %arg6[%dma_wait3A_776, %dma_wait3A_784, %dma_wait3A_785] : memref<8x64x128xf32, #tpu.memory_space<vmem>> -> memref<1x64x128xf32, #tpu.memory_space<vmem>>
      %dma_wait3A_787 = tpu.memref_squeeze %dma_wait3A_786 : memref<1x64x128xf32, #tpu.memory_space<vmem>> -> memref<64x128xf32, #tpu.memory_space<vmem>>
      %dma_wait3A_788 = arith.constant 0 : i32
      %dma_wait3A_789 = arith.constant 0 : i32
      %dma_wait3A_790 = tpu.memref_slice %arg2[%dma_wait3A_788, %dma_wait3A_789] : memref<64x1000001xf32, #tpu.memory_space<hbm>> -> memref<64x128xf32, #tpu.memory_space<hbm>>
      tpu.wait_dma2 semaphore(%arg13 : memref<!tpu.dma_semaphore, #tpu.memory_space<semaphore_mem>>) src(%dma_wait3A_790 : memref<64x128xf32, #tpu.memory_space<hbm>>) dst(%dma_wait3A_787 : memref<64x128xf32, #tpu.memory_space<vmem>>)
      %get3A_791 = arith.index_cast %add3A_775 : i32 to index
      %get3A_792 = tpu.vector_load %arg5[%get3A_791] {strides = array<i32>} : memref<528xi32, #tpu.memory_space<vmem>>, vector<16xi32>,
      %slice3A_793 = vector.extract_strided_slice %get3A_792 {offsets = [0], sizes = [1], strides = [1]} : vector<16xi32> to vector<1xi32>
      %squeeze3A_794 = vector.extract %slice3A_793[0] : i32 from vector<1xi32>
      %broadcast_in_dim3A_795 = arith.constant 0 : i32
      %broadcast_in_dim3A_796 = vector.broadcast %broadcast_in_dim3A_795 : i32 to vector<16xi32>
      %add3A_797 = vector.broadcast %squeeze3A_794 : i32 to vector<16xi32>
      %add3A_798 = arith.addi %broadcast_in_dim3A_796, %add3A_797 : vector<16xi32>
      %rem3A_799 = arith.constant 128 : i32
      %rem3A_800 = vector.broadcast %rem3A_799 : i32 to vector<16xi32>
      %rem3A_801 = arith.remsi %add3A_798, %rem3A_800 : vector<16xi32>
      %sub3A_802 = arith.constant 999936 : i32
      %sub3A_803 = vector.broadcast %sub3A_802 : i32 to vector<16xi32>
      %sub3A_804 = arith.subi %add3A_798, %sub3A_803 : vector<16xi32>
      %max3A_805 = arith.constant 0 : i32
      %max3A_806 = vector.broadcast %max3A_805 : i32 to vector<16xi32>
      %max3A_807 = arith.maxsi %sub3A_804, %max3A_806 : vector<16xi32>
      %ge3A_808 = arith.constant 999936 : i32
      %ge3A_809 = vector.broadcast %ge3A_808 : i32 to vector<16xi32>
      %ge3A_810 = arith.cmpi sge, %add3A_798, %ge3A_809 : vector<16xi32>
      %add3A_811 = vector.broadcast %add3A_775 : i32 to vector<16xi32>
      %add3A_812 = arith.addi %broadcast_in_dim3A_796, %add3A_811 : vector<16xi32>
      %iota3A_813 = tpu.iota {dimensions = array<i32: 0>} : vector<16xi32>
      %add3A_814 = arith.constant 0 : i32
      %add3A_815 = vector.broadcast %add3A_814 : i32 to vector<16xi32>
      %add3A_816 = arith.addi %iota3A_813, %add3A_815 : vector<16xi32>
      %gather3A_817 = arith.constant 3 : i32
      %gather3A_818 = arith.constant 0 : i32
      %gather3A_819 = arith.constant 0 : i32
      %gather3A_820 = tpu.memref_slice %arg6[%gather3A_817, %gather3A_818, %gather3A_819] : memref<8x64x128xf32, #tpu.memory_space<vmem>> -> memref<1x64x128xf32, #tpu.memory_space<vmem>>
      %gather3A_821 = tpu.memref_squeeze %gather3A_820 : memref<1x64x128xf32, #tpu.memory_space<vmem>> -> memref<64x128xf32, #tpu.memory_space<vmem>>
      %gather3A_822 = tpu.vector_load_idx %gather3A_821[%add3A_816, %rem3A_801] : memref<64x128xf32, #tpu.memory_space<vmem>>[vector<16xi32>, vector<16xi32>], vector<16xf32>,
      %gather3A_823 = tpu.vector_load_idx %arg7[%add3A_816, %max3A_807] : memref<64x65xf32, #tpu.memory_space<vmem>>[vector<16xi32>, vector<16xi32>], vector<16xf32>,
      %select_n3A_824 = arith.select %ge3A_810, %gather3A_823, %gather3A_822 : vector<16xi1>, vector<16xf32>
      tpu.vector_store_idx %arg8[%add3A_816, %add3A_812], %select_n3A_824 : memref<64x512xf32, #tpu.memory_space<vmem>>[vector<16xi32>, vector<16xi32>], vector<16xf32>,
      %iota3A_825 = tpu.iota {dimensions = array<i32: 0>} : vector<16xi32>
      %add3A_826 = arith.constant 16 : i32
      %add3A_827 = vector.broadcast %add3A_826 : i32 to vector<16xi32>
      %add3A_828 = arith.addi %iota3A_825, %add3A_827 : vector<16xi32>
      %gather3A_829 = arith.constant 3 : i32
      %gather3A_830 = arith.constant 0 : i32
      %gather3A_831 = arith.constant 0 : i32
      %gather3A_832 = tpu.memref_slice %arg6[%gather3A_829, %gather3A_830, %gather3A_831] : memref<8x64x128xf32, #tpu.memory_space<vmem>> -> memref<1x64x128xf32, #tpu.memory_space<vmem>>
      %gather3A_833 = tpu.memref_squeeze %gather3A_832 : memref<1x64x128xf32, #tpu.memory_space<vmem>> -> memref<64x128xf32, #tpu.memory_space<vmem>>
      %gather3A_834 = tpu.vector_load_idx %gather3A_833[%add3A_828, %rem3A_801] : memref<64x128xf32, #tpu.memory_space<vmem>>[vector<16xi32>, vector<16xi32>], vector<16xf32>,
      %gather3A_835 = tpu.vector_load_idx %arg7[%add3A_828, %max3A_807] : memref<64x65xf32, #tpu.memory_space<vmem>>[vector<16xi32>, vector<16xi32>], vector<16xf32>,
      %select_n3A_836 = arith.select %ge3A_810, %gather3A_835, %gather3A_834 : vector<16xi1>, vector<16xf32>
      tpu.vector_store_idx %arg8[%add3A_828, %add3A_812], %select_n3A_836 : memref<64x512xf32, #tpu.memory_space<vmem>>[vector<16xi32>, vector<16xi32>], vector<16xf32>,
      %iota3A_837 = tpu.iota {dimensions = array<i32: 0>} : vector<16xi32>
      %add3A_838 = arith.constant 32 : i32
      %add3A_839 = vector.broadcast %add3A_838 : i32 to vector<16xi32>
      %add3A_840 = arith.addi %iota3A_837, %add3A_839 : vector<16xi32>
      %gather3A_841 = arith.constant 3 : i32
      %gather3A_842 = arith.constant 0 : i32
      %gather3A_843 = arith.constant 0 : i32
      %gather3A_844 = tpu.memref_slice %arg6[%gather3A_841, %gather3A_842, %gather3A_843] : memref<8x64x128xf32, #tpu.memory_space<vmem>> -> memref<1x64x128xf32, #tpu.memory_space<vmem>>
      %gather3A_845 = tpu.memref_squeeze %gather3A_844 : memref<1x64x128xf32, #tpu.memory_space<vmem>> -> memref<64x128xf32, #tpu.memory_space<vmem>>
      %gather3A_846 = tpu.vector_load_idx %gather3A_845[%add3A_840, %rem3A_801] : memref<64x128xf32, #tpu.memory_space<vmem>>[vector<16xi32>, vector<16xi32>], vector<16xf32>,
      %gather3A_847 = tpu.vector_load_idx %arg7[%add3A_840, %max3A_807] : memref<64x65xf32, #tpu.memory_space<vmem>>[vector<16xi32>, vector<16xi32>], vector<16xf32>,
      %select_n3A_848 = arith.select %ge3A_810, %gather3A_847, %gather3A_846 : vector<16xi1>, vector<16xf32>
      tpu.vector_store_idx %arg8[%add3A_840, %add3A_812], %select_n3A_848 : memref<64x512xf32, #tpu.memory_space<vmem>>[vector<16xi32>, vector<16xi32>], vector<16xf32>,
      %iota3A_849 = tpu.iota {dimensions = array<i32: 0>} : vector<16xi32>
      %add3A_850 = arith.constant 48 : i32
      %add3A_851 = vector.broadcast %add3A_850 : i32 to vector<16xi32>
      %add3A_852 = arith.addi %iota3A_849, %add3A_851 : vector<16xi32>
      %gather3A_853 = arith.constant 3 : i32
      %gather3A_854 = arith.constant 0 : i32
      %gather3A_855 = arith.constant 0 : i32
      %gather3A_856 = tpu.memref_slice %arg6[%gather3A_853, %gather3A_854, %gather3A_855] : memref<8x64x128xf32, #tpu.memory_space<vmem>> -> memref<1x64x128xf32, #tpu.memory_space<vmem>>
      %gather3A_857 = tpu.memref_squeeze %gather3A_856 : memref<1x64x128xf32, #tpu.memory_space<vmem>> -> memref<64x128xf32, #tpu.memory_space<vmem>>
      %gather3A_858 = tpu.vector_load_idx %gather3A_857[%add3A_852, %rem3A_801] : memref<64x128xf32, #tpu.memory_space<vmem>>[vector<16xi32>, vector<16xi32>], vector<16xf32>,
      %gather3A_859 = tpu.vector_load_idx %arg7[%add3A_852, %max3A_807] : memref<64x65xf32, #tpu.memory_space<vmem>>[vector<16xi32>, vector<16xi32>], vector<16xf32>,
      %select_n3A_860 = arith.select %ge3A_810, %gather3A_859, %gather3A_858 : vector<16xi1>, vector<16xf32>
      tpu.vector_store_idx %arg8[%add3A_852, %add3A_812], %select_n3A_860 : memref<64x512xf32, #tpu.memory_space<vmem>>[vector<16xi32>, vector<16xi32>], vector<16xf32>,
      %lt3A_861 = arith.constant 63 : i32
      %lt3A_862 = arith.cmpi slt, %scan3A_497, %lt3A_861 : i32
      %convert_element_type3A_863 = arith.extui %lt3A_862 : i1 to i32
      %cond3A_864 = arith.constant 0 : i32
      %cond3A_865 = arith.cmpi ne, %convert_element_type3A_863, %cond3A_864 : i32
      scf.if %cond3A_865 {
        %add3A_1242 = arith.constant 8 : i32
        %add3A_1243 = arith.addi %add3A_775, %add3A_1242 : i32
        %get3A_1244 = arith.index_cast %add3A_1243 : i32 to index
        %get3A_1245 = tpu.vector_load %arg5[%get3A_1244] {strides = array<i32>} : memref<528xi32, #tpu.memory_space<vmem>>, vector<16xi32>,
        %slice3A_1246 = vector.extract_strided_slice %get3A_1245 {offsets = [0], sizes = [1], strides = [1]} : vector<16xi32> to vector<1xi32>
        %squeeze3A_1247 = vector.extract %slice3A_1246[0] : i32 from vector<1xi32>
        %jit3A_1248 = arith.constant 128 : i32
        %div3A_1249 = arith.divsi %squeeze3A_1247, %jit3A_1248 : i32
        %sign3A_1250 = arith.constant 0 : i32
        %sign3A_1251 = arith.cmpi sgt, %squeeze3A_1247, %sign3A_1250 : i32
        %sign3A_1252 = arith.extui %sign3A_1251 : i1 to i32
        %sign3A_1253 = arith.constant 0 : i32
        %sign3A_1254 = arith.cmpi slt, %squeeze3A_1247, %sign3A_1253 : i32
        %sign3A_1255 = arith.extui %sign3A_1254 : i1 to i32
        %sign3A_1256 = arith.subi %sign3A_1252, %sign3A_1255 : i32
        %sign3A_1257 = arith.constant 0 : i32
        %sign3A_1258 = arith.cmpi sgt, %jit3A_1248, %sign3A_1257 : i32
        %sign3A_1259 = arith.extui %sign3A_1258 : i1 to i32
        %sign3A_1260 = arith.constant 0 : i32
        %sign3A_1261 = arith.cmpi slt, %jit3A_1248, %sign3A_1260 : i32
        %sign3A_1262 = arith.extui %sign3A_1261 : i1 to i32
        %sign3A_1263 = arith.subi %sign3A_1259, %sign3A_1262 : i32
        %ne3A_1264 = arith.cmpi ne, %sign3A_1256, %sign3A_1263 : i32
        %rem3A_1265 = arith.remsi %squeeze3A_1247, %jit3A_1248 : i32
        %ne3A_1266 = arith.constant 0 : i32
        %ne3A_1267 = arith.cmpi ne, %rem3A_1265, %ne3A_1266 : i32
        %and3A_1268 = arith.andi %ne3A_1264, %ne3A_1267 : i1
        %sub3A_1269 = arith.constant 1 : i32
        %sub3A_1270 = arith.subi %div3A_1249, %sub3A_1269 : i32
        %select_n3A_1271 = arith.select %and3A_1268, %sub3A_1270, %div3A_1249 : i32
        %min3A_1272 = arith.constant 7811 : i32
        %min3A_1273 = arith.minsi %select_n3A_1271, %min3A_1272 : i32
        %mul3A_1274 = arith.constant 128 : i32
        %mul3A_1275 = arith.muli %min3A_1273, %mul3A_1274 : i32
        %multiple_of3A_1276 = tpu.assume_multiple %mul3A_1275, 128 : i32
        %dma_start3A_1277 = arith.constant 3 : i32
        %dma_start3A_1278 = arith.constant 0 : i32
        %dma_start3A_1279 = arith.constant 0 : i32
        %dma_start3A_1280 = tpu.memref_slice %arg6[%dma_start3A_1277, %dma_start3A_1278, %dma_start3A_1279] : memref<8x64x128xf32, #tpu.memory_space<vmem>> -> memref<1x32x128xf32, #tpu.memory_space<vmem>>
        %dma_start3A_1281 = tpu.memref_squeeze %dma_start3A_1280 : memref<1x32x128xf32, #tpu.memory_space<vmem>> -> memref<32x128xf32, #tpu.memory_space<vmem>>
        %dma_start3A_1282 = arith.constant 0 : i32
        %dma_start3A_1283 = tpu.memref_slice %arg2[%dma_start3A_1282, %multiple_of3A_1276] : memref<64x1000001xf32, #tpu.memory_space<hbm>> -> memref<32x128xf32, #tpu.memory_space<hbm>>
        %dma_start3A_1284 = arith.constant 0 : i32
        %dma_start3A_1285 = arith.constant 0 : i32
        %dma_start3A_1286 = tpu.memref_slice %arg6[%dma_start3A_1277, %dma_start3A_1284, %dma_start3A_1285] : memref<8x64x128xf32, #tpu.memory_space<vmem>> -> memref<1x32x128xf32, #tpu.memory_space<vmem>>
        %dma_start3A_1287 = tpu.memref_squeeze %dma_start3A_1286 : memref<1x32x128xf32, #tpu.memory_space<vmem>> -> memref<32x128xf32, #tpu.memory_space<vmem>>
        %dma_start3A_1288 = arith.constant 0 : i32
        %dma_start3A_1289 = tpu.memref_slice %arg2[%dma_start3A_1288, %multiple_of3A_1276] : memref<64x1000001xf32, #tpu.memory_space<hbm>> -> memref<32x128xf32, #tpu.memory_space<hbm>>
        tpu.enqueue_dma source(%dma_start3A_1289 : memref<32x128xf32, #tpu.memory_space<hbm>>) target(%dma_start3A_1287 : memref<32x128xf32, #tpu.memory_space<vmem>>) target_semaphore(%arg13 : memref<!tpu.dma_semaphore, #tpu.memory_space<semaphore_mem>>)
        %dma_start3A_1290 = arith.constant 3 : i32
        %dma_start3A_1291 = arith.constant 32 : i32
        %dma_start3A_1292 = arith.constant 0 : i32
        %dma_start3A_1293 = tpu.memref_slice %arg6[%dma_start3A_1290, %dma_start3A_1291, %dma_start3A_1292] : memref<8x64x128xf32, #tpu.memory_space<vmem>> -> memref<1x32x128xf32, #tpu.memory_space<vmem>>
        %dma_start3A_1294 = tpu.memref_squeeze %dma_start3A_1293 : memref<1x32x128xf32, #tpu.memory_space<vmem>> -> memref<32x128xf32, #tpu.memory_space<vmem>>
        %dma_start3A_1295 = arith.constant 32 : i32
        %dma_start3A_1296 = tpu.memref_slice %arg2[%dma_start3A_1295, %multiple_of3A_1276] : memref<64x1000001xf32, #tpu.memory_space<hbm>> -> memref<32x128xf32, #tpu.memory_space<hbm>>
        %dma_start3A_1297 = arith.constant 32 : i32
        %dma_start3A_1298 = arith.constant 0 : i32
        %dma_start3A_1299 = tpu.memref_slice %arg6[%dma_start3A_1290, %dma_start3A_1297, %dma_start3A_1298] : memref<8x64x128xf32, #tpu.memory_space<vmem>> -> memref<1x32x128xf32, #tpu.memory_space<vmem>>
        %dma_start3A_1300 = tpu.memref_squeeze %dma_start3A_1299 : memref<1x32x128xf32, #tpu.memory_space<vmem>> -> memref<32x128xf32, #tpu.memory_space<vmem>>
        %dma_start3A_1301 = arith.constant 32 : i32
        %dma_start3A_1302 = tpu.memref_slice %arg2[%dma_start3A_1301, %multiple_of3A_1276] : memref<64x1000001xf32, #tpu.memory_space<hbm>> -> memref<32x128xf32, #tpu.memory_space<hbm>>
        tpu.enqueue_dma source(%dma_start3A_1302 : memref<32x128xf32, #tpu.memory_space<hbm>>) target(%dma_start3A_1300 : memref<32x128xf32, #tpu.memory_space<vmem>>) target_semaphore(%arg13 : memref<!tpu.dma_semaphore, #tpu.memory_space<semaphore_mem>>)
      } else {
      }
      %mul3A_866 = arith.constant 8 : i32
      %mul3A_867 = arith.muli %scan3A_497, %mul3A_866 : i32
      %add3A_868 = arith.constant 4 : i32
      %add3A_869 = arith.addi %mul3A_867, %add3A_868 : i32
      %dma_wait3A_870 = arith.constant 4 : i32
      %dma_wait3A_871 = arith.constant 0 : i32
      %dma_wait3A_872 = arith.constant 0 : i32
      %dma_wait3A_873 = tpu.memref_slice %arg6[%dma_wait3A_870, %dma_wait3A_871, %dma_wait3A_872] : memref<8x64x128xf32, #tpu.memory_space<vmem>> -> memref<1x64x128xf32, #tpu.memory_space<vmem>>
      %dma_wait3A_874 = tpu.memref_squeeze %dma_wait3A_873 : memref<1x64x128xf32, #tpu.memory_space<vmem>> -> memref<64x128xf32, #tpu.memory_space<vmem>>
      %dma_wait3A_875 = arith.constant 0 : i32
      %dma_wait3A_876 = arith.constant 0 : i32
      %dma_wait3A_877 = tpu.memref_slice %arg2[%dma_wait3A_875, %dma_wait3A_876] : memref<64x1000001xf32, #tpu.memory_space<hbm>> -> memref<64x128xf32, #tpu.memory_space<hbm>>
      %dma_wait3A_878 = arith.constant 0 : i32
      %dma_wait3A_879 = arith.constant 0 : i32
      %dma_wait3A_880 = tpu.memref_slice %arg6[%dma_wait3A_870, %dma_wait3A_878, %dma_wait3A_879] : memref<8x64x128xf32, #tpu.memory_space<vmem>> -> memref<1x64x128xf32, #tpu.memory_space<vmem>>
      %dma_wait3A_881 = tpu.memref_squeeze %dma_wait3A_880 : memref<1x64x128xf32, #tpu.memory_space<vmem>> -> memref<64x128xf32, #tpu.memory_space<vmem>>
      %dma_wait3A_882 = arith.constant 0 : i32
      %dma_wait3A_883 = arith.constant 0 : i32
      %dma_wait3A_884 = tpu.memref_slice %arg2[%dma_wait3A_882, %dma_wait3A_883] : memref<64x1000001xf32, #tpu.memory_space<hbm>> -> memref<64x128xf32, #tpu.memory_space<hbm>>
      tpu.wait_dma2 semaphore(%arg14 : memref<!tpu.dma_semaphore, #tpu.memory_space<semaphore_mem>>) src(%dma_wait3A_884 : memref<64x128xf32, #tpu.memory_space<hbm>>) dst(%dma_wait3A_881 : memref<64x128xf32, #tpu.memory_space<vmem>>)
      %get3A_885 = arith.index_cast %add3A_869 : i32 to index
      %get3A_886 = tpu.vector_load %arg5[%get3A_885] {strides = array<i32>} : memref<528xi32, #tpu.memory_space<vmem>>, vector<16xi32>,
      %slice3A_887 = vector.extract_strided_slice %get3A_886 {offsets = [0], sizes = [1], strides = [1]} : vector<16xi32> to vector<1xi32>
      %squeeze3A_888 = vector.extract %slice3A_887[0] : i32 from vector<1xi32>
      %broadcast_in_dim3A_889 = arith.constant 0 : i32
      %broadcast_in_dim3A_890 = vector.broadcast %broadcast_in_dim3A_889 : i32 to vector<16xi32>
      %add3A_891 = vector.broadcast %squeeze3A_888 : i32 to vector<16xi32>
      %add3A_892 = arith.addi %broadcast_in_dim3A_890, %add3A_891 : vector<16xi32>
      %rem3A_893 = arith.constant 128 : i32
      %rem3A_894 = vector.broadcast %rem3A_893 : i32 to vector<16xi32>
      %rem3A_895 = arith.remsi %add3A_892, %rem3A_894 : vector<16xi32>
      %sub3A_896 = arith.constant 999936 : i32
      %sub3A_897 = vector.broadcast %sub3A_896 : i32 to vector<16xi32>
      %sub3A_898 = arith.subi %add3A_892, %sub3A_897 : vector<16xi32>
      %max3A_899 = arith.constant 0 : i32
      %max3A_900 = vector.broadcast %max3A_899 : i32 to vector<16xi32>
      %max3A_901 = arith.maxsi %sub3A_898, %max3A_900 : vector<16xi32>
      %ge3A_902 = arith.constant 999936 : i32
      %ge3A_903 = vector.broadcast %ge3A_902 : i32 to vector<16xi32>
      %ge3A_904 = arith.cmpi sge, %add3A_892, %ge3A_903 : vector<16xi32>
      %add3A_905 = vector.broadcast %add3A_869 : i32 to vector<16xi32>
      %add3A_906 = arith.addi %broadcast_in_dim3A_890, %add3A_905 : vector<16xi32>
      %iota3A_907 = tpu.iota {dimensions = array<i32: 0>} : vector<16xi32>
      %add3A_908 = arith.constant 0 : i32
      %add3A_909 = vector.broadcast %add3A_908 : i32 to vector<16xi32>
      %add3A_910 = arith.addi %iota3A_907, %add3A_909 : vector<16xi32>
      %gather3A_911 = arith.constant 4 : i32
      %gather3A_912 = arith.constant 0 : i32
      %gather3A_913 = arith.constant 0 : i32
      %gather3A_914 = tpu.memref_slice %arg6[%gather3A_911, %gather3A_912, %gather3A_913] : memref<8x64x128xf32, #tpu.memory_space<vmem>> -> memref<1x64x128xf32, #tpu.memory_space<vmem>>
      %gather3A_915 = tpu.memref_squeeze %gather3A_914 : memref<1x64x128xf32, #tpu.memory_space<vmem>> -> memref<64x128xf32, #tpu.memory_space<vmem>>
      %gather3A_916 = tpu.vector_load_idx %gather3A_915[%add3A_910, %rem3A_895] : memref<64x128xf32, #tpu.memory_space<vmem>>[vector<16xi32>, vector<16xi32>], vector<16xf32>,
      %gather3A_917 = tpu.vector_load_idx %arg7[%add3A_910, %max3A_901] : memref<64x65xf32, #tpu.memory_space<vmem>>[vector<16xi32>, vector<16xi32>], vector<16xf32>,
      %select_n3A_918 = arith.select %ge3A_904, %gather3A_917, %gather3A_916 : vector<16xi1>, vector<16xf32>
      tpu.vector_store_idx %arg8[%add3A_910, %add3A_906], %select_n3A_918 : memref<64x512xf32, #tpu.memory_space<vmem>>[vector<16xi32>, vector<16xi32>], vector<16xf32>,
      %iota3A_919 = tpu.iota {dimensions = array<i32: 0>} : vector<16xi32>
      %add3A_920 = arith.constant 16 : i32
      %add3A_921 = vector.broadcast %add3A_920 : i32 to vector<16xi32>
      %add3A_922 = arith.addi %iota3A_919, %add3A_921 : vector<16xi32>
      %gather3A_923 = arith.constant 4 : i32
      %gather3A_924 = arith.constant 0 : i32
      %gather3A_925 = arith.constant 0 : i32
      %gather3A_926 = tpu.memref_slice %arg6[%gather3A_923, %gather3A_924, %gather3A_925] : memref<8x64x128xf32, #tpu.memory_space<vmem>> -> memref<1x64x128xf32, #tpu.memory_space<vmem>>
      %gather3A_927 = tpu.memref_squeeze %gather3A_926 : memref<1x64x128xf32, #tpu.memory_space<vmem>> -> memref<64x128xf32, #tpu.memory_space<vmem>>
      %gather3A_928 = tpu.vector_load_idx %gather3A_927[%add3A_922, %rem3A_895] : memref<64x128xf32, #tpu.memory_space<vmem>>[vector<16xi32>, vector<16xi32>], vector<16xf32>,
      %gather3A_929 = tpu.vector_load_idx %arg7[%add3A_922, %max3A_901] : memref<64x65xf32, #tpu.memory_space<vmem>>[vector<16xi32>, vector<16xi32>], vector<16xf32>,
      %select_n3A_930 = arith.select %ge3A_904, %gather3A_929, %gather3A_928 : vector<16xi1>, vector<16xf32>
      tpu.vector_store_idx %arg8[%add3A_922, %add3A_906], %select_n3A_930 : memref<64x512xf32, #tpu.memory_space<vmem>>[vector<16xi32>, vector<16xi32>], vector<16xf32>,
      %iota3A_931 = tpu.iota {dimensions = array<i32: 0>} : vector<16xi32>
      %add3A_932 = arith.constant 32 : i32
      %add3A_933 = vector.broadcast %add3A_932 : i32 to vector<16xi32>
      %add3A_934 = arith.addi %iota3A_931, %add3A_933 : vector<16xi32>
      %gather3A_935 = arith.constant 4 : i32
      %gather3A_936 = arith.constant 0 : i32
      %gather3A_937 = arith.constant 0 : i32
      %gather3A_938 = tpu.memref_slice %arg6[%gather3A_935, %gather3A_936, %gather3A_937] : memref<8x64x128xf32, #tpu.memory_space<vmem>> -> memref<1x64x128xf32, #tpu.memory_space<vmem>>
      %gather3A_939 = tpu.memref_squeeze %gather3A_938 : memref<1x64x128xf32, #tpu.memory_space<vmem>> -> memref<64x128xf32, #tpu.memory_space<vmem>>
      %gather3A_940 = tpu.vector_load_idx %gather3A_939[%add3A_934, %rem3A_895] : memref<64x128xf32, #tpu.memory_space<vmem>>[vector<16xi32>, vector<16xi32>], vector<16xf32>,
      %gather3A_941 = tpu.vector_load_idx %arg7[%add3A_934, %max3A_901] : memref<64x65xf32, #tpu.memory_space<vmem>>[vector<16xi32>, vector<16xi32>], vector<16xf32>,
      %select_n3A_942 = arith.select %ge3A_904, %gather3A_941, %gather3A_940 : vector<16xi1>, vector<16xf32>
      tpu.vector_store_idx %arg8[%add3A_934, %add3A_906], %select_n3A_942 : memref<64x512xf32, #tpu.memory_space<vmem>>[vector<16xi32>, vector<16xi32>], vector<16xf32>,
      %iota3A_943 = tpu.iota {dimensions = array<i32: 0>} : vector<16xi32>
      %add3A_944 = arith.constant 48 : i32
      %add3A_945 = vector.broadcast %add3A_944 : i32 to vector<16xi32>
      %add3A_946 = arith.addi %iota3A_943, %add3A_945 : vector<16xi32>
      %gather3A_947 = arith.constant 4 : i32
      %gather3A_948 = arith.constant 0 : i32
      %gather3A_949 = arith.constant 0 : i32
      %gather3A_950 = tpu.memref_slice %arg6[%gather3A_947, %gather3A_948, %gather3A_949] : memref<8x64x128xf32, #tpu.memory_space<vmem>> -> memref<1x64x128xf32, #tpu.memory_space<vmem>>
      %gather3A_951 = tpu.memref_squeeze %gather3A_950 : memref<1x64x128xf32, #tpu.memory_space<vmem>> -> memref<64x128xf32, #tpu.memory_space<vmem>>
      %gather3A_952 = tpu.vector_load_idx %gather3A_951[%add3A_946, %rem3A_895] : memref<64x128xf32, #tpu.memory_space<vmem>>[vector<16xi32>, vector<16xi32>], vector<16xf32>,
      %gather3A_953 = tpu.vector_load_idx %arg7[%add3A_946, %max3A_901] : memref<64x65xf32, #tpu.memory_space<vmem>>[vector<16xi32>, vector<16xi32>], vector<16xf32>,
      %select_n3A_954 = arith.select %ge3A_904, %gather3A_953, %gather3A_952 : vector<16xi1>, vector<16xf32>
      tpu.vector_store_idx %arg8[%add3A_946, %add3A_906], %select_n3A_954 : memref<64x512xf32, #tpu.memory_space<vmem>>[vector<16xi32>, vector<16xi32>], vector<16xf32>,
      %lt3A_955 = arith.constant 63 : i32
      %lt3A_956 = arith.cmpi slt, %scan3A_497, %lt3A_955 : i32
      %convert_element_type3A_957 = arith.extui %lt3A_956 : i1 to i32
      %cond3A_958 = arith.constant 0 : i32
      %cond3A_959 = arith.cmpi ne, %convert_element_type3A_957, %cond3A_958 : i32
      scf.if %cond3A_959 {
        %add3A_1242 = arith.constant 8 : i32
        %add3A_1243 = arith.addi %add3A_869, %add3A_1242 : i32
        %get3A_1244 = arith.index_cast %add3A_1243 : i32 to index
        %get3A_1245 = tpu.vector_load %arg5[%get3A_1244] {strides = array<i32>} : memref<528xi32, #tpu.memory_space<vmem>>, vector<16xi32>,
        %slice3A_1246 = vector.extract_strided_slice %get3A_1245 {offsets = [0], sizes = [1], strides = [1]} : vector<16xi32> to vector<1xi32>
        %squeeze3A_1247 = vector.extract %slice3A_1246[0] : i32 from vector<1xi32>
        %jit3A_1248 = arith.constant 128 : i32
        %div3A_1249 = arith.divsi %squeeze3A_1247, %jit3A_1248 : i32
        %sign3A_1250 = arith.constant 0 : i32
        %sign3A_1251 = arith.cmpi sgt, %squeeze3A_1247, %sign3A_1250 : i32
        %sign3A_1252 = arith.extui %sign3A_1251 : i1 to i32
        %sign3A_1253 = arith.constant 0 : i32
        %sign3A_1254 = arith.cmpi slt, %squeeze3A_1247, %sign3A_1253 : i32
        %sign3A_1255 = arith.extui %sign3A_1254 : i1 to i32
        %sign3A_1256 = arith.subi %sign3A_1252, %sign3A_1255 : i32
        %sign3A_1257 = arith.constant 0 : i32
        %sign3A_1258 = arith.cmpi sgt, %jit3A_1248, %sign3A_1257 : i32
        %sign3A_1259 = arith.extui %sign3A_1258 : i1 to i32
        %sign3A_1260 = arith.constant 0 : i32
        %sign3A_1261 = arith.cmpi slt, %jit3A_1248, %sign3A_1260 : i32
        %sign3A_1262 = arith.extui %sign3A_1261 : i1 to i32
        %sign3A_1263 = arith.subi %sign3A_1259, %sign3A_1262 : i32
        %ne3A_1264 = arith.cmpi ne, %sign3A_1256, %sign3A_1263 : i32
        %rem3A_1265 = arith.remsi %squeeze3A_1247, %jit3A_1248 : i32
        %ne3A_1266 = arith.constant 0 : i32
        %ne3A_1267 = arith.cmpi ne, %rem3A_1265, %ne3A_1266 : i32
        %and3A_1268 = arith.andi %ne3A_1264, %ne3A_1267 : i1
        %sub3A_1269 = arith.constant 1 : i32
        %sub3A_1270 = arith.subi %div3A_1249, %sub3A_1269 : i32
        %select_n3A_1271 = arith.select %and3A_1268, %sub3A_1270, %div3A_1249 : i32
        %min3A_1272 = arith.constant 7811 : i32
        %min3A_1273 = arith.minsi %select_n3A_1271, %min3A_1272 : i32
        %mul3A_1274 = arith.constant 128 : i32
        %mul3A_1275 = arith.muli %min3A_1273, %mul3A_1274 : i32
        %multiple_of3A_1276 = tpu.assume_multiple %mul3A_1275, 128 : i32
        %dma_start3A_1277 = arith.constant 4 : i32
        %dma_start3A_1278 = arith.constant 0 : i32
        %dma_start3A_1279 = arith.constant 0 : i32
        %dma_start3A_1280 = tpu.memref_slice %arg6[%dma_start3A_1277, %dma_start3A_1278, %dma_start3A_1279] : memref<8x64x128xf32, #tpu.memory_space<vmem>> -> memref<1x32x128xf32, #tpu.memory_space<vmem>>
        %dma_start3A_1281 = tpu.memref_squeeze %dma_start3A_1280 : memref<1x32x128xf32, #tpu.memory_space<vmem>> -> memref<32x128xf32, #tpu.memory_space<vmem>>
        %dma_start3A_1282 = arith.constant 0 : i32
        %dma_start3A_1283 = tpu.memref_slice %arg2[%dma_start3A_1282, %multiple_of3A_1276] : memref<64x1000001xf32, #tpu.memory_space<hbm>> -> memref<32x128xf32, #tpu.memory_space<hbm>>
        %dma_start3A_1284 = arith.constant 0 : i32
        %dma_start3A_1285 = arith.constant 0 : i32
        %dma_start3A_1286 = tpu.memref_slice %arg6[%dma_start3A_1277, %dma_start3A_1284, %dma_start3A_1285] : memref<8x64x128xf32, #tpu.memory_space<vmem>> -> memref<1x32x128xf32, #tpu.memory_space<vmem>>
        %dma_start3A_1287 = tpu.memref_squeeze %dma_start3A_1286 : memref<1x32x128xf32, #tpu.memory_space<vmem>> -> memref<32x128xf32, #tpu.memory_space<vmem>>
        %dma_start3A_1288 = arith.constant 0 : i32
        %dma_start3A_1289 = tpu.memref_slice %arg2[%dma_start3A_1288, %multiple_of3A_1276] : memref<64x1000001xf32, #tpu.memory_space<hbm>> -> memref<32x128xf32, #tpu.memory_space<hbm>>
        tpu.enqueue_dma source(%dma_start3A_1289 : memref<32x128xf32, #tpu.memory_space<hbm>>) target(%dma_start3A_1287 : memref<32x128xf32, #tpu.memory_space<vmem>>) target_semaphore(%arg14 : memref<!tpu.dma_semaphore, #tpu.memory_space<semaphore_mem>>)
        %dma_start3A_1290 = arith.constant 4 : i32
        %dma_start3A_1291 = arith.constant 32 : i32
        %dma_start3A_1292 = arith.constant 0 : i32
        %dma_start3A_1293 = tpu.memref_slice %arg6[%dma_start3A_1290, %dma_start3A_1291, %dma_start3A_1292] : memref<8x64x128xf32, #tpu.memory_space<vmem>> -> memref<1x32x128xf32, #tpu.memory_space<vmem>>
        %dma_start3A_1294 = tpu.memref_squeeze %dma_start3A_1293 : memref<1x32x128xf32, #tpu.memory_space<vmem>> -> memref<32x128xf32, #tpu.memory_space<vmem>>
        %dma_start3A_1295 = arith.constant 32 : i32
        %dma_start3A_1296 = tpu.memref_slice %arg2[%dma_start3A_1295, %multiple_of3A_1276] : memref<64x1000001xf32, #tpu.memory_space<hbm>> -> memref<32x128xf32, #tpu.memory_space<hbm>>
        %dma_start3A_1297 = arith.constant 32 : i32
        %dma_start3A_1298 = arith.constant 0 : i32
        %dma_start3A_1299 = tpu.memref_slice %arg6[%dma_start3A_1290, %dma_start3A_1297, %dma_start3A_1298] : memref<8x64x128xf32, #tpu.memory_space<vmem>> -> memref<1x32x128xf32, #tpu.memory_space<vmem>>
        %dma_start3A_1300 = tpu.memref_squeeze %dma_start3A_1299 : memref<1x32x128xf32, #tpu.memory_space<vmem>> -> memref<32x128xf32, #tpu.memory_space<vmem>>
        %dma_start3A_1301 = arith.constant 32 : i32
        %dma_start3A_1302 = tpu.memref_slice %arg2[%dma_start3A_1301, %multiple_of3A_1276] : memref<64x1000001xf32, #tpu.memory_space<hbm>> -> memref<32x128xf32, #tpu.memory_space<hbm>>
        tpu.enqueue_dma source(%dma_start3A_1302 : memref<32x128xf32, #tpu.memory_space<hbm>>) target(%dma_start3A_1300 : memref<32x128xf32, #tpu.memory_space<vmem>>) target_semaphore(%arg14 : memref<!tpu.dma_semaphore, #tpu.memory_space<semaphore_mem>>)
      } else {
      }
      %mul3A_960 = arith.constant 8 : i32
      %mul3A_961 = arith.muli %scan3A_497, %mul3A_960 : i32
      %add3A_962 = arith.constant 5 : i32
      %add3A_963 = arith.addi %mul3A_961, %add3A_962 : i32
      %dma_wait3A_964 = arith.constant 5 : i32
      %dma_wait3A_965 = arith.constant 0 : i32
      %dma_wait3A_966 = arith.constant 0 : i32
      %dma_wait3A_967 = tpu.memref_slice %arg6[%dma_wait3A_964, %dma_wait3A_965, %dma_wait3A_966] : memref<8x64x128xf32, #tpu.memory_space<vmem>> -> memref<1x64x128xf32, #tpu.memory_space<vmem>>
      %dma_wait3A_968 = tpu.memref_squeeze %dma_wait3A_967 : memref<1x64x128xf32, #tpu.memory_space<vmem>> -> memref<64x128xf32, #tpu.memory_space<vmem>>
      %dma_wait3A_969 = arith.constant 0 : i32
      %dma_wait3A_970 = arith.constant 0 : i32
      %dma_wait3A_971 = tpu.memref_slice %arg2[%dma_wait3A_969, %dma_wait3A_970] : memref<64x1000001xf32, #tpu.memory_space<hbm>> -> memref<64x128xf32, #tpu.memory_space<hbm>>
      %dma_wait3A_972 = arith.constant 0 : i32
      %dma_wait3A_973 = arith.constant 0 : i32
      %dma_wait3A_974 = tpu.memref_slice %arg6[%dma_wait3A_964, %dma_wait3A_972, %dma_wait3A_973] : memref<8x64x128xf32, #tpu.memory_space<vmem>> -> memref<1x64x128xf32, #tpu.memory_space<vmem>>
      %dma_wait3A_975 = tpu.memref_squeeze %dma_wait3A_974 : memref<1x64x128xf32, #tpu.memory_space<vmem>> -> memref<64x128xf32, #tpu.memory_space<vmem>>
      %dma_wait3A_976 = arith.constant 0 : i32
      %dma_wait3A_977 = arith.constant 0 : i32
      %dma_wait3A_978 = tpu.memref_slice %arg2[%dma_wait3A_976, %dma_wait3A_977] : memref<64x1000001xf32, #tpu.memory_space<hbm>> -> memref<64x128xf32, #tpu.memory_space<hbm>>
      tpu.wait_dma2 semaphore(%arg15 : memref<!tpu.dma_semaphore, #tpu.memory_space<semaphore_mem>>) src(%dma_wait3A_978 : memref<64x128xf32, #tpu.memory_space<hbm>>) dst(%dma_wait3A_975 : memref<64x128xf32, #tpu.memory_space<vmem>>)
      %get3A_979 = arith.index_cast %add3A_963 : i32 to index
      %get3A_980 = tpu.vector_load %arg5[%get3A_979] {strides = array<i32>} : memref<528xi32, #tpu.memory_space<vmem>>, vector<16xi32>,
      %slice3A_981 = vector.extract_strided_slice %get3A_980 {offsets = [0], sizes = [1], strides = [1]} : vector<16xi32> to vector<1xi32>
      %squeeze3A_982 = vector.extract %slice3A_981[0] : i32 from vector<1xi32>
      %broadcast_in_dim3A_983 = arith.constant 0 : i32
      %broadcast_in_dim3A_984 = vector.broadcast %broadcast_in_dim3A_983 : i32 to vector<16xi32>
      %add3A_985 = vector.broadcast %squeeze3A_982 : i32 to vector<16xi32>
      %add3A_986 = arith.addi %broadcast_in_dim3A_984, %add3A_985 : vector<16xi32>
      %rem3A_987 = arith.constant 128 : i32
      %rem3A_988 = vector.broadcast %rem3A_987 : i32 to vector<16xi32>
      %rem3A_989 = arith.remsi %add3A_986, %rem3A_988 : vector<16xi32>
      %sub3A_990 = arith.constant 999936 : i32
      %sub3A_991 = vector.broadcast %sub3A_990 : i32 to vector<16xi32>
      %sub3A_992 = arith.subi %add3A_986, %sub3A_991 : vector<16xi32>
      %max3A_993 = arith.constant 0 : i32
      %max3A_994 = vector.broadcast %max3A_993 : i32 to vector<16xi32>
      %max3A_995 = arith.maxsi %sub3A_992, %max3A_994 : vector<16xi32>
      %ge3A_996 = arith.constant 999936 : i32
      %ge3A_997 = vector.broadcast %ge3A_996 : i32 to vector<16xi32>
      %ge3A_998 = arith.cmpi sge, %add3A_986, %ge3A_997 : vector<16xi32>
      %add3A_999 = vector.broadcast %add3A_963 : i32 to vector<16xi32>
      %add3A_1000 = arith.addi %broadcast_in_dim3A_984, %add3A_999 : vector<16xi32>
      %iota3A_1001 = tpu.iota {dimensions = array<i32: 0>} : vector<16xi32>
      %add3A_1002 = arith.constant 0 : i32
      %add3A_1003 = vector.broadcast %add3A_1002 : i32 to vector<16xi32>
      %add3A_1004 = arith.addi %iota3A_1001, %add3A_1003 : vector<16xi32>
      %gather3A_1005 = arith.constant 5 : i32
      %gather3A_1006 = arith.constant 0 : i32
      %gather3A_1007 = arith.constant 0 : i32
      %gather3A_1008 = tpu.memref_slice %arg6[%gather3A_1005, %gather3A_1006, %gather3A_1007] : memref<8x64x128xf32, #tpu.memory_space<vmem>> -> memref<1x64x128xf32, #tpu.memory_space<vmem>>
      %gather3A_1009 = tpu.memref_squeeze %gather3A_1008 : memref<1x64x128xf32, #tpu.memory_space<vmem>> -> memref<64x128xf32, #tpu.memory_space<vmem>>
      %gather3A_1010 = tpu.vector_load_idx %gather3A_1009[%add3A_1004, %rem3A_989] : memref<64x128xf32, #tpu.memory_space<vmem>>[vector<16xi32>, vector<16xi32>], vector<16xf32>,
      %gather3A_1011 = tpu.vector_load_idx %arg7[%add3A_1004, %max3A_995] : memref<64x65xf32, #tpu.memory_space<vmem>>[vector<16xi32>, vector<16xi32>], vector<16xf32>,
      %select_n3A_1012 = arith.select %ge3A_998, %gather3A_1011, %gather3A_1010 : vector<16xi1>, vector<16xf32>
      tpu.vector_store_idx %arg8[%add3A_1004, %add3A_1000], %select_n3A_1012 : memref<64x512xf32, #tpu.memory_space<vmem>>[vector<16xi32>, vector<16xi32>], vector<16xf32>,
      %iota3A_1013 = tpu.iota {dimensions = array<i32: 0>} : vector<16xi32>
      %add3A_1014 = arith.constant 16 : i32
      %add3A_1015 = vector.broadcast %add3A_1014 : i32 to vector<16xi32>
      %add3A_1016 = arith.addi %iota3A_1013, %add3A_1015 : vector<16xi32>
      %gather3A_1017 = arith.constant 5 : i32
      %gather3A_1018 = arith.constant 0 : i32
      %gather3A_1019 = arith.constant 0 : i32
      %gather3A_1020 = tpu.memref_slice %arg6[%gather3A_1017, %gather3A_1018, %gather3A_1019] : memref<8x64x128xf32, #tpu.memory_space<vmem>> -> memref<1x64x128xf32, #tpu.memory_space<vmem>>
      %gather3A_1021 = tpu.memref_squeeze %gather3A_1020 : memref<1x64x128xf32, #tpu.memory_space<vmem>> -> memref<64x128xf32, #tpu.memory_space<vmem>>
      %gather3A_1022 = tpu.vector_load_idx %gather3A_1021[%add3A_1016, %rem3A_989] : memref<64x128xf32, #tpu.memory_space<vmem>>[vector<16xi32>, vector<16xi32>], vector<16xf32>,
      %gather3A_1023 = tpu.vector_load_idx %arg7[%add3A_1016, %max3A_995] : memref<64x65xf32, #tpu.memory_space<vmem>>[vector<16xi32>, vector<16xi32>], vector<16xf32>,
      %select_n3A_1024 = arith.select %ge3A_998, %gather3A_1023, %gather3A_1022 : vector<16xi1>, vector<16xf32>
      tpu.vector_store_idx %arg8[%add3A_1016, %add3A_1000], %select_n3A_1024 : memref<64x512xf32, #tpu.memory_space<vmem>>[vector<16xi32>, vector<16xi32>], vector<16xf32>,
      %iota3A_1025 = tpu.iota {dimensions = array<i32: 0>} : vector<16xi32>
      %add3A_1026 = arith.constant 32 : i32
      %add3A_1027 = vector.broadcast %add3A_1026 : i32 to vector<16xi32>
      %add3A_1028 = arith.addi %iota3A_1025, %add3A_1027 : vector<16xi32>
      %gather3A_1029 = arith.constant 5 : i32
      %gather3A_1030 = arith.constant 0 : i32
      %gather3A_1031 = arith.constant 0 : i32
      %gather3A_1032 = tpu.memref_slice %arg6[%gather3A_1029, %gather3A_1030, %gather3A_1031] : memref<8x64x128xf32, #tpu.memory_space<vmem>> -> memref<1x64x128xf32, #tpu.memory_space<vmem>>
      %gather3A_1033 = tpu.memref_squeeze %gather3A_1032 : memref<1x64x128xf32, #tpu.memory_space<vmem>> -> memref<64x128xf32, #tpu.memory_space<vmem>>
      %gather3A_1034 = tpu.vector_load_idx %gather3A_1033[%add3A_1028, %rem3A_989] : memref<64x128xf32, #tpu.memory_space<vmem>>[vector<16xi32>, vector<16xi32>], vector<16xf32>,
      %gather3A_1035 = tpu.vector_load_idx %arg7[%add3A_1028, %max3A_995] : memref<64x65xf32, #tpu.memory_space<vmem>>[vector<16xi32>, vector<16xi32>], vector<16xf32>,
      %select_n3A_1036 = arith.select %ge3A_998, %gather3A_1035, %gather3A_1034 : vector<16xi1>, vector<16xf32>
      tpu.vector_store_idx %arg8[%add3A_1028, %add3A_1000], %select_n3A_1036 : memref<64x512xf32, #tpu.memory_space<vmem>>[vector<16xi32>, vector<16xi32>], vector<16xf32>,
      %iota3A_1037 = tpu.iota {dimensions = array<i32: 0>} : vector<16xi32>
      %add3A_1038 = arith.constant 48 : i32
      %add3A_1039 = vector.broadcast %add3A_1038 : i32 to vector<16xi32>
      %add3A_1040 = arith.addi %iota3A_1037, %add3A_1039 : vector<16xi32>
      %gather3A_1041 = arith.constant 5 : i32
      %gather3A_1042 = arith.constant 0 : i32
      %gather3A_1043 = arith.constant 0 : i32
      %gather3A_1044 = tpu.memref_slice %arg6[%gather3A_1041, %gather3A_1042, %gather3A_1043] : memref<8x64x128xf32, #tpu.memory_space<vmem>> -> memref<1x64x128xf32, #tpu.memory_space<vmem>>
      %gather3A_1045 = tpu.memref_squeeze %gather3A_1044 : memref<1x64x128xf32, #tpu.memory_space<vmem>> -> memref<64x128xf32, #tpu.memory_space<vmem>>
      %gather3A_1046 = tpu.vector_load_idx %gather3A_1045[%add3A_1040, %rem3A_989] : memref<64x128xf32, #tpu.memory_space<vmem>>[vector<16xi32>, vector<16xi32>], vector<16xf32>,
      %gather3A_1047 = tpu.vector_load_idx %arg7[%add3A_1040, %max3A_995] : memref<64x65xf32, #tpu.memory_space<vmem>>[vector<16xi32>, vector<16xi32>], vector<16xf32>,
      %select_n3A_1048 = arith.select %ge3A_998, %gather3A_1047, %gather3A_1046 : vector<16xi1>, vector<16xf32>
      tpu.vector_store_idx %arg8[%add3A_1040, %add3A_1000], %select_n3A_1048 : memref<64x512xf32, #tpu.memory_space<vmem>>[vector<16xi32>, vector<16xi32>], vector<16xf32>,
      %lt3A_1049 = arith.constant 63 : i32
      %lt3A_1050 = arith.cmpi slt, %scan3A_497, %lt3A_1049 : i32
      %convert_element_type3A_1051 = arith.extui %lt3A_1050 : i1 to i32
      %cond3A_1052 = arith.constant 0 : i32
      %cond3A_1053 = arith.cmpi ne, %convert_element_type3A_1051, %cond3A_1052 : i32
      scf.if %cond3A_1053 {
        %add3A_1242 = arith.constant 8 : i32
        %add3A_1243 = arith.addi %add3A_963, %add3A_1242 : i32
        %get3A_1244 = arith.index_cast %add3A_1243 : i32 to index
        %get3A_1245 = tpu.vector_load %arg5[%get3A_1244] {strides = array<i32>} : memref<528xi32, #tpu.memory_space<vmem>>, vector<16xi32>,
        %slice3A_1246 = vector.extract_strided_slice %get3A_1245 {offsets = [0], sizes = [1], strides = [1]} : vector<16xi32> to vector<1xi32>
        %squeeze3A_1247 = vector.extract %slice3A_1246[0] : i32 from vector<1xi32>
        %jit3A_1248 = arith.constant 128 : i32
        %div3A_1249 = arith.divsi %squeeze3A_1247, %jit3A_1248 : i32
        %sign3A_1250 = arith.constant 0 : i32
        %sign3A_1251 = arith.cmpi sgt, %squeeze3A_1247, %sign3A_1250 : i32
        %sign3A_1252 = arith.extui %sign3A_1251 : i1 to i32
        %sign3A_1253 = arith.constant 0 : i32
        %sign3A_1254 = arith.cmpi slt, %squeeze3A_1247, %sign3A_1253 : i32
        %sign3A_1255 = arith.extui %sign3A_1254 : i1 to i32
        %sign3A_1256 = arith.subi %sign3A_1252, %sign3A_1255 : i32
        %sign3A_1257 = arith.constant 0 : i32
        %sign3A_1258 = arith.cmpi sgt, %jit3A_1248, %sign3A_1257 : i32
        %sign3A_1259 = arith.extui %sign3A_1258 : i1 to i32
        %sign3A_1260 = arith.constant 0 : i32
        %sign3A_1261 = arith.cmpi slt, %jit3A_1248, %sign3A_1260 : i32
        %sign3A_1262 = arith.extui %sign3A_1261 : i1 to i32
        %sign3A_1263 = arith.subi %sign3A_1259, %sign3A_1262 : i32
        %ne3A_1264 = arith.cmpi ne, %sign3A_1256, %sign3A_1263 : i32
        %rem3A_1265 = arith.remsi %squeeze3A_1247, %jit3A_1248 : i32
        %ne3A_1266 = arith.constant 0 : i32
        %ne3A_1267 = arith.cmpi ne, %rem3A_1265, %ne3A_1266 : i32
        %and3A_1268 = arith.andi %ne3A_1264, %ne3A_1267 : i1
        %sub3A_1269 = arith.constant 1 : i32
        %sub3A_1270 = arith.subi %div3A_1249, %sub3A_1269 : i32
        %select_n3A_1271 = arith.select %and3A_1268, %sub3A_1270, %div3A_1249 : i32
        %min3A_1272 = arith.constant 7811 : i32
        %min3A_1273 = arith.minsi %select_n3A_1271, %min3A_1272 : i32
        %mul3A_1274 = arith.constant 128 : i32
        %mul3A_1275 = arith.muli %min3A_1273, %mul3A_1274 : i32
        %multiple_of3A_1276 = tpu.assume_multiple %mul3A_1275, 128 : i32
        %dma_start3A_1277 = arith.constant 5 : i32
        %dma_start3A_1278 = arith.constant 0 : i32
        %dma_start3A_1279 = arith.constant 0 : i32
        %dma_start3A_1280 = tpu.memref_slice %arg6[%dma_start3A_1277, %dma_start3A_1278, %dma_start3A_1279] : memref<8x64x128xf32, #tpu.memory_space<vmem>> -> memref<1x32x128xf32, #tpu.memory_space<vmem>>
        %dma_start3A_1281 = tpu.memref_squeeze %dma_start3A_1280 : memref<1x32x128xf32, #tpu.memory_space<vmem>> -> memref<32x128xf32, #tpu.memory_space<vmem>>
        %dma_start3A_1282 = arith.constant 0 : i32
        %dma_start3A_1283 = tpu.memref_slice %arg2[%dma_start3A_1282, %multiple_of3A_1276] : memref<64x1000001xf32, #tpu.memory_space<hbm>> -> memref<32x128xf32, #tpu.memory_space<hbm>>
        %dma_start3A_1284 = arith.constant 0 : i32
        %dma_start3A_1285 = arith.constant 0 : i32
        %dma_start3A_1286 = tpu.memref_slice %arg6[%dma_start3A_1277, %dma_start3A_1284, %dma_start3A_1285] : memref<8x64x128xf32, #tpu.memory_space<vmem>> -> memref<1x32x128xf32, #tpu.memory_space<vmem>>
        %dma_start3A_1287 = tpu.memref_squeeze %dma_start3A_1286 : memref<1x32x128xf32, #tpu.memory_space<vmem>> -> memref<32x128xf32, #tpu.memory_space<vmem>>
        %dma_start3A_1288 = arith.constant 0 : i32
        %dma_start3A_1289 = tpu.memref_slice %arg2[%dma_start3A_1288, %multiple_of3A_1276] : memref<64x1000001xf32, #tpu.memory_space<hbm>> -> memref<32x128xf32, #tpu.memory_space<hbm>>
        tpu.enqueue_dma source(%dma_start3A_1289 : memref<32x128xf32, #tpu.memory_space<hbm>>) target(%dma_start3A_1287 : memref<32x128xf32, #tpu.memory_space<vmem>>) target_semaphore(%arg15 : memref<!tpu.dma_semaphore, #tpu.memory_space<semaphore_mem>>)
        %dma_start3A_1290 = arith.constant 5 : i32
        %dma_start3A_1291 = arith.constant 32 : i32
        %dma_start3A_1292 = arith.constant 0 : i32
        %dma_start3A_1293 = tpu.memref_slice %arg6[%dma_start3A_1290, %dma_start3A_1291, %dma_start3A_1292] : memref<8x64x128xf32, #tpu.memory_space<vmem>> -> memref<1x32x128xf32, #tpu.memory_space<vmem>>
        %dma_start3A_1294 = tpu.memref_squeeze %dma_start3A_1293 : memref<1x32x128xf32, #tpu.memory_space<vmem>> -> memref<32x128xf32, #tpu.memory_space<vmem>>
        %dma_start3A_1295 = arith.constant 32 : i32
        %dma_start3A_1296 = tpu.memref_slice %arg2[%dma_start3A_1295, %multiple_of3A_1276] : memref<64x1000001xf32, #tpu.memory_space<hbm>> -> memref<32x128xf32, #tpu.memory_space<hbm>>
        %dma_start3A_1297 = arith.constant 32 : i32
        %dma_start3A_1298 = arith.constant 0 : i32
        %dma_start3A_1299 = tpu.memref_slice %arg6[%dma_start3A_1290, %dma_start3A_1297, %dma_start3A_1298] : memref<8x64x128xf32, #tpu.memory_space<vmem>> -> memref<1x32x128xf32, #tpu.memory_space<vmem>>
        %dma_start3A_1300 = tpu.memref_squeeze %dma_start3A_1299 : memref<1x32x128xf32, #tpu.memory_space<vmem>> -> memref<32x128xf32, #tpu.memory_space<vmem>>
        %dma_start3A_1301 = arith.constant 32 : i32
        %dma_start3A_1302 = tpu.memref_slice %arg2[%dma_start3A_1301, %multiple_of3A_1276] : memref<64x1000001xf32, #tpu.memory_space<hbm>> -> memref<32x128xf32, #tpu.memory_space<hbm>>
        tpu.enqueue_dma source(%dma_start3A_1302 : memref<32x128xf32, #tpu.memory_space<hbm>>) target(%dma_start3A_1300 : memref<32x128xf32, #tpu.memory_space<vmem>>) target_semaphore(%arg15 : memref<!tpu.dma_semaphore, #tpu.memory_space<semaphore_mem>>)
      } else {
      }
      %mul3A_1054 = arith.constant 8 : i32
      %mul3A_1055 = arith.muli %scan3A_497, %mul3A_1054 : i32
      %add3A_1056 = arith.constant 6 : i32
      %add3A_1057 = arith.addi %mul3A_1055, %add3A_1056 : i32
      %dma_wait3A_1058 = arith.constant 6 : i32
      %dma_wait3A_1059 = arith.constant 0 : i32
      %dma_wait3A_1060 = arith.constant 0 : i32
      %dma_wait3A_1061 = tpu.memref_slice %arg6[%dma_wait3A_1058, %dma_wait3A_1059, %dma_wait3A_1060] : memref<8x64x128xf32, #tpu.memory_space<vmem>> -> memref<1x64x128xf32, #tpu.memory_space<vmem>>
      %dma_wait3A_1062 = tpu.memref_squeeze %dma_wait3A_1061 : memref<1x64x128xf32, #tpu.memory_space<vmem>> -> memref<64x128xf32, #tpu.memory_space<vmem>>
      %dma_wait3A_1063 = arith.constant 0 : i32
      %dma_wait3A_1064 = arith.constant 0 : i32
      %dma_wait3A_1065 = tpu.memref_slice %arg2[%dma_wait3A_1063, %dma_wait3A_1064] : memref<64x1000001xf32, #tpu.memory_space<hbm>> -> memref<64x128xf32, #tpu.memory_space<hbm>>
      %dma_wait3A_1066 = arith.constant 0 : i32
      %dma_wait3A_1067 = arith.constant 0 : i32
      %dma_wait3A_1068 = tpu.memref_slice %arg6[%dma_wait3A_1058, %dma_wait3A_1066, %dma_wait3A_1067] : memref<8x64x128xf32, #tpu.memory_space<vmem>> -> memref<1x64x128xf32, #tpu.memory_space<vmem>>
      %dma_wait3A_1069 = tpu.memref_squeeze %dma_wait3A_1068 : memref<1x64x128xf32, #tpu.memory_space<vmem>> -> memref<64x128xf32, #tpu.memory_space<vmem>>
      %dma_wait3A_1070 = arith.constant 0 : i32
      %dma_wait3A_1071 = arith.constant 0 : i32
      %dma_wait3A_1072 = tpu.memref_slice %arg2[%dma_wait3A_1070, %dma_wait3A_1071] : memref<64x1000001xf32, #tpu.memory_space<hbm>> -> memref<64x128xf32, #tpu.memory_space<hbm>>
      tpu.wait_dma2 semaphore(%arg16 : memref<!tpu.dma_semaphore, #tpu.memory_space<semaphore_mem>>) src(%dma_wait3A_1072 : memref<64x128xf32, #tpu.memory_space<hbm>>) dst(%dma_wait3A_1069 : memref<64x128xf32, #tpu.memory_space<vmem>>)
      %get3A_1073 = arith.index_cast %add3A_1057 : i32 to index
      %get3A_1074 = tpu.vector_load %arg5[%get3A_1073] {strides = array<i32>} : memref<528xi32, #tpu.memory_space<vmem>>, vector<16xi32>,
      %slice3A_1075 = vector.extract_strided_slice %get3A_1074 {offsets = [0], sizes = [1], strides = [1]} : vector<16xi32> to vector<1xi32>
      %squeeze3A_1076 = vector.extract %slice3A_1075[0] : i32 from vector<1xi32>
      %broadcast_in_dim3A_1077 = arith.constant 0 : i32
      %broadcast_in_dim3A_1078 = vector.broadcast %broadcast_in_dim3A_1077 : i32 to vector<16xi32>
      %add3A_1079 = vector.broadcast %squeeze3A_1076 : i32 to vector<16xi32>
      %add3A_1080 = arith.addi %broadcast_in_dim3A_1078, %add3A_1079 : vector<16xi32>
      %rem3A_1081 = arith.constant 128 : i32
      %rem3A_1082 = vector.broadcast %rem3A_1081 : i32 to vector<16xi32>
      %rem3A_1083 = arith.remsi %add3A_1080, %rem3A_1082 : vector<16xi32>
      %sub3A_1084 = arith.constant 999936 : i32
      %sub3A_1085 = vector.broadcast %sub3A_1084 : i32 to vector<16xi32>
      %sub3A_1086 = arith.subi %add3A_1080, %sub3A_1085 : vector<16xi32>
      %max3A_1087 = arith.constant 0 : i32
      %max3A_1088 = vector.broadcast %max3A_1087 : i32 to vector<16xi32>
      %max3A_1089 = arith.maxsi %sub3A_1086, %max3A_1088 : vector<16xi32>
      %ge3A_1090 = arith.constant 999936 : i32
      %ge3A_1091 = vector.broadcast %ge3A_1090 : i32 to vector<16xi32>
      %ge3A_1092 = arith.cmpi sge, %add3A_1080, %ge3A_1091 : vector<16xi32>
      %add3A_1093 = vector.broadcast %add3A_1057 : i32 to vector<16xi32>
      %add3A_1094 = arith.addi %broadcast_in_dim3A_1078, %add3A_1093 : vector<16xi32>
      %iota3A_1095 = tpu.iota {dimensions = array<i32: 0>} : vector<16xi32>
      %add3A_1096 = arith.constant 0 : i32
      %add3A_1097 = vector.broadcast %add3A_1096 : i32 to vector<16xi32>
      %add3A_1098 = arith.addi %iota3A_1095, %add3A_1097 : vector<16xi32>
      %gather3A_1099 = arith.constant 6 : i32
      %gather3A_1100 = arith.constant 0 : i32
      %gather3A_1101 = arith.constant 0 : i32
      %gather3A_1102 = tpu.memref_slice %arg6[%gather3A_1099, %gather3A_1100, %gather3A_1101] : memref<8x64x128xf32, #tpu.memory_space<vmem>> -> memref<1x64x128xf32, #tpu.memory_space<vmem>>
      %gather3A_1103 = tpu.memref_squeeze %gather3A_1102 : memref<1x64x128xf32, #tpu.memory_space<vmem>> -> memref<64x128xf32, #tpu.memory_space<vmem>>
      %gather3A_1104 = tpu.vector_load_idx %gather3A_1103[%add3A_1098, %rem3A_1083] : memref<64x128xf32, #tpu.memory_space<vmem>>[vector<16xi32>, vector<16xi32>], vector<16xf32>,
      %gather3A_1105 = tpu.vector_load_idx %arg7[%add3A_1098, %max3A_1089] : memref<64x65xf32, #tpu.memory_space<vmem>>[vector<16xi32>, vector<16xi32>], vector<16xf32>,
      %select_n3A_1106 = arith.select %ge3A_1092, %gather3A_1105, %gather3A_1104 : vector<16xi1>, vector<16xf32>
      tpu.vector_store_idx %arg8[%add3A_1098, %add3A_1094], %select_n3A_1106 : memref<64x512xf32, #tpu.memory_space<vmem>>[vector<16xi32>, vector<16xi32>], vector<16xf32>,
      %iota3A_1107 = tpu.iota {dimensions = array<i32: 0>} : vector<16xi32>
      %add3A_1108 = arith.constant 16 : i32
      %add3A_1109 = vector.broadcast %add3A_1108 : i32 to vector<16xi32>
      %add3A_1110 = arith.addi %iota3A_1107, %add3A_1109 : vector<16xi32>
      %gather3A_1111 = arith.constant 6 : i32
      %gather3A_1112 = arith.constant 0 : i32
      %gather3A_1113 = arith.constant 0 : i32
      %gather3A_1114 = tpu.memref_slice %arg6[%gather3A_1111, %gather3A_1112, %gather3A_1113] : memref<8x64x128xf32, #tpu.memory_space<vmem>> -> memref<1x64x128xf32, #tpu.memory_space<vmem>>
      %gather3A_1115 = tpu.memref_squeeze %gather3A_1114 : memref<1x64x128xf32, #tpu.memory_space<vmem>> -> memref<64x128xf32, #tpu.memory_space<vmem>>
      %gather3A_1116 = tpu.vector_load_idx %gather3A_1115[%add3A_1110, %rem3A_1083] : memref<64x128xf32, #tpu.memory_space<vmem>>[vector<16xi32>, vector<16xi32>], vector<16xf32>,
      %gather3A_1117 = tpu.vector_load_idx %arg7[%add3A_1110, %max3A_1089] : memref<64x65xf32, #tpu.memory_space<vmem>>[vector<16xi32>, vector<16xi32>], vector<16xf32>,
      %select_n3A_1118 = arith.select %ge3A_1092, %gather3A_1117, %gather3A_1116 : vector<16xi1>, vector<16xf32>
      tpu.vector_store_idx %arg8[%add3A_1110, %add3A_1094], %select_n3A_1118 : memref<64x512xf32, #tpu.memory_space<vmem>>[vector<16xi32>, vector<16xi32>], vector<16xf32>,
      %iota3A_1119 = tpu.iota {dimensions = array<i32: 0>} : vector<16xi32>
      %add3A_1120 = arith.constant 32 : i32
      %add3A_1121 = vector.broadcast %add3A_1120 : i32 to vector<16xi32>
      %add3A_1122 = arith.addi %iota3A_1119, %add3A_1121 : vector<16xi32>
      %gather3A_1123 = arith.constant 6 : i32
      %gather3A_1124 = arith.constant 0 : i32
      %gather3A_1125 = arith.constant 0 : i32
      %gather3A_1126 = tpu.memref_slice %arg6[%gather3A_1123, %gather3A_1124, %gather3A_1125] : memref<8x64x128xf32, #tpu.memory_space<vmem>> -> memref<1x64x128xf32, #tpu.memory_space<vmem>>
      %gather3A_1127 = tpu.memref_squeeze %gather3A_1126 : memref<1x64x128xf32, #tpu.memory_space<vmem>> -> memref<64x128xf32, #tpu.memory_space<vmem>>
      %gather3A_1128 = tpu.vector_load_idx %gather3A_1127[%add3A_1122, %rem3A_1083] : memref<64x128xf32, #tpu.memory_space<vmem>>[vector<16xi32>, vector<16xi32>], vector<16xf32>,
      %gather3A_1129 = tpu.vector_load_idx %arg7[%add3A_1122, %max3A_1089] : memref<64x65xf32, #tpu.memory_space<vmem>>[vector<16xi32>, vector<16xi32>], vector<16xf32>,
      %select_n3A_1130 = arith.select %ge3A_1092, %gather3A_1129, %gather3A_1128 : vector<16xi1>, vector<16xf32>
      tpu.vector_store_idx %arg8[%add3A_1122, %add3A_1094], %select_n3A_1130 : memref<64x512xf32, #tpu.memory_space<vmem>>[vector<16xi32>, vector<16xi32>], vector<16xf32>,
      %iota3A_1131 = tpu.iota {dimensions = array<i32: 0>} : vector<16xi32>
      %add3A_1132 = arith.constant 48 : i32
      %add3A_1133 = vector.broadcast %add3A_1132 : i32 to vector<16xi32>
      %add3A_1134 = arith.addi %iota3A_1131, %add3A_1133 : vector<16xi32>
      %gather3A_1135 = arith.constant 6 : i32
      %gather3A_1136 = arith.constant 0 : i32
      %gather3A_1137 = arith.constant 0 : i32
      %gather3A_1138 = tpu.memref_slice %arg6[%gather3A_1135, %gather3A_1136, %gather3A_1137] : memref<8x64x128xf32, #tpu.memory_space<vmem>> -> memref<1x64x128xf32, #tpu.memory_space<vmem>>
      %gather3A_1139 = tpu.memref_squeeze %gather3A_1138 : memref<1x64x128xf32, #tpu.memory_space<vmem>> -> memref<64x128xf32, #tpu.memory_space<vmem>>
      %gather3A_1140 = tpu.vector_load_idx %gather3A_1139[%add3A_1134, %rem3A_1083] : memref<64x128xf32, #tpu.memory_space<vmem>>[vector<16xi32>, vector<16xi32>], vector<16xf32>,
      %gather3A_1141 = tpu.vector_load_idx %arg7[%add3A_1134, %max3A_1089] : memref<64x65xf32, #tpu.memory_space<vmem>>[vector<16xi32>, vector<16xi32>], vector<16xf32>,
      %select_n3A_1142 = arith.select %ge3A_1092, %gather3A_1141, %gather3A_1140 : vector<16xi1>, vector<16xf32>
      tpu.vector_store_idx %arg8[%add3A_1134, %add3A_1094], %select_n3A_1142 : memref<64x512xf32, #tpu.memory_space<vmem>>[vector<16xi32>, vector<16xi32>], vector<16xf32>,
      %lt3A_1143 = arith.constant 63 : i32
      %lt3A_1144 = arith.cmpi slt, %scan3A_497, %lt3A_1143 : i32
      %convert_element_type3A_1145 = arith.extui %lt3A_1144 : i1 to i32
      %cond3A_1146 = arith.constant 0 : i32
      %cond3A_1147 = arith.cmpi ne, %convert_element_type3A_1145, %cond3A_1146 : i32
      scf.if %cond3A_1147 {
        %add3A_1242 = arith.constant 8 : i32
        %add3A_1243 = arith.addi %add3A_1057, %add3A_1242 : i32
        %get3A_1244 = arith.index_cast %add3A_1243 : i32 to index
        %get3A_1245 = tpu.vector_load %arg5[%get3A_1244] {strides = array<i32>} : memref<528xi32, #tpu.memory_space<vmem>>, vector<16xi32>,
        %slice3A_1246 = vector.extract_strided_slice %get3A_1245 {offsets = [0], sizes = [1], strides = [1]} : vector<16xi32> to vector<1xi32>
        %squeeze3A_1247 = vector.extract %slice3A_1246[0] : i32 from vector<1xi32>
        %jit3A_1248 = arith.constant 128 : i32
        %div3A_1249 = arith.divsi %squeeze3A_1247, %jit3A_1248 : i32
        %sign3A_1250 = arith.constant 0 : i32
        %sign3A_1251 = arith.cmpi sgt, %squeeze3A_1247, %sign3A_1250 : i32
        %sign3A_1252 = arith.extui %sign3A_1251 : i1 to i32
        %sign3A_1253 = arith.constant 0 : i32
        %sign3A_1254 = arith.cmpi slt, %squeeze3A_1247, %sign3A_1253 : i32
        %sign3A_1255 = arith.extui %sign3A_1254 : i1 to i32
        %sign3A_1256 = arith.subi %sign3A_1252, %sign3A_1255 : i32
        %sign3A_1257 = arith.constant 0 : i32
        %sign3A_1258 = arith.cmpi sgt, %jit3A_1248, %sign3A_1257 : i32
        %sign3A_1259 = arith.extui %sign3A_1258 : i1 to i32
        %sign3A_1260 = arith.constant 0 : i32
        %sign3A_1261 = arith.cmpi slt, %jit3A_1248, %sign3A_1260 : i32
        %sign3A_1262 = arith.extui %sign3A_1261 : i1 to i32
        %sign3A_1263 = arith.subi %sign3A_1259, %sign3A_1262 : i32
        %ne3A_1264 = arith.cmpi ne, %sign3A_1256, %sign3A_1263 : i32
        %rem3A_1265 = arith.remsi %squeeze3A_1247, %jit3A_1248 : i32
        %ne3A_1266 = arith.constant 0 : i32
        %ne3A_1267 = arith.cmpi ne, %rem3A_1265, %ne3A_1266 : i32
        %and3A_1268 = arith.andi %ne3A_1264, %ne3A_1267 : i1
        %sub3A_1269 = arith.constant 1 : i32
        %sub3A_1270 = arith.subi %div3A_1249, %sub3A_1269 : i32
        %select_n3A_1271 = arith.select %and3A_1268, %sub3A_1270, %div3A_1249 : i32
        %min3A_1272 = arith.constant 7811 : i32
        %min3A_1273 = arith.minsi %select_n3A_1271, %min3A_1272 : i32
        %mul3A_1274 = arith.constant 128 : i32
        %mul3A_1275 = arith.muli %min3A_1273, %mul3A_1274 : i32
        %multiple_of3A_1276 = tpu.assume_multiple %mul3A_1275, 128 : i32
        %dma_start3A_1277 = arith.constant 6 : i32
        %dma_start3A_1278 = arith.constant 0 : i32
        %dma_start3A_1279 = arith.constant 0 : i32
        %dma_start3A_1280 = tpu.memref_slice %arg6[%dma_start3A_1277, %dma_start3A_1278, %dma_start3A_1279] : memref<8x64x128xf32, #tpu.memory_space<vmem>> -> memref<1x32x128xf32, #tpu.memory_space<vmem>>
        %dma_start3A_1281 = tpu.memref_squeeze %dma_start3A_1280 : memref<1x32x128xf32, #tpu.memory_space<vmem>> -> memref<32x128xf32, #tpu.memory_space<vmem>>
        %dma_start3A_1282 = arith.constant 0 : i32
        %dma_start3A_1283 = tpu.memref_slice %arg2[%dma_start3A_1282, %multiple_of3A_1276] : memref<64x1000001xf32, #tpu.memory_space<hbm>> -> memref<32x128xf32, #tpu.memory_space<hbm>>
        %dma_start3A_1284 = arith.constant 0 : i32
        %dma_start3A_1285 = arith.constant 0 : i32
        %dma_start3A_1286 = tpu.memref_slice %arg6[%dma_start3A_1277, %dma_start3A_1284, %dma_start3A_1285] : memref<8x64x128xf32, #tpu.memory_space<vmem>> -> memref<1x32x128xf32, #tpu.memory_space<vmem>>
        %dma_start3A_1287 = tpu.memref_squeeze %dma_start3A_1286 : memref<1x32x128xf32, #tpu.memory_space<vmem>> -> memref<32x128xf32, #tpu.memory_space<vmem>>
        %dma_start3A_1288 = arith.constant 0 : i32
        %dma_start3A_1289 = tpu.memref_slice %arg2[%dma_start3A_1288, %multiple_of3A_1276] : memref<64x1000001xf32, #tpu.memory_space<hbm>> -> memref<32x128xf32, #tpu.memory_space<hbm>>
        tpu.enqueue_dma source(%dma_start3A_1289 : memref<32x128xf32, #tpu.memory_space<hbm>>) target(%dma_start3A_1287 : memref<32x128xf32, #tpu.memory_space<vmem>>) target_semaphore(%arg16 : memref<!tpu.dma_semaphore, #tpu.memory_space<semaphore_mem>>)
        %dma_start3A_1290 = arith.constant 6 : i32
        %dma_start3A_1291 = arith.constant 32 : i32
        %dma_start3A_1292 = arith.constant 0 : i32
        %dma_start3A_1293 = tpu.memref_slice %arg6[%dma_start3A_1290, %dma_start3A_1291, %dma_start3A_1292] : memref<8x64x128xf32, #tpu.memory_space<vmem>> -> memref<1x32x128xf32, #tpu.memory_space<vmem>>
        %dma_start3A_1294 = tpu.memref_squeeze %dma_start3A_1293 : memref<1x32x128xf32, #tpu.memory_space<vmem>> -> memref<32x128xf32, #tpu.memory_space<vmem>>
        %dma_start3A_1295 = arith.constant 32 : i32
        %dma_start3A_1296 = tpu.memref_slice %arg2[%dma_start3A_1295, %multiple_of3A_1276] : memref<64x1000001xf32, #tpu.memory_space<hbm>> -> memref<32x128xf32, #tpu.memory_space<hbm>>
        %dma_start3A_1297 = arith.constant 32 : i32
        %dma_start3A_1298 = arith.constant 0 : i32
        %dma_start3A_1299 = tpu.memref_slice %arg6[%dma_start3A_1290, %dma_start3A_1297, %dma_start3A_1298] : memref<8x64x128xf32, #tpu.memory_space<vmem>> -> memref<1x32x128xf32, #tpu.memory_space<vmem>>
        %dma_start3A_1300 = tpu.memref_squeeze %dma_start3A_1299 : memref<1x32x128xf32, #tpu.memory_space<vmem>> -> memref<32x128xf32, #tpu.memory_space<vmem>>
        %dma_start3A_1301 = arith.constant 32 : i32
        %dma_start3A_1302 = tpu.memref_slice %arg2[%dma_start3A_1301, %multiple_of3A_1276] : memref<64x1000001xf32, #tpu.memory_space<hbm>> -> memref<32x128xf32, #tpu.memory_space<hbm>>
        tpu.enqueue_dma source(%dma_start3A_1302 : memref<32x128xf32, #tpu.memory_space<hbm>>) target(%dma_start3A_1300 : memref<32x128xf32, #tpu.memory_space<vmem>>) target_semaphore(%arg16 : memref<!tpu.dma_semaphore, #tpu.memory_space<semaphore_mem>>)
      } else {
      }
      %mul3A_1148 = arith.constant 8 : i32
      %mul3A_1149 = arith.muli %scan3A_497, %mul3A_1148 : i32
      %add3A_1150 = arith.constant 7 : i32
      %add3A_1151 = arith.addi %mul3A_1149, %add3A_1150 : i32
      %dma_wait3A_1152 = arith.constant 7 : i32
      %dma_wait3A_1153 = arith.constant 0 : i32
      %dma_wait3A_1154 = arith.constant 0 : i32
      %dma_wait3A_1155 = tpu.memref_slice %arg6[%dma_wait3A_1152, %dma_wait3A_1153, %dma_wait3A_1154] : memref<8x64x128xf32, #tpu.memory_space<vmem>> -> memref<1x64x128xf32, #tpu.memory_space<vmem>>
      %dma_wait3A_1156 = tpu.memref_squeeze %dma_wait3A_1155 : memref<1x64x128xf32, #tpu.memory_space<vmem>> -> memref<64x128xf32, #tpu.memory_space<vmem>>
      %dma_wait3A_1157 = arith.constant 0 : i32
      %dma_wait3A_1158 = arith.constant 0 : i32
      %dma_wait3A_1159 = tpu.memref_slice %arg2[%dma_wait3A_1157, %dma_wait3A_1158] : memref<64x1000001xf32, #tpu.memory_space<hbm>> -> memref<64x128xf32, #tpu.memory_space<hbm>>
      %dma_wait3A_1160 = arith.constant 0 : i32
      %dma_wait3A_1161 = arith.constant 0 : i32
      %dma_wait3A_1162 = tpu.memref_slice %arg6[%dma_wait3A_1152, %dma_wait3A_1160, %dma_wait3A_1161] : memref<8x64x128xf32, #tpu.memory_space<vmem>> -> memref<1x64x128xf32, #tpu.memory_space<vmem>>
      %dma_wait3A_1163 = tpu.memref_squeeze %dma_wait3A_1162 : memref<1x64x128xf32, #tpu.memory_space<vmem>> -> memref<64x128xf32, #tpu.memory_space<vmem>>
      %dma_wait3A_1164 = arith.constant 0 : i32
      %dma_wait3A_1165 = arith.constant 0 : i32
      %dma_wait3A_1166 = tpu.memref_slice %arg2[%dma_wait3A_1164, %dma_wait3A_1165] : memref<64x1000001xf32, #tpu.memory_space<hbm>> -> memref<64x128xf32, #tpu.memory_space<hbm>>
      tpu.wait_dma2 semaphore(%arg17 : memref<!tpu.dma_semaphore, #tpu.memory_space<semaphore_mem>>) src(%dma_wait3A_1166 : memref<64x128xf32, #tpu.memory_space<hbm>>) dst(%dma_wait3A_1163 : memref<64x128xf32, #tpu.memory_space<vmem>>)
      %get3A_1167 = arith.index_cast %add3A_1151 : i32 to index
      %get3A_1168 = tpu.vector_load %arg5[%get3A_1167] {strides = array<i32>} : memref<528xi32, #tpu.memory_space<vmem>>, vector<16xi32>,
      %slice3A_1169 = vector.extract_strided_slice %get3A_1168 {offsets = [0], sizes = [1], strides = [1]} : vector<16xi32> to vector<1xi32>
      %squeeze3A_1170 = vector.extract %slice3A_1169[0] : i32 from vector<1xi32>
      %broadcast_in_dim3A_1171 = arith.constant 0 : i32
      %broadcast_in_dim3A_1172 = vector.broadcast %broadcast_in_dim3A_1171 : i32 to vector<16xi32>
      %add3A_1173 = vector.broadcast %squeeze3A_1170 : i32 to vector<16xi32>
      %add3A_1174 = arith.addi %broadcast_in_dim3A_1172, %add3A_1173 : vector<16xi32>
      %rem3A_1175 = arith.constant 128 : i32
      %rem3A_1176 = vector.broadcast %rem3A_1175 : i32 to vector<16xi32>
      %rem3A_1177 = arith.remsi %add3A_1174, %rem3A_1176 : vector<16xi32>
      %sub3A_1178 = arith.constant 999936 : i32
      %sub3A_1179 = vector.broadcast %sub3A_1178 : i32 to vector<16xi32>
      %sub3A_1180 = arith.subi %add3A_1174, %sub3A_1179 : vector<16xi32>
      %max3A_1181 = arith.constant 0 : i32
      %max3A_1182 = vector.broadcast %max3A_1181 : i32 to vector<16xi32>
      %max3A_1183 = arith.maxsi %sub3A_1180, %max3A_1182 : vector<16xi32>
      %ge3A_1184 = arith.constant 999936 : i32
      %ge3A_1185 = vector.broadcast %ge3A_1184 : i32 to vector<16xi32>
      %ge3A_1186 = arith.cmpi sge, %add3A_1174, %ge3A_1185 : vector<16xi32>
      %add3A_1187 = vector.broadcast %add3A_1151 : i32 to vector<16xi32>
      %add3A_1188 = arith.addi %broadcast_in_dim3A_1172, %add3A_1187 : vector<16xi32>
      %iota3A_1189 = tpu.iota {dimensions = array<i32: 0>} : vector<16xi32>
      %add3A_1190 = arith.constant 0 : i32
      %add3A_1191 = vector.broadcast %add3A_1190 : i32 to vector<16xi32>
      %add3A_1192 = arith.addi %iota3A_1189, %add3A_1191 : vector<16xi32>
      %gather3A_1193 = arith.constant 7 : i32
      %gather3A_1194 = arith.constant 0 : i32
      %gather3A_1195 = arith.constant 0 : i32
      %gather3A_1196 = tpu.memref_slice %arg6[%gather3A_1193, %gather3A_1194, %gather3A_1195] : memref<8x64x128xf32, #tpu.memory_space<vmem>> -> memref<1x64x128xf32, #tpu.memory_space<vmem>>
      %gather3A_1197 = tpu.memref_squeeze %gather3A_1196 : memref<1x64x128xf32, #tpu.memory_space<vmem>> -> memref<64x128xf32, #tpu.memory_space<vmem>>
      %gather3A_1198 = tpu.vector_load_idx %gather3A_1197[%add3A_1192, %rem3A_1177] : memref<64x128xf32, #tpu.memory_space<vmem>>[vector<16xi32>, vector<16xi32>], vector<16xf32>,
      %gather3A_1199 = tpu.vector_load_idx %arg7[%add3A_1192, %max3A_1183] : memref<64x65xf32, #tpu.memory_space<vmem>>[vector<16xi32>, vector<16xi32>], vector<16xf32>,
      %select_n3A_1200 = arith.select %ge3A_1186, %gather3A_1199, %gather3A_1198 : vector<16xi1>, vector<16xf32>
      tpu.vector_store_idx %arg8[%add3A_1192, %add3A_1188], %select_n3A_1200 : memref<64x512xf32, #tpu.memory_space<vmem>>[vector<16xi32>, vector<16xi32>], vector<16xf32>,
      %iota3A_1201 = tpu.iota {dimensions = array<i32: 0>} : vector<16xi32>
      %add3A_1202 = arith.constant 16 : i32
      %add3A_1203 = vector.broadcast %add3A_1202 : i32 to vector<16xi32>
      %add3A_1204 = arith.addi %iota3A_1201, %add3A_1203 : vector<16xi32>
      %gather3A_1205 = arith.constant 7 : i32
      %gather3A_1206 = arith.constant 0 : i32
      %gather3A_1207 = arith.constant 0 : i32
      %gather3A_1208 = tpu.memref_slice %arg6[%gather3A_1205, %gather3A_1206, %gather3A_1207] : memref<8x64x128xf32, #tpu.memory_space<vmem>> -> memref<1x64x128xf32, #tpu.memory_space<vmem>>
      %gather3A_1209 = tpu.memref_squeeze %gather3A_1208 : memref<1x64x128xf32, #tpu.memory_space<vmem>> -> memref<64x128xf32, #tpu.memory_space<vmem>>
      %gather3A_1210 = tpu.vector_load_idx %gather3A_1209[%add3A_1204, %rem3A_1177] : memref<64x128xf32, #tpu.memory_space<vmem>>[vector<16xi32>, vector<16xi32>], vector<16xf32>,
      %gather3A_1211 = tpu.vector_load_idx %arg7[%add3A_1204, %max3A_1183] : memref<64x65xf32, #tpu.memory_space<vmem>>[vector<16xi32>, vector<16xi32>], vector<16xf32>,
      %select_n3A_1212 = arith.select %ge3A_1186, %gather3A_1211, %gather3A_1210 : vector<16xi1>, vector<16xf32>
      tpu.vector_store_idx %arg8[%add3A_1204, %add3A_1188], %select_n3A_1212 : memref<64x512xf32, #tpu.memory_space<vmem>>[vector<16xi32>, vector<16xi32>], vector<16xf32>,
      %iota3A_1213 = tpu.iota {dimensions = array<i32: 0>} : vector<16xi32>
      %add3A_1214 = arith.constant 32 : i32
      %add3A_1215 = vector.broadcast %add3A_1214 : i32 to vector<16xi32>
      %add3A_1216 = arith.addi %iota3A_1213, %add3A_1215 : vector<16xi32>
      %gather3A_1217 = arith.constant 7 : i32
      %gather3A_1218 = arith.constant 0 : i32
      %gather3A_1219 = arith.constant 0 : i32
      %gather3A_1220 = tpu.memref_slice %arg6[%gather3A_1217, %gather3A_1218, %gather3A_1219] : memref<8x64x128xf32, #tpu.memory_space<vmem>> -> memref<1x64x128xf32, #tpu.memory_space<vmem>>
      %gather3A_1221 = tpu.memref_squeeze %gather3A_1220 : memref<1x64x128xf32, #tpu.memory_space<vmem>> -> memref<64x128xf32, #tpu.memory_space<vmem>>
      %gather3A_1222 = tpu.vector_load_idx %gather3A_1221[%add3A_1216, %rem3A_1177] : memref<64x128xf32, #tpu.memory_space<vmem>>[vector<16xi32>, vector<16xi32>], vector<16xf32>,
      %gather3A_1223 = tpu.vector_load_idx %arg7[%add3A_1216, %max3A_1183] : memref<64x65xf32, #tpu.memory_space<vmem>>[vector<16xi32>, vector<16xi32>], vector<16xf32>,
      %select_n3A_1224 = arith.select %ge3A_1186, %gather3A_1223, %gather3A_1222 : vector<16xi1>, vector<16xf32>
      tpu.vector_store_idx %arg8[%add3A_1216, %add3A_1188], %select_n3A_1224 : memref<64x512xf32, #tpu.memory_space<vmem>>[vector<16xi32>, vector<16xi32>], vector<16xf32>,
      %iota3A_1225 = tpu.iota {dimensions = array<i32: 0>} : vector<16xi32>
      %add3A_1226 = arith.constant 48 : i32
      %add3A_1227 = vector.broadcast %add3A_1226 : i32 to vector<16xi32>
      %add3A_1228 = arith.addi %iota3A_1225, %add3A_1227 : vector<16xi32>
      %gather3A_1229 = arith.constant 7 : i32
      %gather3A_1230 = arith.constant 0 : i32
      %gather3A_1231 = arith.constant 0 : i32
      %gather3A_1232 = tpu.memref_slice %arg6[%gather3A_1229, %gather3A_1230, %gather3A_1231] : memref<8x64x128xf32, #tpu.memory_space<vmem>> -> memref<1x64x128xf32, #tpu.memory_space<vmem>>
      %gather3A_1233 = tpu.memref_squeeze %gather3A_1232 : memref<1x64x128xf32, #tpu.memory_space<vmem>> -> memref<64x128xf32, #tpu.memory_space<vmem>>
      %gather3A_1234 = tpu.vector_load_idx %gather3A_1233[%add3A_1228, %rem3A_1177] : memref<64x128xf32, #tpu.memory_space<vmem>>[vector<16xi32>, vector<16xi32>], vector<16xf32>,
      %gather3A_1235 = tpu.vector_load_idx %arg7[%add3A_1228, %max3A_1183] : memref<64x65xf32, #tpu.memory_space<vmem>>[vector<16xi32>, vector<16xi32>], vector<16xf32>,
      %select_n3A_1236 = arith.select %ge3A_1186, %gather3A_1235, %gather3A_1234 : vector<16xi1>, vector<16xf32>
      tpu.vector_store_idx %arg8[%add3A_1228, %add3A_1188], %select_n3A_1236 : memref<64x512xf32, #tpu.memory_space<vmem>>[vector<16xi32>, vector<16xi32>], vector<16xf32>,
      %lt3A_1237 = arith.constant 63 : i32
      %lt3A_1238 = arith.cmpi slt, %scan3A_497, %lt3A_1237 : i32
      %convert_element_type3A_1239 = arith.extui %lt3A_1238 : i1 to i32
      %cond3A_1240 = arith.constant 0 : i32
      %cond3A_1241 = arith.cmpi ne, %convert_element_type3A_1239, %cond3A_1240 : i32
      scf.if %cond3A_1241 {
        %add3A_1242 = arith.constant 8 : i32
        %add3A_1243 = arith.addi %add3A_1151, %add3A_1242 : i32
        %get3A_1244 = arith.index_cast %add3A_1243 : i32 to index
        %get3A_1245 = tpu.vector_load %arg5[%get3A_1244] {strides = array<i32>} : memref<528xi32, #tpu.memory_space<vmem>>, vector<16xi32>,
        %slice3A_1246 = vector.extract_strided_slice %get3A_1245 {offsets = [0], sizes = [1], strides = [1]} : vector<16xi32> to vector<1xi32>
        %squeeze3A_1247 = vector.extract %slice3A_1246[0] : i32 from vector<1xi32>
        %jit3A_1248 = arith.constant 128 : i32
        %div3A_1249 = arith.divsi %squeeze3A_1247, %jit3A_1248 : i32
        %sign3A_1250 = arith.constant 0 : i32
        %sign3A_1251 = arith.cmpi sgt, %squeeze3A_1247, %sign3A_1250 : i32
        %sign3A_1252 = arith.extui %sign3A_1251 : i1 to i32
        %sign3A_1253 = arith.constant 0 : i32
        %sign3A_1254 = arith.cmpi slt, %squeeze3A_1247, %sign3A_1253 : i32
        %sign3A_1255 = arith.extui %sign3A_1254 : i1 to i32
        %sign3A_1256 = arith.subi %sign3A_1252, %sign3A_1255 : i32
        %sign3A_1257 = arith.constant 0 : i32
        %sign3A_1258 = arith.cmpi sgt, %jit3A_1248, %sign3A_1257 : i32
        %sign3A_1259 = arith.extui %sign3A_1258 : i1 to i32
        %sign3A_1260 = arith.constant 0 : i32
        %sign3A_1261 = arith.cmpi slt, %jit3A_1248, %sign3A_1260 : i32
        %sign3A_1262 = arith.extui %sign3A_1261 : i1 to i32
        %sign3A_1263 = arith.subi %sign3A_1259, %sign3A_1262 : i32
        %ne3A_1264 = arith.cmpi ne, %sign3A_1256, %sign3A_1263 : i32
        %rem3A_1265 = arith.remsi %squeeze3A_1247, %jit3A_1248 : i32
        %ne3A_1266 = arith.constant 0 : i32
        %ne3A_1267 = arith.cmpi ne, %rem3A_1265, %ne3A_1266 : i32
        %and3A_1268 = arith.andi %ne3A_1264, %ne3A_1267 : i1
        %sub3A_1269 = arith.constant 1 : i32
        %sub3A_1270 = arith.subi %div3A_1249, %sub3A_1269 : i32
        %select_n3A_1271 = arith.select %and3A_1268, %sub3A_1270, %div3A_1249 : i32
        %min3A_1272 = arith.constant 7811 : i32
        %min3A_1273 = arith.minsi %select_n3A_1271, %min3A_1272 : i32
        %mul3A_1274 = arith.constant 128 : i32
        %mul3A_1275 = arith.muli %min3A_1273, %mul3A_1274 : i32
        %multiple_of3A_1276 = tpu.assume_multiple %mul3A_1275, 128 : i32
        %dma_start3A_1277 = arith.constant 7 : i32
        %dma_start3A_1278 = arith.constant 0 : i32
        %dma_start3A_1279 = arith.constant 0 : i32
        %dma_start3A_1280 = tpu.memref_slice %arg6[%dma_start3A_1277, %dma_start3A_1278, %dma_start3A_1279] : memref<8x64x128xf32, #tpu.memory_space<vmem>> -> memref<1x32x128xf32, #tpu.memory_space<vmem>>
        %dma_start3A_1281 = tpu.memref_squeeze %dma_start3A_1280 : memref<1x32x128xf32, #tpu.memory_space<vmem>> -> memref<32x128xf32, #tpu.memory_space<vmem>>
        %dma_start3A_1282 = arith.constant 0 : i32
        %dma_start3A_1283 = tpu.memref_slice %arg2[%dma_start3A_1282, %multiple_of3A_1276] : memref<64x1000001xf32, #tpu.memory_space<hbm>> -> memref<32x128xf32, #tpu.memory_space<hbm>>
        %dma_start3A_1284 = arith.constant 0 : i32
        %dma_start3A_1285 = arith.constant 0 : i32
        %dma_start3A_1286 = tpu.memref_slice %arg6[%dma_start3A_1277, %dma_start3A_1284, %dma_start3A_1285] : memref<8x64x128xf32, #tpu.memory_space<vmem>> -> memref<1x32x128xf32, #tpu.memory_space<vmem>>
        %dma_start3A_1287 = tpu.memref_squeeze %dma_start3A_1286 : memref<1x32x128xf32, #tpu.memory_space<vmem>> -> memref<32x128xf32, #tpu.memory_space<vmem>>
        %dma_start3A_1288 = arith.constant 0 : i32
        %dma_start3A_1289 = tpu.memref_slice %arg2[%dma_start3A_1288, %multiple_of3A_1276] : memref<64x1000001xf32, #tpu.memory_space<hbm>> -> memref<32x128xf32, #tpu.memory_space<hbm>>
        tpu.enqueue_dma source(%dma_start3A_1289 : memref<32x128xf32, #tpu.memory_space<hbm>>) target(%dma_start3A_1287 : memref<32x128xf32, #tpu.memory_space<vmem>>) target_semaphore(%arg17 : memref<!tpu.dma_semaphore, #tpu.memory_space<semaphore_mem>>)
        %dma_start3A_1290 = arith.constant 7 : i32
        %dma_start3A_1291 = arith.constant 32 : i32
        %dma_start3A_1292 = arith.constant 0 : i32
        %dma_start3A_1293 = tpu.memref_slice %arg6[%dma_start3A_1290, %dma_start3A_1291, %dma_start3A_1292] : memref<8x64x128xf32, #tpu.memory_space<vmem>> -> memref<1x32x128xf32, #tpu.memory_space<vmem>>
        %dma_start3A_1294 = tpu.memref_squeeze %dma_start3A_1293 : memref<1x32x128xf32, #tpu.memory_space<vmem>> -> memref<32x128xf32, #tpu.memory_space<vmem>>
        %dma_start3A_1295 = arith.constant 32 : i32
        %dma_start3A_1296 = tpu.memref_slice %arg2[%dma_start3A_1295, %multiple_of3A_1276] : memref<64x1000001xf32, #tpu.memory_space<hbm>> -> memref<32x128xf32, #tpu.memory_space<hbm>>
        %dma_start3A_1297 = arith.constant 32 : i32
        %dma_start3A_1298 = arith.constant 0 : i32
        %dma_start3A_1299 = tpu.memref_slice %arg6[%dma_start3A_1290, %dma_start3A_1297, %dma_start3A_1298] : memref<8x64x128xf32, #tpu.memory_space<vmem>> -> memref<1x32x128xf32, #tpu.memory_space<vmem>>
        %dma_start3A_1300 = tpu.memref_squeeze %dma_start3A_1299 : memref<1x32x128xf32, #tpu.memory_space<vmem>> -> memref<32x128xf32, #tpu.memory_space<vmem>>
        %dma_start3A_1301 = arith.constant 32 : i32
        %dma_start3A_1302 = tpu.memref_slice %arg2[%dma_start3A_1301, %multiple_of3A_1276] : memref<64x1000001xf32, #tpu.memory_space<hbm>> -> memref<32x128xf32, #tpu.memory_space<hbm>>
        tpu.enqueue_dma source(%dma_start3A_1302 : memref<32x128xf32, #tpu.memory_space<hbm>>) target(%dma_start3A_1300 : memref<32x128xf32, #tpu.memory_space<vmem>>) target_semaphore(%arg17 : memref<!tpu.dma_semaphore, #tpu.memory_space<semaphore_mem>>)
      } else {
      }
    }
    %scan3A_496 = arith.constant 64 : i32
    "tpu.region"() ({
      %run_scoped3A = tpu.sem_alloc : memref<!tpu.dma_semaphore, #tpu.memory_space<semaphore_mem>>
      %dma_start3A_497 = arith.constant 0 : i32
      %dma_start3A_498 = tpu.memref_slice %arg4[%dma_start3A_497, %mul3A_2] : memref<64x16384xf32, #tpu.memory_space<hbm>> -> memref<64x512xf32, #tpu.memory_space<hbm>>
      %dma_start3A_499 = arith.constant 0 : i32
      %dma_start3A_500 = tpu.memref_slice %arg4[%dma_start3A_499, %mul3A_2] : memref<64x16384xf32, #tpu.memory_space<hbm>> -> memref<64x512xf32, #tpu.memory_space<hbm>>
      tpu.enqueue_dma source(%arg8 : memref<64x512xf32, #tpu.memory_space<vmem>>) target(%dma_start3A_500 : memref<64x512xf32, #tpu.memory_space<hbm>>) target_semaphore(%run_scoped3A : memref<!tpu.dma_semaphore, #tpu.memory_space<semaphore_mem>>)
      %dma_wait3A_501 = arith.constant 0 : i32
      %dma_wait3A_502 = tpu.memref_slice %arg4[%dma_wait3A_501, %mul3A_2] : memref<64x16384xf32, #tpu.memory_space<hbm>> -> memref<64x512xf32, #tpu.memory_space<hbm>>
      %dma_wait3A_503 = arith.constant 0 : i32
      %dma_wait3A_504 = tpu.memref_slice %arg4[%dma_wait3A_503, %mul3A_2] : memref<64x16384xf32, #tpu.memory_space<hbm>> -> memref<64x512xf32, #tpu.memory_space<hbm>>
      tpu.wait_dma2 semaphore(%run_scoped3A : memref<!tpu.dma_semaphore, #tpu.memory_space<semaphore_mem>>) src(%arg8 : memref<64x512xf32, #tpu.memory_space<vmem>>) dst(%dma_wait3A_504 : memref<64x512xf32, #tpu.memory_space<hbm>>)
      tpu.yield
    }) : () -> ()
    return
  }
}

</mosaic_0001>

<sc_bundles>
// kernel: kernel.3.cloned.1.call-start
scs
__scs_entry_jumppad:
0x0: {  	(pc) =	sbr.rel $0x88, $3  }
0x1: {  	(tag) =	ssettag $0x0;
	lr =	simm.s32 $0x1  }
0x2: {  	[smem:$0x3F9F] =	sst lr;
	_ =	strace $0xD0000000  }
0x3: {  	_ = 	snop  }
0x4: {  	_ = 	snop  }
0x5: {  	_ = 	snop  }
0x6: {  	_ = 	snop  }
0x7: {  	_ = 	snop  }
__scs_overlays_trampoline_lowered:
0x8: {  	[smem:$0x3FAE] =	sst s0  }
0x9: {  	[smem:$0x3FAF] =	sst s1  }
0xa: {  	[smem:$0x3FB0] =	sst s2  }
0xb: {  	[smem:$0x3FB1] =	sst s3  }
0xc: {  	[smem:$0x3FB2] =	sst s4  }
0xd: {  	[smem:$0x3FB3] =	sst s5  }
0xe: {  	[smem:$0x3FB4] =	sst s6  }
0xf: {  	[smem:$0x3FB5] =	sst s7  }
0x10: {  	[smem:$0x3FB6] =	sst s8  }
0x11: {  	[smem:$0x3FB7] =	sst s9;
	s0 =	simm.s32 @!p0 $0x0  }
0x12: {  	s1 =	sld [smem:$0x3F9D];
	s0 =	simm.s32 @p0 $0x1  }
0x13: {  	[smem:$0x3FB8] =	sst s0;
	s0 =	simm.s32 @!p1 $0x0  }
0x14: {  	s2 =	sld [smem:$0x3F9C];
	s0 =	simm.s32 @p1 $0x1  }
0x15: {  	[smem:$0x3FB9] =	sst s0;
	s0 =	simm.s32 @!p2 $0x0  }
0x16: {  	s3 =	sld [smem:$0x3FDB];
	s0 =	simm.s32 @p2 $0x1  }
0x17: {  	s4 =	simm.s32 $0x1BF5;
	[smem:$0x3FBB] =	sst s0  }
0x18: {  	s0 =	sld [smem:$0x3F9E];
	_ =	swait.ge [sflag:s4], $0x0  }
0x19: {  	s7 =	sld [smem:$0x3F9F]  }
0x1a: {  	s8 =	sadd.s32 $0xFFFFE003, lr  }
0x1b: {  	s9 =	sadd.s32 $0xFFFFFEF7, lr;
	s5 =	simm.s32 $0xFFFFFFFF;
	p2 =	slt.u32 s8, $0xFFFFF086  }
0x1c: {  	p1 =	slt.u32 s9, $0xF7A;
	s5 =	simm.s32 @!p2 $0x0  }
0x1d: {  	s5 =	simm.s32 @p1 $0x1;
	p0 =	seq.s32 s7, s2  }
0x1e: {  	s7 =	smul.u32 @!p0 $0xF7A, s2;
	p2 =	seq.s32 @!p0 s5, $0x0  }
0x1f: {  	s9 =	smul.u32 $0xF7A, s1;
	s8 =	simm.s32 @!p0 $0x1BF5;
	p2 =	por !p2, p0  }
0x20: {  	[sflag:s8] =	ssyncset.s32 @!p0 $0xFFFFF086;
	s6 =	sadd.s32 @!p0 s3, s7;
	s7 =	simm.s32 @!p0 $0x108  }
0x21: {  	s3 =	sadd.s32 s3, s9;
	s6 =	sadd.s32 @!p0 $0x88, s6;
	s7 =	simm.s32 @p2 $0x1082  }
0x22: {  	[simem:s7], [sflag:s8] =	dma.local @!p0 [hbm:s6], $0xF7A  }
0x23: {  	s9 =	sor.u32 $0xD0000000, s2;
	s6 =	simm.s32 $0x108;
	_ =	swait.ge @!p0 [sflag:s8], $0x0  }
0x24: {  	s3 =	sadd.s32 $0x88, s3;
	s6 =	simm.s32 @!p1 $0x1082;
	[sflag:s4] =	ssyncset.s32 $0xFFFFF086  }
0x25: {  	[simem:s6], [sflag:s4] =	dma.local [hbm:s3], $0xF7A  }
0x26: {  	[smem:$0x3F9F] =	sst s1;
	(tag) =	ssettag s2;
	_ =	strace s9  }
0x27: {  	s1 =	sld [smem:$0x3FAF]  }
0x28: {  	s2 =	sld [smem:$0x3FB0]  }
0x29: {  	s4 =	sld [smem:$0x3FB2]  }
0x2a: {  	p0 =	seq.s32 s5, $0x0;
	s5 =	sld [smem:$0x3FB3]  }
0x2b: {  	s6 =	sld [smem:$0x3FB4]  }
0x2c: {  	s7 =	sld [smem:$0x3FB5]  }
0x2d: {  	s3 =	simm.s32 $0x108;
	s8 =	sld [smem:$0x3FB6]  }
0x2e: {  	s3 =	simm.s32 @!p0 $0x1082;
	s9 =	sld [smem:$0x3FB7]  }
0x2f: {  	lr =	sadd.s32 s0, s3;
	s0 =	sld [smem:$0x3FAE]  }
0x30: {  	s3 =	sld [smem:$0x3FB1]  }
0x31: {  	[smem:$0x3FBA] =	sst s10  }
0x32: {  	s10 =	sld [smem:$0x3FB8];
	_ =	sdelay $0x3  }
0x33: {  	p0 =	seq.s32 s10, $0x1;
	s10 =	sld [smem:$0x3FBA];
	_ =	sdelay $0x3  }
0x34: {  	[smem:$0x3FBA] =	sst s10  }
0x35: {  	s10 =	sld [smem:$0x3FB9];
	_ =	sdelay $0x3  }
0x36: {  	p1 =	seq.s32 s10, $0x1;
	s10 =	sld [smem:$0x3FBA];
	_ =	sdelay $0x3  }
0x37: {  	[smem:$0x3FBA] =	sst s10  }
0x38: {  	s10 =	sld [smem:$0x3FBB]  }
0x39: {  	_ = 	snop;
	(pc) =	sbr.ind lr, $3  }
0x3a: {  	_ = 	snop  }
0x3b: {  	_ = 	snop  }
0x3c: {  	p2 =	seq.s32 s10, $0x1;
	s10 =	sld [smem:$0x3FBA]  }
0x3d: {  	_ =	shalt  }
0x3e: {  	_ =	shalt  }
0x3f: {  	_ =	shalt  }
0x40: {  	_ =	shalt  }
0x41: {  	_ =	shalt  }
0x42: {  	_ =	shalt  }
0x43: {  	_ =	shalt  }
0x44: {  	_ =	shalt  }
0x45: {  	_ =	shalt  }
0x46: {  	_ =	shalt  }
0x47: {  	_ =	shalt  }
0x48: {  	_ =	shalt  }
0x49: {  	_ =	shalt  }
0x4a: {  	_ =	shalt  }
0x4b: {  	_ =	shalt  }
0x4c: {  	_ =	shalt  }
0x4d: {  	_ =	shalt  }
0x4e: {  	_ =	shalt  }
0x4f: {  	_ =	shalt  }
0x50: {  	_ =	shalt  }
0x51: {  	_ =	shalt  }
0x52: {  	_ =	shalt  }
0x53: {  	_ =	shalt  }
0x54: {  	_ =	shalt  }
0x55: {  	_ =	shalt  }
0x56: {  	_ =	shalt  }
0x57: {  	_ =	shalt  }
0x58: {  	_ =	shalt  }
0x59: {  	_ =	shalt  }
0x5a: {  	_ =	shalt  }
0x5b: {  	_ =	shalt  }
0x5c: {  	_ =	shalt  }
0x5d: {  	_ =	shalt  }
0x5e: {  	_ =	shalt  }
0x5f: {  	_ =	shalt  }
0x60: {  	_ =	shalt  }
0x61: {  	_ =	shalt  }
0x62: {  	_ =	shalt  }
0x63: {  	_ =	shalt  }
0x64: {  	_ =	shalt  }
0x65: {  	_ =	shalt  }
0x66: {  	_ =	shalt  }
0x67: {  	_ =	shalt  }
0x68: {  	_ =	shalt  }
0x69: {  	_ =	shalt  }
0x6a: {  	_ =	shalt  }
0x6b: {  	_ =	shalt  }
0x6c: {  	_ =	shalt  }
0x6d: {  	_ =	shalt  }
0x6e: {  	_ =	shalt  }
0x6f: {  	_ =	shalt  }
0x70: {  	_ =	shalt  }
0x71: {  	_ =	shalt  }
0x72: {  	_ =	shalt  }
0x73: {  	_ =	shalt  }
0x74: {  	_ =	shalt  }
0x75: {  	_ =	shalt  }
0x76: {  	_ =	shalt  }
0x77: {  	_ =	shalt  }
0x78: {  	_ =	shalt  }
0x79: {  	_ =	shalt  }
0x7a: {  	_ =	shalt  }
0x7b: {  	_ =	shalt  }
0x7c: {  	_ =	shalt  }
0x7d: {  	_ =	shalt  }
0x7e: {  	_ =	shalt  }
0x7f: {  	_ =	shalt  }
0x80: {  	_ =	shalt  }
0x81: {  	_ =	shalt  }
0x82: {  	_ =	shalt  }
0x83: {  	_ =	shalt  }
0x84: {  	_ =	shalt  }
0x85: {  	_ =	shalt  }
0x86: {  	_ =	shalt  }
0x87: {  	_ =	shalt  }
.Lfunc_end0:
.L_simem_size_0:
called_computation_lowered:
.L_overlay_start_0:
0x88: {  	s2 =	sld [smem:$0x3FD9]  }
0x89: {  	s3 =	sld [smem:$0x3FFE];
	_ =	sdelay $0x1  }
0x8a: {  	s1 =	srdreg.scid  }
0x8b: {  	s0 =	sand.u32 $0x1, s1  }
0x8c: {  	s17 =	sshll.u32 s0, $0xA;
	s2 =	sadd.s32 s3, s2  }
0x8d: {  	s2 =	sadd.s32 s2, s17  }
0x8e: {  	[smem:$0x3FC6] =	sst s2  }
0x8f: {  	_ = 	snop  }
0x90: {  	s2 =	sld [smem:$0x3FC8]  }
0x91: {  	s18 =	sld [smem:$0x3FD0];
	(tm) =	ssettm $0x1  }
0x92: {  	s4 =	sld [smem:$0x3FFB];
	_ =	sdelay $0x3  }
0x93: {  	_ =	strace s4  }
0x94: {  	s4 =	sld [smem:$0x3FFC];
	_ =	sdelay $0x3  }
0x95: {  	_ =	strace s4  }
0x96: {  	s4 =	sld [smem:$0x3FFD];
	_ =	sdelay $0x3  }
0x97: {  	_ =	strace s4  }
0x98: {  	_ =	strace $0x8FFFFFFF  }
0x99: {  	s19 =	sld [smem:$0x3FDB];
	_ =	sdelay $0x1  }
0x9a: {  	s5 =	simm.s32 $_scs_section_size  }
0x9b: {  	s6 =	simm.s32 $_size__tile_overlayer_lowered;
	s7 =	simm.s32 $_tile_overlayer_lowered  }
0x9c: {  	s22 =	simm.s32 $0x1BFF;
	s21 =	sshll.u32 s7, $0x1;
	s4 =	sadd.s32 s5, s19  }
0x9d: {  	s8 =	simm.s32 $0x0;
	s20 =	sshll.u32 s6, $0x1;
	s6 =	sadd.s32 s21, s4  }
0x9e: {  	[timem:s8], [sflag:s22] =	dma.local [hbm:s6], s20  }
0x9f: {  	_ =	swait.ge [sflag:s22], s20  }
0xa0: {  	s5 =	ssub.s32 $0x0, s20;
	[sflag:s22] =	ssyncset.done $0x0  }
0xa1: {  	[sflag:s22] =	ssyncadd.s32 s5;
	_ =	sdelay $0x1  }
0xa2: {  	s23 =	simm.s32 $0x1B8B  }
0xa3: {  	_ =	swait.ge [sflag:s23], $0x1  }
0xa4: {  	[sflag:s23] =	ssyncset.done $0x0  }
0xa5: {  	s25 =	simm.s32 $0x1B8E;
	s24 =	sld [smem:$0x3FFE];
	[sflag:s23] =	ssyncadd.s32 $0xFFFFFFFF  }
0xa6: {  	s26 =	simm.s32 $execute0_lowered;
	[smem:$0x3FD2] =	sst s25  }
0xa7: {  	s6 =	sshll.u32 s26, $0x1;
	_ =	strace $0x80000046;
	[dreg:$0x1] =	wrdreg $0xFFFFFFFF  }
0xa8: {  	s28 =	simm.s32 $_size_execute0_lowered;
	s4 =	sadd.s32 s4, s6;
	[dreg:$0x0] =	wrdreg $0x0  }
0xa9: {  	s6 =	sshll.u32 s28, $0x1;
	[dreg:$0x2] =	wrdreg s4  }
0xaa: {  	[dreg:$0x3] =	wrdreg s6  }
0xab: {  	[dreg:$0x4] =	wrdreg $0xC0  }
0xac: {  	_ =	task [dreg:s8], $0x5FFFF  }
0xad: {  	[dreg:$0x1] =	wrdreg $0xFFFFFFFF  }
0xae: {  	[dreg:$0x0] =	wrdreg $0x60  }
0xaf: {  	[dreg:$0x2] =	wrdreg s2  }
0xb0: {  	[dreg:$0x3] =	wrdreg s24  }
0xb1: {  	[dreg:$0x4] =	wrdreg s18  }
0xb2: {  	[dreg:$0x5] =	wrdreg $0x9  }
0xb3: {  	_ =	task.clear_ibuf [dreg:s8], $0x6FFFF;
	_ =	strace $0x90000046  }
0xb4: {  	s29 =	simm.s32 $0x9;
	_ =	strace $0x80000048  }
0xb5: {  	_ =	swait.ge [sflag:s29], $0x1  }
0xb6: {  	[sflag:s29] =	ssyncadd.s32 $0xFFFFFFFF  }
0xb7: {  	_ =	strace $0x90000048  }
0xb8: {  	_ =	sfence  }
0xb9: {  	s30 =	sld [smem:$0x0];
	_ =	sdelay $0x2  }
0xba: {  	s31 =	sshll.u32 s1, $0xD;
	s1 =	sshrl.u32 s1, $0x2  }
0xbb: {  	s3 =	sand.u32 $0x4000, s31;
	s1 =	sadd.s32 s1, s30  }
0xbc: {  	s0 =	sor.u32 s3, s0;
	s1 =	sshll.u32 s1, $0x11  }
0xbd: {  	s0 =	sor.u32 s1, s0  }
0xbe: {  	s0 =	sadd.s32 $0x8F2B, s0  }
0xbf: {  	[sflag:s0] =	ssyncadd.remote.s32 $0x1  }
0xc0: {  	_ =	sfence.sel $0xFFFF  }
0xc1: {  	[dreg:$0x0] =	wrdreg $0xFFFFFFFF;
	(pc) =	sbr.abs _section_cstart, $3  }
0xc2: {  	[dreg:$0x1] =	wrdreg $0xFFFFFFFF  }
0xc3: {  	_ =	task.clear_ibuf [dreg:s8], $0x2FFFF;
	_ =	strace $0x9FFFFFFF  }
0xc4: {  	(tm) =	ssettm $0x7FFFFFFF  }
0xc5: {  	_ =	shalt  }
tec
execute0_lowered:
.L_overlay_start_1:
0x0: {  	(tag) =	ssettag $0x1  }
0x1: {  	v0 =	vimm.s32 $0x1380;
	vm14 =	vcmask $0x300;
	vm13 =	vcmask $0x704  }
0x2: {  	vm12 =	vcmask $0xB08;
	vm11 =	vcmask $0xF0C;
	vm10 =	vcmask $0x1310  }
0x3: {  	vm9 =	vcmask $0x1714;
	vm8 =	vcmask $0x1B18;
	vm7 =	vcmask $0x1F1C  }
0x4: {  	vm6 =	vcmask $0x2320;
	vm5 =	vcmask $0x2724;
	vm4 =	vcmask $0x2B28  }
0x5: {  	vm3 =	vcmask $0x2F2C;
	v1 =	vlaneseq.u32;
	vm2 =	vcmask $0x3330  }
0x6: {  	vm1 =	vcmask $0x3734;
	vm0 =	vcmask $0x3B38;
	v3 =	vimm.s32 $0x3380  }
0x7: {  	v4 =	vimm.s32 $0x5380;
	v5 =	vimm.s32 $0x7380;
	v0 =	vsel vm14, $0x0, v0  }
0x8: {  	v3 =	vsel vm14, $0x2000, v3;
	v4 =	vsel vm14, $0x4000, v4;
	v5 =	vsel vm14, $0x6000, v5  }
0x9: {  	v0 =	vsel vm13, $0x80, v0;
	v3 =	vsel vm13, $0x2080, v3;
	v4 =	vsel vm13, $0x4080, v4  }
0xa: {  	v5 =	vsel vm13, $0x6080, v5;
	v0 =	vsel vm12, $0x100, v0;
	v3 =	vsel vm12, $0x2100, v3  }
0xb: {  	s0 =	srdreg.scid;
	s3 =	rddreg [dreg:$0x1];
	v4 =	vsel vm12, $0x4100, v4;
	v5 =	vsel vm12, $0x6100, v5;
	v0 =	vsel vm11, $0x180, v0  }
0xc: {  	s1 =	stileid.u32;
	s5 =	rddreg [dreg:$0x2];
	s7 =	simm.s32 $0x0;
	v3 =	vsel vm11, $0x2180, v3;
	v4 =	vsel vm11, $0x4180, v4;
	v5 =	vsel vm11, $0x6180, v5  }
0xd: {  	s9 =	simm.s32 $0x400;
	s10 =	simm.s32 $0x1;
	s11 =	simm.s32 $0x7A1400;
	v0 =	vsel vm10, $0x200, v0;
	v3 =	vsel vm10, $0x2200, v3;
	v4 =	vsel vm10, $0x4200, v4  }
0xe: {  	s12 =	simm.s32 $0x10280;
	s13 =	simm.s32 $0x280;
	s15 =	simm.s32 $0x2280;
	v5 =	vsel vm10, $0x6200, v5;
	v0 =	vsel vm9, $0x280, v0;
	v3 =	vsel vm9, $0x2280, v3  }
0xf: {  	s17 =	simm.s32 $0x4280;
	s19 =	simm.s32 $0x6280;
	s21 =	simm.s32 $0x8280;
	v4 =	vsel vm9, $0x4280, v4;
	v5 =	vsel vm9, $0x6280, v5;
	v0 =	vsel vm8, $0x300, v0  }
0x10: {  	s23 =	simm.s32 $0xA280;
	s28 =	simm.s32 $0xE280;
	s29 =	simm.s32 $0xF280;
	v3 =	vsel vm8, $0x2300, v3;
	v4 =	vsel vm8, $0x4300, v4;
	v5 =	vsel vm8, $0x6300, v5  }
0x11: {  	s30 =	simm.s32 $0x2;
	s31 =	simm.s32 $0x12280;
	s8 =	simm.s32 $0x5;
	v0 =	vsel vm7, $0x380, v0;
	v3 =	vsel vm7, $0x2380, v3;
	v4 =	vsel vm7, $0x4380, v4  }
0x12: {  	s14 =	simm.s32 $0x7;
	s16 =	simm.s32 $0x8;
	s18 =	simm.s32 $0x9;
	v5 =	vsel vm7, $0x6380, v5;
	v0 =	vsel vm6, $0x1000, v0;
	v3 =	vsel vm6, $0x3000, v3  }
0x13: {  	s0 =	sand.u32 $0x1, s0;
	s2 =	sshll.u32 s1, $0x1;
	[smem:$0x7FF] =	sst s7;
	v4 =	vsel vm6, $0x5000, v4;
	v5 =	vsel vm6, $0x7000, v5;
	v0 =	vsel vm5, $0x1080, v0  }
0x14: {  	s1 =	rddreg [dreg:$0x0];
	s2 =	sor.u32 s0, s2;
	_ =	strace $0x80000047;
	v3 =	vsel vm5, $0x3080, v3;
	v4 =	vsel vm5, $0x5080, v4;
	v5 =	vsel vm5, $0x7080, v5  }
0x15: {  	s0 =	ssub.s32 $0x2, s0;
	s25 =	sadd.s32 $0xF4200, s1;
	s4 =	sshll.u32 s2, $0x9;
	v0 =	vsel vm4, $0x1100, v0;
	v3 =	vsel vm4, $0x3100, v3;
	v4 =	vsel vm4, $0x5100, v4  }
0x16: {  	s2 =	sshll.u32 s2, $0x7;
	s24 =	sshrl.u32 s0, $0x1;
	[dreg:$0x5] =	wrdreg s25;
	v5 =	vsel vm4, $0x7100, v5;
	v2 =	vsel vm3, $0x1180, v0;
	v0 =	vmul.u32 $0x80, v1  }
0x17: {  	s25 =	simm.s32 $0xC280;
	s6 =	sand.u32 $0x3000, s4;
	s2 =	sand.u32 $0x380, s2;
	v3 =	vsel vm3, $0x3180, v3;
	v4 =	vsel vm3, $0x5180, v4;
	v5 =	vsel vm3, $0x7180, v5  }
.Ltmp0:
0x18: {  	s26 =	sadd.s32 s5, s4;
	s2 =	sor.u32 s2, s6;
	v1 =	vsel vm2, $0x1200, v2;
	v3 =	vsel vm2, $0x3200, v3;
	v6 =	vsel vm2, $0x5200, v4;
	(pc) =	sbr.rel .LBB2_1-.Ltmp0, $4  }
0x19: {  	s0 =	ssub.s32 s0, s24;
	[dreg:$0x6] =	wrdreg s26;
	s2 =	sshrl.u32 s2, $0x3;
	v5 =	vsel vm2, $0x7200, v5;
	v1 =	vsel vm1, $0x1280, v1;
	v2 =	vor.u32 $0x800, v0  }
0x1a: {  	s0 =	smax.u32 s0, $0x1;
	s26 =	simm.s32 $0x0;
	s2 =	sadd.s32 s2, s3;
	v3 =	vsel vm1, $0x3280, v3;
	v4 =	vor.u32 $0x1000, v0;
	v6 =	vsel vm1, $0x5280, v6  }
0x1b: {  	[dreg:$0x7] =	wrdreg s0;
	s0 =	simm.s32 $0x4;
	s2 =	sadd.s32 $0x400, s2;
	v7 =	vsel vm1, $0x7280, v5;
	v1 =	vsel vm0, $0x1300, v1;
	v3 =	vsel vm0, $0x3300, v3  }
0x1c: {  	s3 =	simm.s32 $0x6;
	[dreg:$0x4] =	wrdreg s2;
	s2 =	simm.s32 $0x3;
	v5 =	vsel vm0, $0x5300, v6;
	v6 =	vor.u32 $0x1800, v0;
	v7 =	vsel vm0, $0x7300, v7  }
.LBB2_4:
0x1d: {  	s4 =	rddreg [dreg:$0x6]  }
0x1e: {  	s5 =	simm.s32 $0x1000;
	s6 =	simm.s32 $0x20000;
	s22 =	simm.s32 $0xA  }
0x1f: {  	[hbm4b:s4+s5] =	stream.strided.scatter [tilespmem:s31], [sflag:$0xA], $0x8000, s6, s5, $0x38;
	[tilespmem:$0x1A280] =	vst v63  }
0x20: {  	_ =	swait.ge [sflag:s22], $0x8000  }
0x21: {  	s26 =	sadd.s32 $0x1, s26;
	s24 =	rddreg [dreg:$0x7]  }
0x22: {  	p0 =	sne.s32 s26, s24  }
.Ltmp1:
0x23: {  	_ = 	snop;
	(pc) =	sbr.rel @!p0 .LBB2_5-.Ltmp1, $3  }
0x24: {  	_ =	sdelay $0x1  }
0x25: {  	[sflag:s22] =	ssyncset.done $0x0  }
0x26: {  	[sflag:s22] =	ssyncadd.s32 $0xFFFF8000  }
.LBB2_1:
0x27: {  	s4 =	simm.s32 $0x0;
	s5 =	rddreg [dreg:$0x4];
	s6 =	simm.s32 $0x80  }
0x28: {  	[tilespmem:s4], [sflag:$0x1] =	stream.strided.gather [hbm4b:s5+s6], $0x200, s9, s6, $0x38;
	[tilespmem:$0x1A280] =	vst v63  }
0x29: {  	_ =	swait.ge [sflag:s10], $0x200  }
0x2a: {  	[sflag:s10] =	ssyncset.done $0x0  }
0x2b: {  	s6 =	rddreg [dreg:$0x5];
	[sflag:s10] =	ssyncadd.s32 $0xFFFFFE00  }
0x2c: {  	[tilespmem:s12], [sflag:$0x1] =	stream.strided.gather [hbm4b:s6+s9], $0x2000, s11, s9, $0x38;
	[tilespmem:$0x1A280] =	vst v63  }
0x2d: {  	_ =	swait.ge [sflag:s10], $0x2000  }
0x2e: {  	[sflag:s10] =	ssyncset.done $0x0  }
0x2f: {  	[sflag:s10] =	ssyncadd.s32 $0xFFFFE000  }
0x30: {  	v8 =	vld [tilespmem:$0x0];
	_ =	sdelay $0x4  }
0x31: {  	(v2sf) =	vpush v8, $0x0;
	_ =	sdelay $0xe  }
0x32: {  	s7 =	spop (v2sf)  }
0x33: {  	s20 =	sand.u32 $0x7F, s7  }
0x34: {  	s22 =	sshra.s32 s7, $0x1F;
	p1 =	slt.s32 s7, $0x1;
	p0 =	sne.s32 s20, $0x0  }
0x35: {  	s5 =	sshrl.u32 s22, $0x19;
	p0 =	por !p1, !p0  }
0x36: {  	s4 =	sadd.s32 s5, s7;
	s5 =	simm.s32 $0x1;
	p0 =	por !p0, !p0  }
0x37: {  	s4 =	sshra.s32 s4, $0x7;
	s5 =	simm.s32 @!p0 $0x0  }
0x38: {  	s4 =	ssub.s32 s4, s5  }
0x39: {  	p0 =	slt.s32 s4, $0x1E83  }
0x3a: {  	s4 =	simm.s32 @!p0 $0x1E83  }
0x3b: {  	s4 =	sshll.u32 s4, $0xA  }
0x3c: {  	s24 =	sshrl.u32 s4, $0x3;
	s4 =	sadd.s32 $0x1E85000, s4  }
0x3d: {  	s5 =	sadd.s32 s1, s24;
	s4 =	sshrl.u32 s4, $0x3  }
0x3e: {  	[tilespmem:s13], [sflag:$0x2] =	stream.strided.gather [hbm4b:s5+s9], $0x1000, s11, s9, $0x38;
	[tilespmem:$0x1A280] =	vst v63  }
0x3f: {  	s6 =	simm.s32 $0x1280;
	s4 =	sadd.s32 s1, s4  }
0x40: {  	[tilespmem:s6], [sflag:$0x2] =	stream.strided.gather [hbm4b:s4+s9], $0x1000, s11, s9, $0x38;
	[tilespmem:$0x1A280] =	vst v63  }
0x41: {  	v8 =	vld [tilespmem:$0x1];
	_ =	sdelay $0x4  }
0x42: {  	(v2sf) =	vpush v8, $0x0;
	_ =	sdelay $0xe  }
0x43: {  	s7 =	spop (v2sf)  }
0x44: {  	s20 =	sand.u32 $0x7F, s7  }
0x45: {  	s22 =	sshra.s32 s7, $0x1F;
	p6 =	slt.s32 s7, $0x1;
	p5 =	sne.s32 s20, $0x0  }
0x46: {  	s5 =	sshrl.u32 s22, $0x19;
	p0 =	por !p6, !p5  }
0x47: {  	s4 =	sadd.s32 s5, s7;
	s5 =	simm.s32 $0x1;
	p0 =	por !p0, !p0  }
0x48: {  	s4 =	sshra.s32 s4, $0x7;
	s5 =	simm.s32 @!p0 $0x0  }
0x49: {  	s4 =	ssub.s32 s4, s5  }
0x4a: {  	p0 =	slt.s32 s4, $0x1E83  }
0x4b: {  	s4 =	simm.s32 @!p0 $0x1E83  }
0x4c: {  	s4 =	sshll.u32 s4, $0xA  }
0x4d: {  	s24 =	sshrl.u32 s4, $0x3;
	s4 =	sadd.s32 $0x1E85000, s4  }
0x4e: {  	s5 =	sadd.s32 s1, s24;
	s4 =	sshrl.u32 s4, $0x3  }
0x4f: {  	[tilespmem:s15], [sflag:$0x3] =	stream.strided.gather [hbm4b:s5+s9], $0x1000, s11, s9, $0x38;
	[tilespmem:$0x1A280] =	vst v63  }
0x50: {  	s6 =	simm.s32 $0x3280;
	s4 =	sadd.s32 s1, s4  }
0x51: {  	[tilespmem:s6], [sflag:$0x3] =	stream.strided.gather [hbm4b:s4+s9], $0x1000, s11, s9, $0x38;
	[tilespmem:$0x1A280] =	vst v63  }
0x52: {  	v8 =	vld [tilespmem:$0x2];
	_ =	sdelay $0x4  }
0x53: {  	(v2sf) =	vpush v8, $0x0;
	_ =	sdelay $0xe  }
0x54: {  	s7 =	spop (v2sf)  }
0x55: {  	s20 =	sand.u32 $0x7F, s7  }
0x56: {  	s22 =	sshra.s32 s7, $0x1F;
	p2 =	slt.s32 s7, $0x1;
	p1 =	sne.s32 s20, $0x0  }
0x57: {  	s5 =	sshrl.u32 s22, $0x19;
	p0 =	por !p2, !p1  }
0x58: {  	s4 =	sadd.s32 s5, s7;
	s5 =	simm.s32 $0x1;
	p0 =	por !p0, !p0  }
0x59: {  	s4 =	sshra.s32 s4, $0x7;
	s5 =	simm.s32 @!p0 $0x0  }
0x5a: {  	s4 =	ssub.s32 s4, s5  }
0x5b: {  	p0 =	slt.s32 s4, $0x1E83  }
0x5c: {  	s4 =	simm.s32 @!p0 $0x1E83  }
0x5d: {  	s4 =	sshll.u32 s4, $0xA  }
0x5e: {  	s24 =	sshrl.u32 s4, $0x3;
	s4 =	sadd.s32 $0x1E85000, s4  }
0x5f: {  	s5 =	sadd.s32 s1, s24;
	s4 =	sshrl.u32 s4, $0x3  }
0x60: {  	[tilespmem:s17], [sflag:$0x4] =	stream.strided.gather [hbm4b:s5+s9], $0x1000, s11, s9, $0x38;
	[tilespmem:$0x1A280] =	vst v63  }
0x61: {  	s6 =	simm.s32 $0x5280;
	s4 =	sadd.s32 s1, s4  }
0x62: {  	[tilespmem:s6], [sflag:$0x4] =	stream.strided.gather [hbm4b:s4+s9], $0x1000, s11, s9, $0x38;
	[tilespmem:$0x1A280] =	vst v63  }
0x63: {  	v8 =	vld [tilespmem:$0x3];
	_ =	sdelay $0x4  }
0x64: {  	(v2sf) =	vpush v8, $0x0;
	_ =	sdelay $0xe  }
0x65: {  	s7 =	spop (v2sf)  }
0x66: {  	s20 =	sand.u32 $0x7F, s7  }
0x67: {  	s22 =	sshra.s32 s7, $0x1F;
	p4 =	slt.s32 s7, $0x1;
	p3 =	sne.s32 s20, $0x0  }
0x68: {  	s5 =	sshrl.u32 s22, $0x19;
	p0 =	por !p4, !p3  }
0x69: {  	s4 =	sadd.s32 s5, s7;
	s5 =	simm.s32 $0x1;
	p0 =	por !p0, !p0  }
0x6a: {  	s4 =	sshra.s32 s4, $0x7;
	s5 =	simm.s32 @!p0 $0x0  }
0x6b: {  	s4 =	ssub.s32 s4, s5  }
0x6c: {  	p0 =	slt.s32 s4, $0x1E83  }
0x6d: {  	s4 =	simm.s32 @!p0 $0x1E83  }
0x6e: {  	s4 =	sshll.u32 s4, $0xA  }
0x6f: {  	s24 =	sshrl.u32 s4, $0x3;
	s4 =	sadd.s32 $0x1E85000, s4  }
0x70: {  	s5 =	sadd.s32 s1, s24;
	s4 =	sshrl.u32 s4, $0x3  }
0x71: {  	[tilespmem:s19], [sflag:$0x5] =	stream.strided.gather [hbm4b:s5+s9], $0x1000, s11, s9, $0x38;
	[tilespmem:$0x1A280] =	vst v63  }
0x72: {  	s6 =	simm.s32 $0x7280;
	s4 =	sadd.s32 s1, s4  }
0x73: {  	[tilespmem:s6], [sflag:$0x5] =	stream.strided.gather [hbm4b:s4+s9], $0x1000, s11, s9, $0x38;
	[tilespmem:$0x1A280] =	vst v63  }
0x74: {  	v8 =	vld [tilespmem:$0x4];
	_ =	sdelay $0x4  }
0x75: {  	(v2sf) =	vpush v8, $0x0;
	_ =	sdelay $0xe  }
0x76: {  	s7 =	spop (v2sf)  }
0x77: {  	s20 =	sand.u32 $0x7F, s7  }
0x78: {  	s22 =	sshra.s32 s7, $0x1F;
	p6 =	slt.s32 s7, $0x1;
	p5 =	sne.s32 s20, $0x0  }
0x79: {  	s5 =	sshrl.u32 s22, $0x19;
	p0 =	por !p6, !p5  }
0x7a: {  	s4 =	sadd.s32 s5, s7;
	s5 =	simm.s32 $0x1;
	p0 =	por !p0, !p0  }
0x7b: {  	s4 =	sshra.s32 s4, $0x7;
	s5 =	simm.s32 @!p0 $0x0  }
0x7c: {  	s4 =	ssub.s32 s4, s5  }
0x7d: {  	p0 =	slt.s32 s4, $0x1E83  }
0x7e: {  	s4 =	simm.s32 @!p0 $0x1E83  }
0x7f: {  	s4 =	sshll.u32 s4, $0xA  }
0x80: {  	s24 =	sshrl.u32 s4, $0x3;
	s4 =	sadd.s32 $0x1E85000, s4  }
0x81: {  	s5 =	sadd.s32 s1, s24;
	s4 =	sshrl.u32 s4, $0x3  }
0x82: {  	[tilespmem:s21], [sflag:$0x6] =	stream.strided.gather [hbm4b:s5+s9], $0x1000, s11, s9, $0x38;
	[tilespmem:$0x1A280] =	vst v63  }
0x83: {  	s6 =	simm.s32 $0x9280;
	s4 =	sadd.s32 s1, s4  }
0x84: {  	[tilespmem:s6], [sflag:$0x6] =	stream.strided.gather [hbm4b:s4+s9], $0x1000, s11, s9, $0x38;
	[tilespmem:$0x1A280] =	vst v63  }
0x85: {  	v8 =	vld [tilespmem:$0x5];
	_ =	sdelay $0x4  }
0x86: {  	(v2sf) =	vpush v8, $0x0;
	_ =	sdelay $0xe  }
0x87: {  	s7 =	spop (v2sf)  }
0x88: {  	s20 =	sand.u32 $0x7F, s7  }
0x89: {  	s22 =	sshra.s32 s7, $0x1F;
	p2 =	slt.s32 s7, $0x1;
	p1 =	sne.s32 s20, $0x0  }
0x8a: {  	s5 =	sshrl.u32 s22, $0x19;
	p0 =	por !p2, !p1  }
0x8b: {  	s4 =	sadd.s32 s5, s7;
	s5 =	simm.s32 $0x1;
	p0 =	por !p0, !p0  }
0x8c: {  	s4 =	sshra.s32 s4, $0x7;
	s5 =	simm.s32 @!p0 $0x0  }
0x8d: {  	s4 =	ssub.s32 s4, s5  }
0x8e: {  	p0 =	slt.s32 s4, $0x1E83  }
0x8f: {  	s4 =	simm.s32 @!p0 $0x1E83  }
0x90: {  	s4 =	sshll.u32 s4, $0xA  }
0x91: {  	s24 =	sshrl.u32 s4, $0x3;
	s4 =	sadd.s32 $0x1E85000, s4  }
0x92: {  	s5 =	sadd.s32 s1, s24;
	s4 =	sshrl.u32 s4, $0x3  }
0x93: {  	[tilespmem:s23], [sflag:$0x7] =	stream.strided.gather [hbm4b:s5+s9], $0x1000, s11, s9, $0x38;
	[tilespmem:$0x1A280] =	vst v63  }
0x94: {  	s6 =	simm.s32 $0xB280;
	s4 =	sadd.s32 s1, s4  }
0x95: {  	[tilespmem:s6], [sflag:$0x7] =	stream.strided.gather [hbm4b:s4+s9], $0x1000, s11, s9, $0x38;
	[tilespmem:$0x1A280] =	vst v63  }
0x96: {  	v8 =	vld [tilespmem:$0x6];
	_ =	sdelay $0x4  }
0x97: {  	(v2sf) =	vpush v8, $0x0;
	_ =	sdelay $0xe  }
0x98: {  	s7 =	spop (v2sf)  }
0x99: {  	s20 =	sand.u32 $0x7F, s7  }
0x9a: {  	s22 =	sshra.s32 s7, $0x1F;
	p4 =	slt.s32 s7, $0x1;
	p3 =	sne.s32 s20, $0x0  }
0x9b: {  	s5 =	sshrl.u32 s22, $0x19;
	p0 =	por !p4, !p3  }
0x9c: {  	s4 =	sadd.s32 s5, s7;
	s5 =	simm.s32 $0x1;
	p0 =	por !p0, !p0  }
0x9d: {  	s4 =	sshra.s32 s4, $0x7;
	s5 =	simm.s32 @!p0 $0x0  }
0x9e: {  	s4 =	ssub.s32 s4, s5  }
0x9f: {  	p0 =	slt.s32 s4, $0x1E83  }
0xa0: {  	s4 =	simm.s32 @!p0 $0x1E83  }
0xa1: {  	s4 =	sshll.u32 s4, $0xA  }
0xa2: {  	s24 =	sshrl.u32 s4, $0x3;
	s4 =	sadd.s32 $0x1E85000, s4  }
0xa3: {  	s5 =	sadd.s32 s1, s24;
	s4 =	sshrl.u32 s4, $0x3  }
0xa4: {  	[tilespmem:s25], [sflag:$0x8] =	stream.strided.gather [hbm4b:s5+s9], $0x1000, s11, s9, $0x38;
	[tilespmem:$0x1A280] =	vst v63  }
0xa5: {  	s6 =	simm.s32 $0xD280;
	s4 =	sadd.s32 s1, s4  }
0xa6: {  	[tilespmem:s6], [sflag:$0x8] =	stream.strided.gather [hbm4b:s4+s9], $0x1000, s11, s9, $0x38;
	[tilespmem:$0x1A280] =	vst v63  }
0xa7: {  	v8 =	vld [tilespmem:$0x7];
	_ =	sdelay $0x4  }
0xa8: {  	(v2sf) =	vpush v8, $0x0;
	_ =	sdelay $0xe  }
0xa9: {  	s7 =	spop (v2sf)  }
0xaa: {  	s20 =	sand.u32 $0x7F, s7  }
0xab: {  	s22 =	sshra.s32 s7, $0x1F;
	p6 =	slt.s32 s7, $0x1;
	p5 =	sne.s32 s20, $0x0  }
0xac: {  	s5 =	sshrl.u32 s22, $0x19;
	p0 =	por !p6, !p5  }
0xad: {  	s4 =	sadd.s32 s5, s7;
	s5 =	simm.s32 $0x1;
	p0 =	por !p0, !p0  }
0xae: {  	s4 =	sshra.s32 s4, $0x7;
	s5 =	simm.s32 @!p0 $0x0  }
0xaf: {  	s4 =	ssub.s32 s4, s5  }
0xb0: {  	p0 =	slt.s32 s4, $0x1E83  }
0xb1: {  	s4 =	simm.s32 @!p0 $0x1E83  }
0xb2: {  	s4 =	sshll.u32 s4, $0xA  }
0xb3: {  	s24 =	sshrl.u32 s4, $0x3;
	s4 =	sadd.s32 $0x1E85000, s4  }
0xb4: {  	s5 =	sadd.s32 s1, s24;
	s4 =	sshrl.u32 s4, $0x3  }
0xb5: {  	[tilespmem:s28], [sflag:$0x9] =	stream.strided.gather [hbm4b:s5+s9], $0x1000, s11, s9, $0x38;
	[tilespmem:$0x1A280] =	vst v63  }
0xb6: {  	s20 =	simm.s32 $0x8;
	s22 =	simm.s32 $0x7;
	s4 =	sadd.s32 s1, s4  }
0xb7: {  	[tilespmem:s29], [sflag:$0x9] =	stream.strided.gather [hbm4b:s4+s9], $0x1000, s11, s9, $0x38;
	[tilespmem:$0x1A280] =	vst v63  }
.LBB2_2:
0xb8: {  	_ =	swait.ge [sflag:s30], $0x2000  }
0xb9: {  	[sflag:s30] =	ssyncset.done $0x0  }
0xba: {  	[sflag:s30] =	ssyncadd.s32 $0xFFFFE000  }
0xbb: {  	v8 =	vld.msk [tilespmem:s20+$0xFFFFFFF8 ss:$0x0], $0xffff;
	_ =	sdelay $0x4  }
0xbc: {  	v9 =	vshra.s32 v8, $0x1F  }
0xbd: {  	v9 =	vshrl.u32 v9, $0x19  }
0xbe: {  	v10 =	vadd.s32 $0xFFF0BE00, v8;
	v9 =	vadd.s32 v9, v8  }
0xbf: {  	vm0 =	vgt.s32 v10, $0x0;
	v9 =	vshrl.u32 v9, $0x7  }
0xc0: {  	v10 =	vnsel vm0, $0x0, v10;
	v9 =	vshll.u32 v9, $0x7  }
0xc1: {  	v12 =	vadd.s32 v0, v10;
	v9 =	vsub.s32 v8, v9  }
0xc2: {  	v11 =	vadd.s32 v0, v9  }
0xc3: {  	s4 =	sadd.s32 $0xFFFFFFF9, s22  }
0xc4: {  	v13 =	vmov s4  }
0xc5: {  	v14 =	vshll.u32 v13, $0x3  }
0xc6: {  	v13 =	vand.u32 $0x78, v13;
	v14 =	vand.u32 $0xC00, v14;
	v12 =	vld.idx.msk [tilespmem:v12+s12+$0x0], $0xffff  }
0xc7: {  	v13 =	vor.u32 v13, v14;
	v11 =	vld.idx.msk [tilespmem:v11+s13+$0x0], $0xffff  }
0xc8: {  	v14 =	vor.u32 v1, v13  }
0xc9: {  	v15 =	vadd.s32 v2, v9  }
0xca: {  	v16 =	vadd.s32 v2, v10  }
0xcb: {  	vm13 =	vgt.s32 v8, $0xF41FF  }
0xcc: {  	v8 =	vsel vm13, v12, v11  }
0xcd: {  	[tilespmem:v14+s31+$0x0] =	vst.idx.msk $0xffff, v8  }
0xce: {  	v8 =	vld.idx.msk [tilespmem:v15+s13+$0x0], $0xffff  }
0xcf: {  	v42 =	vld.idx.msk [tilespmem:v16+s12+$0x0], $0xffff  }
0xd0: {  	v43 =	vor.u32 v3, v13  }
0xd1: {  	v44 =	vadd.s32 v4, v9  }
0xd2: {  	v45 =	vadd.s32 v4, v10;
	_ =	sdelay $0x1  }
0xd3: {  	v8 =	vsel vm13, v42, v8  }
0xd4: {  	[tilespmem:v43+s31+$0x0] =	vst.idx.msk $0xffff, v8  }
0xd5: {  	v8 =	vld.idx.msk [tilespmem:v44+s13+$0x0], $0xffff  }
0xd6: {  	v46 =	vld.idx.msk [tilespmem:v45+s12+$0x0], $0xffff  }
0xd7: {  	v47 =	vor.u32 v5, v13  }
0xd8: {  	v9 =	vadd.s32 v6, v9  }
0xd9: {  	v10 =	vadd.s32 v6, v10;
	_ =	sdelay $0x1  }
0xda: {  	v8 =	vsel vm13, v46, v8  }
0xdb: {  	[tilespmem:v47+s31+$0x0] =	vst.idx.msk $0xffff, v8  }
0xdc: {  	v8 =	vld.idx.msk [tilespmem:v9+s13+$0x0], $0xffff  }
0xdd: {  	v48 =	vld.idx.msk [tilespmem:v10+s12+$0x0], $0xffff  }
0xde: {  	v49 =	vor.u32 v7, v13;
	_ =	sdelay $0x3  }
0xdf: {  	v8 =	vsel vm13, v48, v8  }
0xe0: {  	p0 =	seq.s32 s22, $0x1FF;
	[tilespmem:v49+s31+$0x0] =	vst.idx.msk $0xffff, v8  }
0xe1: {  	v8 =	vld @!p0 [tilespmem:s20+$0x0];
	_ =	sdelay $0x4  }
0xe2: {  	(v2sf) =	vpush @!p0 v8, $0x0;
	_ =	sdelay $0xe  }
0xe3: {  	s4 =	spop @!p0 (v2sf)  }
0xe4: {  	s5 =	sand.u32 @!p0 $0x7F, s4  }
0xe5: {  	p1 =	slt.s32 @!p0 s4, $0x1;
	p2 =	sne.s32 @!p0 s5, $0x0  }
0xe6: {  	s5 =	sshra.s32 @!p0 s4, $0x1F;
	p1 =	por @!p0 !p1, !p2  }
0xe7: {  	s5 =	sshrl.u32 @!p0 s5, $0x19;
	p1 =	por @!p0 !p1, !p1  }
0xe8: {  	s4 =	sadd.s32 @!p0 s5, s4;
	s5 =	simm.s32 @!p0 $0x1;
	p1 =	por !p1, p0  }
0xe9: {  	s4 =	sshra.s32 @!p0 s4, $0x7;
	s5 =	simm.s32 @p1 $0x0  }
0xea: {  	s4 =	ssub.s32 @!p0 s4, s5  }
0xeb: {  	p1 =	slt.s32 @!p0 s4, $0x1E83  }
0xec: {  	p1 =	por !p1, p0  }
0xed: {  	s4 =	simm.s32 @p1 $0x1E83  }
0xee: {  	s24 =	simm.s32 @!p0 $0x280;
	s6 =	sshll.u32 @!p0 s4, $0xA  }
0xef: {  	s5 =	simm.s32 @!p0 $0x7A1400;
	s4 =	sshrl.u32 @!p0 s6, $0x3;
	s6 =	sadd.s32 @!p0 $0x1E85000, s6  }
0xf0: {  	s7 =	sadd.s32 @!p0 s1, s4;
	s4 =	simm.s32 @!p0 $0x400;
	s6 =	sshrl.u32 @!p0 s6, $0x3  }
0xf1: {  	[tilespmem:s24], [sflag:$0x2] =	stream.strided.gather @!p0 [hbm4b:s7+s4], $0x1000, s5, s4, $0x38;
	[tilespmem:$0x1A280] =	vst v63  }
0xf2: {  	s6 =	sadd.s32 @!p0 s1, s6;
	s7 =	simm.s32 @!p0 $0x1280  }
0xf3: {  	[tilespmem:s7], [sflag:$0x2] =	stream.strided.gather @!p0 [hbm4b:s6+s4], $0x1000, s5, s4, $0x38;
	[tilespmem:$0x1A280] =	vst v63  }
0xf4: {  	_ =	swait.ge [sflag:s2], $0x2000  }
0xf5: {  	[sflag:s2] =	ssyncset.done $0x0  }
0xf6: {  	[sflag:s2] =	ssyncadd.s32 $0xFFFFE000  }
0xf7: {  	v8 =	vld.msk [tilespmem:s20+$0xFFFFFFF9 ss:$0x0], $0xffff;
	_ =	sdelay $0x4  }
0xf8: {  	v50 =	vshra.s32 v8, $0x1F  }
0xf9: {  	v9 =	vshrl.u32 v50, $0x19  }
0xfa: {  	v51 =	vadd.s32 $0xFFF0BE00, v8;
	v9 =	vadd.s32 v9, v8  }
0xfb: {  	vm14 =	vgt.s32 v51, $0x0;
	v9 =	vshrl.u32 v9, $0x7  }
0xfc: {  	v10 =	vnsel vm14, $0x0, v51;
	v9 =	vshll.u32 v9, $0x7  }
0xfd: {  	v53 =	vadd.s32 v0, v10;
	v9 =	vsub.s32 v8, v9  }
0xfe: {  	v52 =	vadd.s32 v0, v9  }
0xff: {  	s7 =	sadd.s32 $0xFFFFFFFA, s22  }
0x100: {  	v54 =	vmov s7  }
0x101: {  	v55 =	vshll.u32 v54, $0x3  }
0x102: {  	v13 =	vand.u32 $0x79, v54;
	v14 =	vand.u32 $0xC00, v55;
	v12 =	vld.idx.msk [tilespmem:v53+s12+$0x0], $0xffff  }
0x103: {  	v13 =	vor.u32 v13, v14;
	v11 =	vld.idx.msk [tilespmem:v52+s15+$0x0], $0xffff  }
0x104: {  	v14 =	vor.u32 v1, v13  }
0x105: {  	v56 =	vadd.s32 v2, v9  }
0x106: {  	v57 =	vadd.s32 v2, v10  }
0x107: {  	vm15 =	vgt.s32 v8, $0xF41FF  }
0x108: {  	v8 =	vsel vm15, v12, v11  }
0x109: {  	[tilespmem:v14+s31+$0x0] =	vst.idx.msk $0xffff, v8  }
0x10a: {  	v8 =	vld.idx.msk [tilespmem:v56+s15+$0x0], $0xffff  }
0x10b: {  	v58 =	vld.idx.msk [tilespmem:v57+s12+$0x0], $0xffff  }
0x10c: {  	v59 =	vor.u32 v3, v13  }
0x10d: {  	v60 =	vadd.s32 v4, v9  }
0x10e: {  	v61 =	vadd.s32 v4, v10;
	_ =	sdelay $0x1  }
0x10f: {  	v8 =	vsel vm15, v58, v8  }
0x110: {  	[tilespmem:v59+s31+$0x0] =	vst.idx.msk $0xffff, v8  }
0x111: {  	v8 =	vld.idx.msk [tilespmem:v60+s15+$0x0], $0xffff  }
0x112: {  	v62 =	vld.idx.msk [tilespmem:v61+s12+$0x0], $0xffff  }
0x113: {  	v63 =	vor.u32 v5, v13  }
0x114: {  	v9 =	vadd.s32 v6, v9  }
0x115: {  	v10 =	vadd.s32 v6, v10;
	_ =	sdelay $0x1  }
0x116: {  	v8 =	vsel vm15, v62, v8  }
0x117: {  	[tilespmem:v63+s31+$0x0] =	vst.idx.msk $0xffff, v8  }
0x118: {  	v8 =	vld.idx.msk [tilespmem:v9+s15+$0x0], $0xffff  }
0x119: {  	v16 =	vld.idx.msk [tilespmem:v10+s12+$0x0], $0xffff  }
0x11a: {  	v17 =	vor.u32 v7, v13;
	_ =	sdelay $0x3  }
0x11b: {  	v8 =	vsel vm15, v16, v8  }
0x11c: {  	[tilespmem:v17+s31+$0x0] =	vst.idx.msk $0xffff, v8  }
0x11d: {  	v8 =	vld @!p0 [tilespmem:s20+$0x1];
	_ =	sdelay $0x4  }
0x11e: {  	(v2sf) =	vpush @!p0 v8, $0x0;
	_ =	sdelay $0xe  }
0x11f: {  	s6 =	spop @!p0 (v2sf)  }
0x120: {  	s7 =	sand.u32 @!p0 $0x7F, s6  }
0x121: {  	p1 =	slt.s32 @!p0 s6, $0x1;
	p2 =	sne.s32 @!p0 s7, $0x0  }
0x122: {  	s7 =	sshra.s32 @!p0 s6, $0x1F;
	p1 =	por @!p0 !p1, !p2  }
0x123: {  	s7 =	sshrl.u32 @!p0 s7, $0x19;
	p1 =	por @!p0 !p1, !p1  }
0x124: {  	s6 =	sadd.s32 @!p0 s7, s6;
	s7 =	simm.s32 @!p0 $0x1;
	p1 =	por !p1, p0  }
0x125: {  	s6 =	sshra.s32 @!p0 s6, $0x7;
	s7 =	simm.s32 @p1 $0x0  }
0x126: {  	s6 =	ssub.s32 @!p0 s6, s7  }
0x127: {  	p1 =	slt.s32 @!p0 s6, $0x1E83  }
0x128: {  	p1 =	por !p1, p0  }
0x129: {  	s6 =	simm.s32 @p1 $0x1E83  }
0x12a: {  	s6 =	sshll.u32 @!p0 s6, $0xA  }
0x12b: {  	s7 =	sshrl.u32 @!p0 s6, $0x3;
	s6 =	sadd.s32 @!p0 $0x1E85000, s6  }
0x12c: {  	s24 =	simm.s32 @!p0 $0x2280;
	s7 =	sadd.s32 @!p0 s1, s7;
	s6 =	sshrl.u32 @!p0 s6, $0x3  }
0x12d: {  	[tilespmem:s24], [sflag:$0x3] =	stream.strided.gather @!p0 [hbm4b:s7+s4], $0x1000, s5, s4, $0x38;
	[tilespmem:$0x1A280] =	vst v63  }
0x12e: {  	s6 =	sadd.s32 @!p0 s1, s6;
	s7 =	simm.s32 @!p0 $0x3280  }
0x12f: {  	[tilespmem:s7], [sflag:$0x3] =	stream.strided.gather @!p0 [hbm4b:s6+s4], $0x1000, s5, s4, $0x38;
	[tilespmem:$0x1A280] =	vst v63  }
0x130: {  	_ =	swait.ge [sflag:s0], $0x2000  }
0x131: {  	[sflag:s0] =	ssyncset.done $0x0  }
0x132: {  	[sflag:s0] =	ssyncadd.s32 $0xFFFFE000  }
0x133: {  	v8 =	vld.msk [tilespmem:s20+$0xFFFFFFFA ss:$0x0], $0xffff;
	_ =	sdelay $0x4  }
0x134: {  	v18 =	vshra.s32 v8, $0x1F  }
0x135: {  	v9 =	vshrl.u32 v18, $0x19  }
0x136: {  	v19 =	vadd.s32 $0xFFF0BE00, v8;
	v9 =	vadd.s32 v9, v8  }
0x137: {  	vm4 =	vgt.s32 v19, $0x0;
	v9 =	vshrl.u32 v9, $0x7  }
0x138: {  	v10 =	vnsel vm4, $0x0, v19;
	v9 =	vshll.u32 v9, $0x7  }
0x139: {  	v21 =	vadd.s32 v0, v10;
	v9 =	vsub.s32 v8, v9  }
0x13a: {  	v20 =	vadd.s32 v0, v9  }
0x13b: {  	s24 =	sadd.s32 $0xFFFFFFFB, s22  }
0x13c: {  	v22 =	vmov s24  }
0x13d: {  	v23 =	vshll.u32 v22, $0x3  }
0x13e: {  	v13 =	vand.u32 $0x7A, v22;
	v14 =	vand.u32 $0xC00, v23;
	v12 =	vld.idx.msk [tilespmem:v21+s12+$0x0], $0xffff  }
0x13f: {  	v13 =	vor.u32 v13, v14;
	v11 =	vld.idx.msk [tilespmem:v20+s17+$0x0], $0xffff  }
0x140: {  	v14 =	vor.u32 v1, v13  }
0x141: {  	v24 =	vadd.s32 v2, v9  }
0x142: {  	v25 =	vadd.s32 v2, v10  }
0x143: {  	vm5 =	vgt.s32 v8, $0xF41FF  }
0x144: {  	v8 =	vsel vm5, v12, v11  }
0x145: {  	[tilespmem:v14+s31+$0x0] =	vst.idx.msk $0xffff, v8  }
0x146: {  	v8 =	vld.idx.msk [tilespmem:v24+s17+$0x0], $0xffff  }
0x147: {  	v26 =	vld.idx.msk [tilespmem:v25+s12+$0x0], $0xffff  }
0x148: {  	v27 =	vor.u32 v3, v13  }
0x149: {  	v28 =	vadd.s32 v4, v9  }
0x14a: {  	v29 =	vadd.s32 v4, v10;
	_ =	sdelay $0x1  }
0x14b: {  	v8 =	vsel vm5, v26, v8  }
0x14c: {  	[tilespmem:v27+s31+$0x0] =	vst.idx.msk $0xffff, v8  }
0x14d: {  	v8 =	vld.idx.msk [tilespmem:v28+s17+$0x0], $0xffff  }
0x14e: {  	v30 =	vld.idx.msk [tilespmem:v29+s12+$0x0], $0xffff  }
0x14f: {  	v31 =	vor.u32 v5, v13  }
0x150: {  	v9 =	vadd.s32 v6, v9  }
0x151: {  	v10 =	vadd.s32 v6, v10;
	_ =	sdelay $0x1  }
0x152: {  	v8 =	vsel vm5, v30, v8  }
0x153: {  	[tilespmem:v31+s31+$0x0] =	vst.idx.msk $0xffff, v8  }
0x154: {  	v8 =	vld.idx.msk [tilespmem:v9+s17+$0x0], $0xffff  }
0x155: {  	v32 =	vld.idx.msk [tilespmem:v10+s12+$0x0], $0xffff  }
0x156: {  	v33 =	vor.u32 v7, v13;
	_ =	sdelay $0x3  }
0x157: {  	v8 =	vsel vm5, v32, v8  }
0x158: {  	[tilespmem:v33+s31+$0x0] =	vst.idx.msk $0xffff, v8  }
0x159: {  	v8 =	vld @!p0 [tilespmem:s20+$0x2];
	_ =	sdelay $0x4  }
0x15a: {  	(v2sf) =	vpush @!p0 v8, $0x0;
	_ =	sdelay $0xe  }
0x15b: {  	s6 =	spop @!p0 (v2sf)  }
0x15c: {  	s7 =	sand.u32 @!p0 $0x7F, s6  }
0x15d: {  	p1 =	slt.s32 @!p0 s6, $0x1;
	p2 =	sne.s32 @!p0 s7, $0x0  }
0x15e: {  	s7 =	sshra.s32 @!p0 s6, $0x1F;
	p1 =	por @!p0 !p1, !p2  }
0x15f: {  	s7 =	sshrl.u32 @!p0 s7, $0x19;
	p1 =	por @!p0 !p1, !p1  }
0x160: {  	s6 =	sadd.s32 @!p0 s7, s6;
	s7 =	simm.s32 @!p0 $0x1;
	p1 =	por !p1, p0  }
0x161: {  	s6 =	sshra.s32 @!p0 s6, $0x7;
	s7 =	simm.s32 @p1 $0x0  }
0x162: {  	s6 =	ssub.s32 @!p0 s6, s7  }
0x163: {  	p1 =	slt.s32 @!p0 s6, $0x1E83  }
0x164: {  	p1 =	por !p1, p0  }
0x165: {  	s6 =	simm.s32 @p1 $0x1E83  }
0x166: {  	s6 =	sshll.u32 @!p0 s6, $0xA  }
0x167: {  	s7 =	sshrl.u32 @!p0 s6, $0x3;
	s6 =	sadd.s32 @!p0 $0x1E85000, s6  }
0x168: {  	s24 =	simm.s32 @!p0 $0x4280;
	s7 =	sadd.s32 @!p0 s1, s7;
	s6 =	sshrl.u32 @!p0 s6, $0x3  }
0x169: {  	[tilespmem:s24], [sflag:$0x4] =	stream.strided.gather @!p0 [hbm4b:s7+s4], $0x1000, s5, s4, $0x38;
	[tilespmem:$0x1A280] =	vst v63  }
0x16a: {  	s6 =	sadd.s32 @!p0 s1, s6;
	s7 =	simm.s32 @!p0 $0x5280  }
0x16b: {  	[tilespmem:s7], [sflag:$0x4] =	stream.strided.gather @!p0 [hbm4b:s6+s4], $0x1000, s5, s4, $0x38;
	[tilespmem:$0x1A280] =	vst v63  }
0x16c: {  	_ =	swait.ge [sflag:s8], $0x2000  }
0x16d: {  	[sflag:s8] =	ssyncset.done $0x0  }
0x16e: {  	[sflag:s8] =	ssyncadd.s32 $0xFFFFE000  }
0x16f: {  	v8 =	vld.msk [tilespmem:s20+$0xFFFFFFFB ss:$0x0], $0xffff;
	_ =	sdelay $0x4  }
0x170: {  	v34 =	vshra.s32 v8, $0x1F  }
0x171: {  	v9 =	vshrl.u32 v34, $0x19  }
0x172: {  	v35 =	vadd.s32 $0xFFF0BE00, v8;
	v9 =	vadd.s32 v9, v8  }
0x173: {  	vm6 =	vgt.s32 v35, $0x0;
	v9 =	vshrl.u32 v9, $0x7  }
0x174: {  	v10 =	vnsel vm6, $0x0, v35;
	v9 =	vshll.u32 v9, $0x7  }
0x175: {  	v37 =	vadd.s32 v0, v10;
	v9 =	vsub.s32 v8, v9  }
0x176: {  	v36 =	vadd.s32 v0, v9  }
0x177: {  	s7 =	sadd.s32 $0xFFFFFFFC, s22  }
0x178: {  	v38 =	vmov s7  }
0x179: {  	v39 =	vshll.u32 v38, $0x3  }
0x17a: {  	v13 =	vand.u32 $0x7B, v38;
	v14 =	vand.u32 $0xC00, v39;
	v12 =	vld.idx.msk [tilespmem:v37+s12+$0x0], $0xffff  }
0x17b: {  	v13 =	vor.u32 v13, v14;
	v11 =	vld.idx.msk [tilespmem:v36+s19+$0x0], $0xffff  }
0x17c: {  	v14 =	vor.u32 v1, v13  }
0x17d: {  	v40 =	vadd.s32 v2, v9  }
0x17e: {  	v41 =	vadd.s32 v2, v10  }
0x17f: {  	vm7 =	vgt.s32 v8, $0xF41FF  }
0x180: {  	v8 =	vsel vm7, v12, v11  }
0x181: {  	[tilespmem:v14+s31+$0x0] =	vst.idx.msk $0xffff, v8  }
0x182: {  	v8 =	vld.idx.msk [tilespmem:v40+s19+$0x0], $0xffff  }
0x183: {  	v42 =	vld.idx.msk [tilespmem:v41+s12+$0x0], $0xffff  }
0x184: {  	v43 =	vor.u32 v3, v13  }
0x185: {  	v44 =	vadd.s32 v4, v9  }
0x186: {  	v45 =	vadd.s32 v4, v10;
	_ =	sdelay $0x1  }
0x187: {  	v8 =	vsel vm7, v42, v8  }
0x188: {  	[tilespmem:v43+s31+$0x0] =	vst.idx.msk $0xffff, v8  }
0x189: {  	v8 =	vld.idx.msk [tilespmem:v44+s19+$0x0], $0xffff  }
0x18a: {  	v46 =	vld.idx.msk [tilespmem:v45+s12+$0x0], $0xffff  }
0x18b: {  	v47 =	vor.u32 v5, v13  }
0x18c: {  	v9 =	vadd.s32 v6, v9  }
0x18d: {  	v10 =	vadd.s32 v6, v10;
	_ =	sdelay $0x1  }
0x18e: {  	v8 =	vsel vm7, v46, v8  }
0x18f: {  	[tilespmem:v47+s31+$0x0] =	vst.idx.msk $0xffff, v8  }
0x190: {  	v8 =	vld.idx.msk [tilespmem:v9+s19+$0x0], $0xffff  }
0x191: {  	v48 =	vld.idx.msk [tilespmem:v10+s12+$0x0], $0xffff  }
0x192: {  	v49 =	vor.u32 v7, v13;
	_ =	sdelay $0x3  }
0x193: {  	v8 =	vsel vm7, v48, v8  }
0x194: {  	[tilespmem:v49+s31+$0x0] =	vst.idx.msk $0xffff, v8  }
0x195: {  	v8 =	vld @!p0 [tilespmem:s20+$0x3];
	_ =	sdelay $0x4  }
0x196: {  	(v2sf) =	vpush @!p0 v8, $0x0;
	_ =	sdelay $0xe  }
0x197: {  	s6 =	spop @!p0 (v2sf)  }
0x198: {  	s7 =	sand.u32 @!p0 $0x7F, s6  }
0x199: {  	p1 =	slt.s32 @!p0 s6, $0x1;
	p2 =	sne.s32 @!p0 s7, $0x0  }
0x19a: {  	s7 =	sshra.s32 @!p0 s6, $0x1F;
	p1 =	por @!p0 !p1, !p2  }
0x19b: {  	s7 =	sshrl.u32 @!p0 s7, $0x19;
	p1 =	por @!p0 !p1, !p1  }
0x19c: {  	s6 =	sadd.s32 @!p0 s7, s6;
	s7 =	simm.s32 @!p0 $0x1;
	p1 =	por !p1, p0  }
0x19d: {  	s6 =	sshra.s32 @!p0 s6, $0x7;
	s7 =	simm.s32 @p1 $0x0  }
0x19e: {  	s6 =	ssub.s32 @!p0 s6, s7  }
0x19f: {  	p1 =	slt.s32 @!p0 s6, $0x1E83  }
0x1a0: {  	p1 =	por !p1, p0  }
0x1a1: {  	s6 =	simm.s32 @p1 $0x1E83  }
0x1a2: {  	s6 =	sshll.u32 @!p0 s6, $0xA  }
0x1a3: {  	s7 =	sshrl.u32 @!p0 s6, $0x3;
	s6 =	sadd.s32 @!p0 $0x1E85000, s6  }
0x1a4: {  	s24 =	simm.s32 @!p0 $0x6280;
	s7 =	sadd.s32 @!p0 s1, s7;
	s6 =	sshrl.u32 @!p0 s6, $0x3  }
0x1a5: {  	[tilespmem:s24], [sflag:$0x5] =	stream.strided.gather @!p0 [hbm4b:s7+s4], $0x1000, s5, s4, $0x38;
	[tilespmem:$0x1A280] =	vst v63  }
0x1a6: {  	s6 =	sadd.s32 @!p0 s1, s6;
	s7 =	simm.s32 @!p0 $0x7280  }
0x1a7: {  	[tilespmem:s7], [sflag:$0x5] =	stream.strided.gather @!p0 [hbm4b:s6+s4], $0x1000, s5, s4, $0x38;
	[tilespmem:$0x1A280] =	vst v63  }
0x1a8: {  	_ =	swait.ge [sflag:s3], $0x2000  }
0x1a9: {  	[sflag:s3] =	ssyncset.done $0x0  }
0x1aa: {  	[sflag:s3] =	ssyncadd.s32 $0xFFFFE000  }
0x1ab: {  	v8 =	vld.msk [tilespmem:s20+$0xFFFFFFFC ss:$0x0], $0xffff;
	_ =	sdelay $0x4  }
0x1ac: {  	v50 =	vshra.s32 v8, $0x1F  }
0x1ad: {  	v9 =	vshrl.u32 v50, $0x19  }
0x1ae: {  	v51 =	vadd.s32 $0xFFF0BE00, v8;
	v9 =	vadd.s32 v9, v8  }
0x1af: {  	vm8 =	vgt.s32 v51, $0x0;
	v9 =	vshrl.u32 v9, $0x7  }
0x1b0: {  	v10 =	vnsel vm8, $0x0, v51;
	v9 =	vshll.u32 v9, $0x7  }
0x1b1: {  	v53 =	vadd.s32 v0, v10;
	v9 =	vsub.s32 v8, v9  }
0x1b2: {  	v52 =	vadd.s32 v0, v9  }
0x1b3: {  	s24 =	sadd.s32 $0xFFFFFFFD, s22  }
0x1b4: {  	v54 =	vmov s24  }
0x1b5: {  	v55 =	vshll.u32 v54, $0x3  }
0x1b6: {  	v13 =	vand.u32 $0x7C, v54;
	v14 =	vand.u32 $0xC00, v55;
	v12 =	vld.idx.msk [tilespmem:v53+s12+$0x0], $0xffff  }
0x1b7: {  	v13 =	vor.u32 v13, v14;
	v11 =	vld.idx.msk [tilespmem:v52+s21+$0x0], $0xffff  }
0x1b8: {  	v14 =	vor.u32 v1, v13  }
0x1b9: {  	v56 =	vadd.s32 v2, v9  }
0x1ba: {  	v57 =	vadd.s32 v2, v10  }
0x1bb: {  	vm9 =	vgt.s32 v8, $0xF41FF  }
0x1bc: {  	v8 =	vsel vm9, v12, v11  }
0x1bd: {  	[tilespmem:v14+s31+$0x0] =	vst.idx.msk $0xffff, v8  }
0x1be: {  	v8 =	vld.idx.msk [tilespmem:v56+s21+$0x0], $0xffff  }
0x1bf: {  	v58 =	vld.idx.msk [tilespmem:v57+s12+$0x0], $0xffff  }
0x1c0: {  	v59 =	vor.u32 v3, v13  }
0x1c1: {  	v60 =	vadd.s32 v4, v9  }
0x1c2: {  	v61 =	vadd.s32 v4, v10;
	_ =	sdelay $0x1  }
0x1c3: {  	v8 =	vsel vm9, v58, v8  }
0x1c4: {  	[tilespmem:v59+s31+$0x0] =	vst.idx.msk $0xffff, v8  }
0x1c5: {  	v8 =	vld.idx.msk [tilespmem:v60+s21+$0x0], $0xffff  }
0x1c6: {  	v62 =	vld.idx.msk [tilespmem:v61+s12+$0x0], $0xffff  }
0x1c7: {  	v63 =	vor.u32 v5, v13  }
0x1c8: {  	v9 =	vadd.s32 v6, v9  }
0x1c9: {  	v10 =	vadd.s32 v6, v10;
	_ =	sdelay $0x1  }
0x1ca: {  	v8 =	vsel vm9, v62, v8  }
0x1cb: {  	[tilespmem:v63+s31+$0x0] =	vst.idx.msk $0xffff, v8  }
0x1cc: {  	v8 =	vld.idx.msk [tilespmem:v9+s21+$0x0], $0xffff  }
0x1cd: {  	v14 =	vld.idx.msk [tilespmem:v10+s12+$0x0], $0xffff  }
0x1ce: {  	v15 =	vor.u32 v7, v13;
	_ =	sdelay $0x3  }
0x1cf: {  	v8 =	vsel vm9, v14, v8  }
0x1d0: {  	[tilespmem:v15+s31+$0x0] =	vst.idx.msk $0xffff, v8  }
0x1d1: {  	v8 =	vld @!p0 [tilespmem:s20+$0x4];
	_ =	sdelay $0x4  }
0x1d2: {  	(v2sf) =	vpush @!p0 v8, $0x0;
	_ =	sdelay $0xe  }
0x1d3: {  	s6 =	spop @!p0 (v2sf)  }
0x1d4: {  	s7 =	sand.u32 @!p0 $0x7F, s6  }
0x1d5: {  	p1 =	slt.s32 @!p0 s6, $0x1;
	p2 =	sne.s32 @!p0 s7, $0x0  }
0x1d6: {  	s7 =	sshra.s32 @!p0 s6, $0x1F;
	p1 =	por @!p0 !p1, !p2  }
0x1d7: {  	s7 =	sshrl.u32 @!p0 s7, $0x19;
	p1 =	por @!p0 !p1, !p1  }
0x1d8: {  	s6 =	sadd.s32 @!p0 s7, s6;
	s7 =	simm.s32 @!p0 $0x1;
	p1 =	por !p1, p0  }
0x1d9: {  	s6 =	sshra.s32 @!p0 s6, $0x7;
	s7 =	simm.s32 @p1 $0x0  }
0x1da: {  	s6 =	ssub.s32 @!p0 s6, s7  }
0x1db: {  	p1 =	slt.s32 @!p0 s6, $0x1E83  }
0x1dc: {  	p1 =	por !p1, p0  }
0x1dd: {  	s6 =	simm.s32 @p1 $0x1E83  }
0x1de: {  	s6 =	sshll.u32 @!p0 s6, $0xA  }
0x1df: {  	s7 =	sshrl.u32 @!p0 s6, $0x3;
	s6 =	sadd.s32 @!p0 $0x1E85000, s6  }
0x1e0: {  	s24 =	simm.s32 @!p0 $0x8280;
	s7 =	sadd.s32 @!p0 s1, s7;
	s6 =	sshrl.u32 @!p0 s6, $0x3  }
0x1e1: {  	[tilespmem:s24], [sflag:$0x6] =	stream.strided.gather @!p0 [hbm4b:s7+s4], $0x1000, s5, s4, $0x38;
	[tilespmem:$0x1A280] =	vst v63  }
0x1e2: {  	s6 =	sadd.s32 @!p0 s1, s6;
	s7 =	simm.s32 @!p0 $0x9280  }
0x1e3: {  	[tilespmem:s7], [sflag:$0x6] =	stream.strided.gather @!p0 [hbm4b:s6+s4], $0x1000, s5, s4, $0x38;
	[tilespmem:$0x1A280] =	vst v63  }
0x1e4: {  	_ =	swait.ge [sflag:s14], $0x2000  }
0x1e5: {  	[sflag:s14] =	ssyncset.done $0x0  }
0x1e6: {  	[sflag:s14] =	ssyncadd.s32 $0xFFFFE000  }
0x1e7: {  	v8 =	vld.msk [tilespmem:s20+$0xFFFFFFFD ss:$0x0], $0xffff;
	_ =	sdelay $0x4  }
0x1e8: {  	v16 =	vshra.s32 v8, $0x1F  }
0x1e9: {  	v9 =	vshrl.u32 v16, $0x19  }
0x1ea: {  	v17 =	vadd.s32 $0xFFF0BE00, v8;
	v9 =	vadd.s32 v9, v8  }
0x1eb: {  	vm10 =	vgt.s32 v17, $0x0;
	v9 =	vshrl.u32 v9, $0x7  }
0x1ec: {  	v10 =	vnsel vm10, $0x0, v17;
	v9 =	vshll.u32 v9, $0x7  }
0x1ed: {  	v19 =	vadd.s32 v0, v10;
	v9 =	vsub.s32 v8, v9  }
0x1ee: {  	v18 =	vadd.s32 v0, v9  }
0x1ef: {  	s7 =	sadd.s32 $0xFFFFFFFE, s22  }
0x1f0: {  	v20 =	vmov s7  }
0x1f1: {  	v21 =	vshll.u32 v20, $0x3  }
0x1f2: {  	v13 =	vand.u32 $0x7D, v20;
	v14 =	vand.u32 $0xC00, v21;
	v12 =	vld.idx.msk [tilespmem:v19+s12+$0x0], $0xffff  }
0x1f3: {  	v13 =	vor.u32 v13, v14;
	v11 =	vld.idx.msk [tilespmem:v18+s23+$0x0], $0xffff  }
0x1f4: {  	v14 =	vor.u32 v1, v13  }
0x1f5: {  	v22 =	vadd.s32 v2, v9  }
0x1f6: {  	v23 =	vadd.s32 v2, v10  }
0x1f7: {  	vm11 =	vgt.s32 v8, $0xF41FF  }
0x1f8: {  	v8 =	vsel vm11, v12, v11  }
0x1f9: {  	[tilespmem:v14+s31+$0x0] =	vst.idx.msk $0xffff, v8  }
0x1fa: {  	v8 =	vld.idx.msk [tilespmem:v22+s23+$0x0], $0xffff  }
0x1fb: {  	v24 =	vld.idx.msk [tilespmem:v23+s12+$0x0], $0xffff  }
0x1fc: {  	v25 =	vor.u32 v3, v13  }
0x1fd: {  	v26 =	vadd.s32 v4, v9  }
0x1fe: {  	v27 =	vadd.s32 v4, v10;
	_ =	sdelay $0x1  }
0x1ff: {  	v8 =	vsel vm11, v24, v8  }
0x200: {  	[tilespmem:v25+s31+$0x0] =	vst.idx.msk $0xffff, v8  }
0x201: {  	v8 =	vld.idx.msk [tilespmem:v26+s23+$0x0], $0xffff  }
0x202: {  	v28 =	vld.idx.msk [tilespmem:v27+s12+$0x0], $0xffff  }
0x203: {  	v29 =	vor.u32 v5, v13  }
0x204: {  	v9 =	vadd.s32 v6, v9  }
0x205: {  	v10 =	vadd.s32 v6, v10;
	_ =	sdelay $0x1  }
0x206: {  	v8 =	vsel vm11, v28, v8  }
0x207: {  	[tilespmem:v29+s31+$0x0] =	vst.idx.msk $0xffff, v8  }
0x208: {  	v8 =	vld.idx.msk [tilespmem:v9+s23+$0x0], $0xffff  }
0x209: {  	v30 =	vld.idx.msk [tilespmem:v10+s12+$0x0], $0xffff  }
0x20a: {  	v31 =	vor.u32 v7, v13;
	_ =	sdelay $0x3  }
0x20b: {  	v8 =	vsel vm11, v30, v8  }
0x20c: {  	[tilespmem:v31+s31+$0x0] =	vst.idx.msk $0xffff, v8  }
0x20d: {  	v8 =	vld @!p0 [tilespmem:s20+$0x5];
	_ =	sdelay $0x4  }
0x20e: {  	(v2sf) =	vpush @!p0 v8, $0x0;
	_ =	sdelay $0xe  }
0x20f: {  	s6 =	spop @!p0 (v2sf)  }
0x210: {  	s7 =	sand.u32 @!p0 $0x7F, s6  }
0x211: {  	p1 =	slt.s32 @!p0 s6, $0x1;
	p2 =	sne.s32 @!p0 s7, $0x0  }
0x212: {  	s7 =	sshra.s32 @!p0 s6, $0x1F;
	p1 =	por @!p0 !p1, !p2  }
0x213: {  	s7 =	sshrl.u32 @!p0 s7, $0x19;
	p1 =	por @!p0 !p1, !p1  }
0x214: {  	s6 =	sadd.s32 @!p0 s7, s6;
	s7 =	simm.s32 @!p0 $0x1;
	p1 =	por !p1, p0  }
0x215: {  	s6 =	sshra.s32 @!p0 s6, $0x7;
	s7 =	simm.s32 @p1 $0x0  }
0x216: {  	s6 =	ssub.s32 @!p0 s6, s7  }
0x217: {  	p1 =	slt.s32 @!p0 s6, $0x1E83  }
0x218: {  	p1 =	por !p1, p0  }
0x219: {  	s6 =	simm.s32 @p1 $0x1E83  }
0x21a: {  	s6 =	sshll.u32 @!p0 s6, $0xA  }
0x21b: {  	s7 =	sshrl.u32 @!p0 s6, $0x3;
	s6 =	sadd.s32 @!p0 $0x1E85000, s6  }
0x21c: {  	s24 =	simm.s32 @!p0 $0xA280;
	s7 =	sadd.s32 @!p0 s1, s7;
	s6 =	sshrl.u32 @!p0 s6, $0x3  }
0x21d: {  	[tilespmem:s24], [sflag:$0x7] =	stream.strided.gather @!p0 [hbm4b:s7+s4], $0x1000, s5, s4, $0x38;
	[tilespmem:$0x1A280] =	vst v63  }
0x21e: {  	s6 =	sadd.s32 @!p0 s1, s6;
	s7 =	simm.s32 @!p0 $0xB280  }
0x21f: {  	[tilespmem:s7], [sflag:$0x7] =	stream.strided.gather @!p0 [hbm4b:s6+s4], $0x1000, s5, s4, $0x38;
	[tilespmem:$0x1A280] =	vst v63  }
0x220: {  	_ =	swait.ge [sflag:s16], $0x2000  }
0x221: {  	[sflag:s16] =	ssyncset.done $0x0  }
0x222: {  	[sflag:s16] =	ssyncadd.s32 $0xFFFFE000  }
0x223: {  	v8 =	vld.msk [tilespmem:s20+$0xFFFFFFFE ss:$0x0], $0xffff;
	_ =	sdelay $0x4  }
0x224: {  	v32 =	vshra.s32 v8, $0x1F  }
0x225: {  	v9 =	vshrl.u32 v32, $0x19  }
0x226: {  	v33 =	vadd.s32 $0xFFF0BE00, v8;
	v9 =	vadd.s32 v9, v8  }
0x227: {  	vm12 =	vgt.s32 v33, $0x0;
	v9 =	vshrl.u32 v9, $0x7  }
0x228: {  	v10 =	vnsel vm12, $0x0, v33;
	v9 =	vshll.u32 v9, $0x7  }
0x229: {  	v35 =	vadd.s32 v0, v10;
	v9 =	vsub.s32 v8, v9  }
0x22a: {  	v34 =	vadd.s32 v0, v9  }
0x22b: {  	s24 =	sadd.s32 $0xFFFFFFFF, s22  }
0x22c: {  	v36 =	vmov s24  }
0x22d: {  	v37 =	vshll.u32 v36, $0x3  }
0x22e: {  	v13 =	vand.u32 $0x7E, v36;
	v14 =	vand.u32 $0xC00, v37;
	v12 =	vld.idx.msk [tilespmem:v35+s12+$0x0], $0xffff  }
0x22f: {  	v13 =	vor.u32 v13, v14;
	v11 =	vld.idx.msk [tilespmem:v34+s25+$0x0], $0xffff  }
0x230: {  	v14 =	vor.u32 v1, v13  }
0x231: {  	v38 =	vadd.s32 v2, v9  }
0x232: {  	v39 =	vadd.s32 v2, v10  }
0x233: {  	vm13 =	vgt.s32 v8, $0xF41FF  }
0x234: {  	v8 =	vsel vm13, v12, v11  }
0x235: {  	[tilespmem:v14+s31+$0x0] =	vst.idx.msk $0xffff, v8  }
0x236: {  	v8 =	vld.idx.msk [tilespmem:v38+s25+$0x0], $0xffff  }
0x237: {  	v40 =	vld.idx.msk [tilespmem:v39+s12+$0x0], $0xffff  }
0x238: {  	v41 =	vor.u32 v3, v13  }
0x239: {  	v42 =	vadd.s32 v4, v9  }
0x23a: {  	v43 =	vadd.s32 v4, v10;
	_ =	sdelay $0x1  }
0x23b: {  	v8 =	vsel vm13, v40, v8  }
0x23c: {  	[tilespmem:v41+s31+$0x0] =	vst.idx.msk $0xffff, v8  }
0x23d: {  	v8 =	vld.idx.msk [tilespmem:v42+s25+$0x0], $0xffff  }
0x23e: {  	v44 =	vld.idx.msk [tilespmem:v43+s12+$0x0], $0xffff  }
0x23f: {  	v45 =	vor.u32 v5, v13  }
0x240: {  	v9 =	vadd.s32 v6, v9  }
0x241: {  	v10 =	vadd.s32 v6, v10;
	_ =	sdelay $0x1  }
0x242: {  	v8 =	vsel vm13, v44, v8  }
0x243: {  	[tilespmem:v45+s31+$0x0] =	vst.idx.msk $0xffff, v8  }
0x244: {  	v8 =	vld.idx.msk [tilespmem:v9+s25+$0x0], $0xffff  }
0x245: {  	v46 =	vld.idx.msk [tilespmem:v10+s12+$0x0], $0xffff  }
0x246: {  	v47 =	vor.u32 v7, v13;
	_ =	sdelay $0x3  }
0x247: {  	v8 =	vsel vm13, v46, v8  }
0x248: {  	[tilespmem:v47+s31+$0x0] =	vst.idx.msk $0xffff, v8  }
0x249: {  	v8 =	vld @!p0 [tilespmem:s20+$0x6];
	_ =	sdelay $0x4  }
0x24a: {  	(v2sf) =	vpush @!p0 v8, $0x0;
	_ =	sdelay $0xe  }
0x24b: {  	s6 =	spop @!p0 (v2sf)  }
0x24c: {  	s7 =	sand.u32 @!p0 $0x7F, s6  }
0x24d: {  	p1 =	slt.s32 @!p0 s6, $0x1;
	p2 =	sne.s32 @!p0 s7, $0x0  }
0x24e: {  	s7 =	sshra.s32 @!p0 s6, $0x1F;
	p1 =	por @!p0 !p1, !p2  }
0x24f: {  	s7 =	sshrl.u32 @!p0 s7, $0x19;
	p1 =	por @!p0 !p1, !p1  }
0x250: {  	s24 =	simm.s32 @!p0 $0x1;
	s6 =	sadd.s32 @!p0 s7, s6;
	p1 =	por !p1, p0  }
0x251: {  	s6 =	sshra.s32 @!p0 s6, $0x7;
	s24 =	simm.s32 @p1 $0x0  }
0x252: {  	s6 =	ssub.s32 @!p0 s6, s24  }
0x253: {  	p1 =	slt.s32 @!p0 s6, $0x1E83  }
0x254: {  	p1 =	por !p1, p0  }
0x255: {  	s6 =	simm.s32 @p1 $0x1E83  }
0x256: {  	s6 =	sshll.u32 @!p0 s6, $0xA  }
0x257: {  	s7 =	sshrl.u32 @!p0 s6, $0x3;
	s6 =	sadd.s32 @!p0 $0x1E85000, s6  }
0x258: {  	s24 =	simm.s32 @!p0 $0xC280;
	s7 =	sadd.s32 @!p0 s1, s7;
	s6 =	sshrl.u32 @!p0 s6, $0x3  }
0x259: {  	[tilespmem:s24], [sflag:$0x8] =	stream.strided.gather @!p0 [hbm4b:s7+s4], $0x1000, s5, s4, $0x38;
	[tilespmem:$0x1A280] =	vst v63  }
0x25a: {  	s6 =	sadd.s32 @!p0 s1, s6;
	s7 =	simm.s32 @!p0 $0xD280  }
0x25b: {  	[tilespmem:s7], [sflag:$0x8] =	stream.strided.gather @!p0 [hbm4b:s6+s4], $0x1000, s5, s4, $0x38;
	[tilespmem:$0x1A280] =	vst v63  }
0x25c: {  	_ =	swait.ge [sflag:s18], $0x2000  }
0x25d: {  	[sflag:s18] =	ssyncset.done $0x0  }
0x25e: {  	[sflag:s18] =	ssyncadd.s32 $0xFFFFE000  }
0x25f: {  	v8 =	vld.msk [tilespmem:s20+$0xFFFFFFFF ss:$0x0], $0xffff;
	_ =	sdelay $0x4  }
0x260: {  	v48 =	vshra.s32 v8, $0x1F  }
0x261: {  	v9 =	vshrl.u32 v48, $0x19  }
0x262: {  	v49 =	vadd.s32 $0xFFF0BE00, v8;
	v9 =	vadd.s32 v9, v8  }
0x263: {  	vm14 =	vgt.s32 v49, $0x0;
	v9 =	vshrl.u32 v9, $0x7  }
0x264: {  	v10 =	vnsel vm14, $0x0, v49;
	v9 =	vshll.u32 v9, $0x7  }
0x265: {  	v51 =	vadd.s32 v0, v10;
	v9 =	vsub.s32 v8, v9  }
0x266: {  	v50 =	vadd.s32 v0, v9;
	_ =	sdelay $0x1  }
0x267: {  	v52 =	vmov s22  }
0x268: {  	v53 =	vshll.u32 v52, $0x3  }
0x269: {  	v13 =	vand.u32 $0x7F, v52;
	v14 =	vand.u32 $0xC00, v53;
	v12 =	vld.idx.msk [tilespmem:v51+s12+$0x0], $0xffff  }
0x26a: {  	v13 =	vor.u32 v13, v14;
	v11 =	vld.idx.msk [tilespmem:v50+s28+$0x0], $0xffff  }
0x26b: {  	v14 =	vor.u32 v1, v13  }
0x26c: {  	v54 =	vadd.s32 v2, v9  }
0x26d: {  	v55 =	vadd.s32 v2, v10  }
0x26e: {  	vm15 =	vgt.s32 v8, $0xF41FF  }
0x26f: {  	v8 =	vsel vm15, v12, v11  }
0x270: {  	[tilespmem:v14+s31+$0x0] =	vst.idx.msk $0xffff, v8  }
0x271: {  	v8 =	vld.idx.msk [tilespmem:v54+s28+$0x0], $0xffff  }
0x272: {  	v56 =	vld.idx.msk [tilespmem:v55+s12+$0x0], $0xffff  }
0x273: {  	v57 =	vor.u32 v3, v13  }
0x274: {  	v58 =	vadd.s32 v4, v9  }
0x275: {  	v59 =	vadd.s32 v4, v10;
	_ =	sdelay $0x1  }
0x276: {  	v8 =	vsel vm15, v56, v8  }
0x277: {  	[tilespmem:v57+s31+$0x0] =	vst.idx.msk $0xffff, v8  }
0x278: {  	v8 =	vld.idx.msk [tilespmem:v58+s28+$0x0], $0xffff  }
0x279: {  	v60 =	vld.idx.msk [tilespmem:v59+s12+$0x0], $0xffff  }
0x27a: {  	v61 =	vor.u32 v5, v13  }
0x27b: {  	v9 =	vadd.s32 v6, v9  }
0x27c: {  	v10 =	vadd.s32 v6, v10;
	_ =	sdelay $0x1  }
0x27d: {  	v8 =	vsel vm15, v60, v8  }
0x27e: {  	[tilespmem:v61+s31+$0x0] =	vst.idx.msk $0xffff, v8  }
0x27f: {  	v8 =	vld.idx.msk [tilespmem:v9+s28+$0x0], $0xffff  }
0x280: {  	v62 =	vld.idx.msk [tilespmem:v10+s12+$0x0], $0xffff  }
0x281: {  	v63 =	vor.u32 v7, v13  }
.Ltmp2:
0x282: {  	_ = 	snop;
	(pc) =	sbr.rel @p0 .LBB2_4-.Ltmp2, $3  }
0x283: {  	_ =	sdelay $0x1  }
0x284: {  	v8 =	vsel vm15, v62, v8  }
0x285: {  	[tilespmem:v63+s31+$0x0] =	vst.idx.msk $0xffff, v8  }
0x286: {  	v8 =	vld [tilespmem:s20+$0x7];
	_ =	sdelay $0x4  }
0x287: {  	(v2sf) =	vpush v8, $0x0;
	_ =	sdelay $0xe  }
0x288: {  	s4 =	spop (v2sf)  }
0x289: {  	s5 =	sand.u32 $0x7F, s4  }
0x28a: {  	s7 =	sshra.s32 s4, $0x1F;
	p1 =	slt.s32 s4, $0x1;
	p0 =	sne.s32 s5, $0x0  }
0x28b: {  	s5 =	sshrl.u32 s7, $0x19;
	p0 =	por !p1, !p0  }
0x28c: {  	s4 =	sadd.s32 s5, s4;
	s5 =	simm.s32 $0x1;
	p0 =	por !p0, !p0  }
0x28d: {  	s4 =	sshra.s32 s4, $0x7;
	s5 =	simm.s32 @!p0 $0x0  }
0x28e: {  	s4 =	ssub.s32 s4, s5  }
0x28f: {  	p0 =	slt.s32 s4, $0x1E83  }
0x290: {  	s4 =	simm.s32 @!p0 $0x1E83  }
0x291: {  	s4 =	sshll.u32 s4, $0xA  }
.Ltmp3:
0x292: {  	s24 =	sshrl.u32 s4, $0x3;
	s4 =	sadd.s32 $0x1E85000, s4;
	(pc) =	sbr.rel .LBB2_2-.Ltmp3, $4  }
0x293: {  	s5 =	sadd.s32 s1, s24;
	s4 =	sshrl.u32 s4, $0x3  }
0x294: {  	[tilespmem:s28], [sflag:$0x9] =	stream.strided.gather [hbm4b:s5+s9], $0x1000, s11, s9, $0x38;
	[tilespmem:$0x1A280] =	vst v63  }
0x295: {  	s22 =	sadd.s32 $0x8, s22;
	s20 =	sadd.s32 $0x8, s20;
	s4 =	sadd.s32 s1, s4  }
0x296: {  	[tilespmem:s29], [sflag:$0x9] =	stream.strided.gather [hbm4b:s4+s9], $0x1000, s11, s9, $0x38;
	[tilespmem:$0x1A280] =	vst v63  }
.LBB2_5:
0x297: {  	_ =	sfence.sel $0x180000  }
0x298: {  	[bflag:$0x0] =	sbarrier.arrive $0xFFFF  }
0x299: {  	_ =	strace $0x90000047  }
0x29a: {  	s0 =	stileid.u32;
	[bflag:$0x2] =	sbarrier.arrive $0xFFFF  }
0x29b: {  	p0 =	sne.s32 s0, $0x0;
	s0 =	rddreg [dreg:$0x3]  }
0x29c: {  	s0 =	sadd.s32 @!p0 $0x100000, s0  }
0x29d: {  	[sflag:s0] =	ssyncadd.tile.s32 @!p0 $0x1;
	_ =	shalt  }
.Lfunc_end2:
_tile_overlayer_lowered:
.L_overlay_start_2:
0x29e: {  	(tag) =	ssettag $0x2  }
0x29f: {  	s0 =	rddreg [dreg:$0x0];
	s2 =	stileid.u32  }
0x2a0: {  	s1 =	rddreg [dreg:$0x1];
	p0 =	sne.s32 s2, $0x0  }
0x2a1: {  	s3 =	rddreg [dreg:$0x2];
	[bflag:$0x3] =	sbarrier.arrive $0xFFFF;
	s2 =	simm.s32 @!p0 $0x1C0A  }
0x2a2: {  	[timem:s3], [sflag:s2] =	dma.local @!p0 [hbm:s0], s1  }
0x2a3: {  	s0 =	simm.s32 @!p0 $0xA  }
0x2a4: {  	_ =	swait.ge @!p0 [sflag:s0], s1  }
0x2a5: {  	s1 =	ssub.s32 @!p0 $0x0, s1;
	[sflag:s0] =	ssyncset.done @!p0 $0x0  }
0x2a6: {  	[sflag:s0] =	ssyncadd.s32 @!p0 s1  }
0x2a7: {  	[bflag:$0x3] =	sbarrier.arrive $0xFFFF  }
0x2a8: {  	_ =	shalt  }

</sc_bundles>
